<compile_context>
chip_gen: v7x
topology: tpu7x:2x2x1
jax: 0.10.2.dev20260603
libtpu: 0.0.44.dev20260713+nightly
codegen_flags: <defaults>
</compile_context>

<pallas_src>
import jax
import jax.numpy as jnp
from jax import lax
from jax.experimental import pallas as pl
from jax.experimental.pallas import tpu as pltpu
from jax.experimental.pallas import tpu_sc as plsc

_VOCAB = 100000
_D = 128
_B = 16384
_N = 819200

_NC = 2
_NS = 16


def _make(_VOCAB, _D, _B, _N, _NC, _NS, _K, interpret=False):
  _NW = _NC * _NS
  _BAGS = _B // _NW
  _BLK = _K + 8
  _ROWS = _BAGS + 8
  _OFFV = _BAGS + 16

  def _body(ids_hbm, off_hbm, w_hbm, out_hbm, off_v, ids_v, seg_v, rows_v,
            recip_v, shared, sg0, sg1, ss0, ss1):
      c = lax.axis_index("c")
      s = lax.axis_index("s")
      w = c * _NS + s
      b0 = w * _BAGS
      base = s * _ROWS
      iota = lax.iota(jnp.int32, 16)
      sem_g = (sg0, sg1)
      sem_s = (ss0, ss1)

      pltpu.sync_copy(off_hbm.at[pl.ds(b0, _OFFV)], off_v)

      def _zero(i, carry):
          for d in range(_D // 16):
              rows_v[0, i, pl.ds(d * 16, 16)] = jnp.zeros((16,), jnp.float32)
          return carry
      lax.fori_loop(0, _K, _zero, 0)
      for r in range(_BAGS // _K):
          pltpu.sync_copy(rows_v.at[0], shared.at[pl.ds(base + r * _K, _K)])
      pltpu.sync_copy(rows_v.at[0, pl.ds(0, 8)],
                      shared.at[pl.ds(base + _BAGS, 8)])

      t0 = off_v[pl.ds(0, 16)][0]
      t1 = off_v[pl.ds(_BAGS, 16)][0]
      p0 = (t0 // 8) * 8
      nchunks = (t1 - p0 + _K - 1) // _K

      def _stage_ids(i, u):
          pltpu.sync_copy(ids_hbm.at[pl.ds(p0 + i * _K, _K)], ids_v.at[u])

      def _gather(i, u):
          pltpu.make_async_copy(
              w_hbm.at[ids_v.at[u]], rows_v.at[u], sem_g[u]).start()

      def _wait_gather(i, u):
          pltpu.make_async_copy(
              w_hbm.at[ids_v.at[u]], rows_v.at[u], sem_g[u]).wait()

      def _search(i, u):
          p = p0 + i * _K

          def _seg(j, carry):
              pos = p + j * 16 + iota
              lo = jnp.zeros((16,), jnp.int32)
              hi = jnp.full((16,), _BAGS + 1, jnp.int32)
              for _ in range(10):
                  mid = (lo + hi) // 2
                  val = plsc.load_gather(off_v, [mid])
                  le = val <= pos
                  lo = jnp.where(le, mid + 1, lo)
                  hi = jnp.where(le, hi, mid)
              lid = jnp.where(lo == 0, _BAGS, lo - 1)
              seg_v[u, pl.ds(j * 16, 16)] = base + lid
              return carry
          lax.fori_loop(0, _K // 16, _seg, 0)

      def _scatter(u, start):
          cp = pltpu.make_async_copy(
              rows_v.at[u], shared.at[seg_v.at[u]], sem_s[u])
          if start:
              cp.start(add=True)
          else:
              cp.wait()

      @pl.when(nchunks > 0)
      def _():
          _stage_ids(0, 0)
          _gather(0, 0)

      def _ring(it, carry):
          for u in range(2):
              i = it * 2 + u

              @pl.when(i < nchunks)
              def _():
                  @pl.when(i + 1 < nchunks)
                  def _():
                      _stage_ids(i + 1, 1 - u)


                  _wait_gather(i, u)

                  @pl.when(i + 1 < nchunks)
                  def _():
                      _gather(i + 1, 1 - u)

                  _search(i, u)
          return carry
      lax.fori_loop(0, (nchunks + 1) // 2, _ring, 0)



      def _recip(j, carry):
          lo_v = off_v[pl.ds(j * 16, 16)]
          hi_v = off_v[pl.ds(j * 16 + 1, 16)]
          cnt = (hi_v - lo_v).astype(jnp.float32)
          recip_v[pl.ds(j * 16, 16)] = 1.0 / jnp.maximum(cnt, 1.0)
          return carry
      lax.fori_loop(0, _BAGS // 16, _recip, 0)

      for r in range(_BAGS // _K):
          pltpu.sync_copy(shared.at[pl.ds(base + r * _K, _K)], rows_v.at[0])

          def _div(lb, carry):
              splat = plsc.load_gather(
                  recip_v, [jnp.zeros((16,), jnp.int32) + (lb + r * _K)])
              for d in range(_D // 16):
                  rows_v[0, lb, pl.ds(d * 16, 16)] = (
                      rows_v[0, lb, pl.ds(d * 16, 16)] * splat)
              return carry
          lax.fori_loop(0, _K, _div, 0)
          pltpu.sync_copy(rows_v.at[0], out_hbm.at[pl.ds(b0 + r * _K, _K)])


  _mesh = plsc.VectorSubcoreMesh(core_axis_name="c", subcore_axis_name="s",
                                 num_cores=_NC, num_subcores=_NS)

  _embed_bag = pl.kernel(
      _body,
      out_type=jax.ShapeDtypeStruct((_B, _D), jnp.float32),
      mesh=_mesh,
      scratch_types=[
          pltpu.VMEM((_OFFV,), jnp.int32),
          pltpu.VMEM((2, _K), jnp.int32),
          pltpu.VMEM((2, _K), jnp.int32),
          pltpu.VMEM((2, _K, _D), jnp.float32),
          pltpu.VMEM((_BAGS,), jnp.float32),
          pltpu.VMEM_SHARED((_NS * _ROWS, _D), jnp.float32),
          pltpu.SemaphoreType.DMA,
          pltpu.SemaphoreType.DMA,
          pltpu.SemaphoreType.DMA,
          pltpu.SemaphoreType.DMA,
      ],
      compiler_params=pltpu.CompilerParams(needs_layout_passes=False),
      interpret=interpret,
  )
  return _embed_bag


_embed_bag_full = _make(_VOCAB, _D, _B, _N, _NC, _NS, 128)


@jax.jit
def kernel(input_ids, offsets, weight):
    ids = input_ids.astype(jnp.int32)
    off = offsets.astype(jnp.int32)
    pad_ids = (jnp.arange(136, dtype=jnp.int32) * 193) % _VOCAB
    ids_p = jnp.concatenate([ids, pad_ids])
    off_p = jnp.concatenate([off, jnp.full((16,), _N, jnp.int32)])
    return _embed_bag_full(ids_p, off_p, weight)

# --- scband reference (transcript-rebuilt; emitter-appended) ---
"""Pipeline reference for scband-static-embedding-66211215835186 (READ-ONLY COPY).

The authoritative reference and input builder live on the scoring server;
editing this copy changes nothing except your own understanding.
"""

import jax, jax.numpy as jnp
import numpy as np

VOCAB = 100000
EMBED_DIM = 128
BATCH = 16384
TOTAL_TOKENS = 819200


def setup_inputs(seed: int = 0) -> dict:
    key = jax.random.key(seed)
    k_ids, k_off, k_w = jax.random.split(key, 3)
    input_ids = jax.random.randint(k_ids, (TOTAL_TOKENS,), 0, VOCAB, dtype=jnp.int64 if jax.config.jax_enable_x64 else jnp.int32)
    offsets = jnp.sort(jax.random.randint(k_off, (BATCH,), 0, TOTAL_TOKENS, dtype=jnp.int64 if jax.config.jax_enable_x64 else jnp.int32))
    offsets = offsets.at[0].set(0)  # EmbeddingBag requires offsets[0] == 0
    weight = jax.random.normal(k_w, (VOCAB, EMBED_DIM), dtype=jnp.float32)
    return {"input_ids": input_ids, "offsets": offsets, "weight": weight}


def reference(input_ids, offsets, weight):
    # Faithful port of nn.EmbeddingBag(mode='mean')(input_ids, offsets):
    # bag i covers input_ids[offsets[i]:offsets[i+1]] (last bag to end),
    # output is the mean of the gathered embeddings; empty bags yield zeros.
    N = input_ids.shape[0]
    B = offsets.shape[0]
    positions = jnp.arange(N)
    seg_ids = jnp.searchsorted(offsets, positions, side='right') - 1
    gathered = jnp.take(weight, input_ids, axis=0)  # [N, D] gather
    sums = jax.ops.segment_sum(gathered, seg_ids, num_segments=B)  # [B, D] scatter-add
    counts = jax.ops.segment_sum(jnp.ones((N,), dtype=weight.dtype), seg_ids, num_segments=B)
    denom = jnp.maximum(counts, 1.0)[:, None]
    sentence_embedding = sums / denom  # mean pooling; empty bags stay 0
    return sentence_embedding

if __name__ == "__main__":
    import jax
    _d = setup_inputs()
    print(jax.jit(kernel)(*tuple(_d.values())))

</pallas_src>

<mosaic_0001>
#map = affine_map<(d0, d1) -> (0)>
#map1 = affine_map<(d0, d1) -> (0, 0)>
module attributes {stable_mosaic.version = 14 : i64} {
  func.func @_body(%arg0: i32, %arg1: i32, %arg2: memref<819336xi32, #tpu.memory_space<hbm>>, %arg3: memref<16400xi32, #tpu.memory_space<hbm>>, %arg4: memref<100000x128xf32, #tpu.memory_space<hbm>>, %arg5: memref<16384x128xf32, #tpu.memory_space<hbm>>, %arg6: memref<528xi32, #tpu.memory_space<vmem>>, %arg7: memref<2x128xi32, #tpu.memory_space<vmem>>, %arg8: memref<2x128xi32, #tpu.memory_space<vmem>>, %arg9: memref<2x128x128xf32, #tpu.memory_space<vmem>>, %arg10: memref<512xf32, #tpu.memory_space<vmem>>, %arg11: memref<8320x128xf32, #tpu.memory_space<vmem_shared>>, %arg12: memref<!tpu.dma_semaphore, #tpu.memory_space<semaphore_mem>>, %arg13: memref<!tpu.dma_semaphore, #tpu.memory_space<semaphore_mem>>, %arg14: memref<!tpu.dma_semaphore, #tpu.memory_space<semaphore_mem>>, %arg15: memref<!tpu.dma_semaphore, #tpu.memory_space<semaphore_mem>>) attributes {dimension_semantics = [#tpu.dimension_semantics<core_parallel>, #tpu.dimension_semantics<subcore_parallel>], iteration_bounds = array<i64: 2, 16>, scalar_prefetch = 0 : i64, scratch_operands = 10 : i64, tpu.core_type = #tpu.core_type<sc_vector_subcore>, window_params = [{transform_indices = #map}, {transform_indices = #map}, {transform_indices = #map1}, {transform_indices = #map1}]} {
    %mul3A = arith.constant 16 : i32
    %mul3A_0 = arith.muli %arg0, %mul3A : i32
    %add3A = arith.addi %mul3A_0, %arg1 : i32
    %mul3A_1 = arith.constant 512 : i32
    %mul3A_2 = arith.muli %add3A, %mul3A_1 : i32
    %mul3A_3 = arith.constant 520 : i32
    %mul3A_4 = arith.muli %arg1, %mul3A_3 : i32
    %iota3A = tpu.iota {dimensions = array<i32: 0>} : vector<16xi32>
    "tpu.region"() ({
      %run_scoped3A_167 = tpu.sem_alloc : memref<!tpu.dma_semaphore, #tpu.memory_space<semaphore_mem>>
      %dma_start3A = tpu.memref_slice %arg3[%mul3A_2] : memref<16400xi32, #tpu.memory_space<hbm>> -> memref<528xi32, #tpu.memory_space<hbm>>
      %dma_start3A_168 = tpu.memref_slice %arg3[%mul3A_2] : memref<16400xi32, #tpu.memory_space<hbm>> -> memref<528xi32, #tpu.memory_space<hbm>>
      tpu.enqueue_dma source(%dma_start3A_168 : memref<528xi32, #tpu.memory_space<hbm>>) target(%arg6 : memref<528xi32, #tpu.memory_space<vmem>>) target_semaphore(%run_scoped3A_167 : memref<!tpu.dma_semaphore, #tpu.memory_space<semaphore_mem>>)
      %dma_wait3A = tpu.memref_slice %arg3[%mul3A_2] : memref<16400xi32, #tpu.memory_space<hbm>> -> memref<528xi32, #tpu.memory_space<hbm>>
      %dma_wait3A_169 = tpu.memref_slice %arg3[%mul3A_2] : memref<16400xi32, #tpu.memory_space<hbm>> -> memref<528xi32, #tpu.memory_space<hbm>>
      tpu.wait_dma2 semaphore(%run_scoped3A_167 : memref<!tpu.dma_semaphore, #tpu.memory_space<semaphore_mem>>) src(%dma_wait3A_169 : memref<528xi32, #tpu.memory_space<hbm>>) dst(%arg6 : memref<528xi32, #tpu.memory_space<vmem>>)
      tpu.yield
    }) : () -> ()
    %scan3A = arith.constant 0 : i32
    %scan3A_5 = arith.constant 0 : i32
    %scan3A_6 = arith.constant 128 : i32
    %scan3A_7 = arith.addi %scan3A_5, %scan3A_6 : i32
    %scan3A_8 = arith.constant 1 : i32
    scf.for %scan3A_167 = %scan3A_5 to %scan3A_7 step %scan3A_8  : i32 {
      %broadcast_in_dim3A = arith.constant 0.000000e+00 : f32
      %broadcast_in_dim3A_168 = vector.broadcast %broadcast_in_dim3A : f32 to vector<16xf32>
      %swap3A = arith.constant 0 : i32
      %swap3A_169 = arith.index_cast %swap3A : i32 to index
      %swap3A_170 = arith.index_cast %scan3A_167 : i32 to index
      %swap3A_171 = arith.constant 0 : index
      %swap3A_172 = tpu.vector_load %arg9[%swap3A_169, %swap3A_170, %swap3A_171] {strides = array<i32>} : memref<2x128x128xf32, #tpu.memory_space<vmem>>, vector<16xf32>,
      tpu.vector_store %arg9[%swap3A_169, %swap3A_170, %swap3A_171], %broadcast_in_dim3A_168 {strides = array<i32>} : memref<2x128x128xf32, #tpu.memory_space<vmem>>, vector<16xf32>,
      %broadcast_in_dim3A_173 = arith.constant 0.000000e+00 : f32
      %broadcast_in_dim3A_174 = vector.broadcast %broadcast_in_dim3A_173 : f32 to vector<16xf32>
      %swap3A_175 = arith.constant 0 : i32
      %swap3A_176 = arith.index_cast %swap3A_175 : i32 to index
      %swap3A_177 = arith.index_cast %scan3A_167 : i32 to index
      %swap3A_178 = arith.constant 16 : index
      %swap3A_179 = tpu.vector_load %arg9[%swap3A_176, %swap3A_177, %swap3A_178] {strides = array<i32>} : memref<2x128x128xf32, #tpu.memory_space<vmem>>, vector<16xf32>,
      tpu.vector_store %arg9[%swap3A_176, %swap3A_177, %swap3A_178], %broadcast_in_dim3A_174 {strides = array<i32>} : memref<2x128x128xf32, #tpu.memory_space<vmem>>, vector<16xf32>,
      %broadcast_in_dim3A_180 = arith.constant 0.000000e+00 : f32
      %broadcast_in_dim3A_181 = vector.broadcast %broadcast_in_dim3A_180 : f32 to vector<16xf32>
      %swap3A_182 = arith.constant 0 : i32
      %swap3A_183 = arith.index_cast %swap3A_182 : i32 to index
      %swap3A_184 = arith.index_cast %scan3A_167 : i32 to index
      %swap3A_185 = arith.constant 32 : index
      %swap3A_186 = tpu.vector_load %arg9[%swap3A_183, %swap3A_184, %swap3A_185] {strides = array<i32>} : memref<2x128x128xf32, #tpu.memory_space<vmem>>, vector<16xf32>,
      tpu.vector_store %arg9[%swap3A_183, %swap3A_184, %swap3A_185], %broadcast_in_dim3A_181 {strides = array<i32>} : memref<2x128x128xf32, #tpu.memory_space<vmem>>, vector<16xf32>,
      %broadcast_in_dim3A_187 = arith.constant 0.000000e+00 : f32
      %broadcast_in_dim3A_188 = vector.broadcast %broadcast_in_dim3A_187 : f32 to vector<16xf32>
      %swap3A_189 = arith.constant 0 : i32
      %swap3A_190 = arith.index_cast %swap3A_189 : i32 to index
      %swap3A_191 = arith.index_cast %scan3A_167 : i32 to index
      %swap3A_192 = arith.constant 48 : index
      %swap3A_193 = tpu.vector_load %arg9[%swap3A_190, %swap3A_191, %swap3A_192] {strides = array<i32>} : memref<2x128x128xf32, #tpu.memory_space<vmem>>, vector<16xf32>,
      tpu.vector_store %arg9[%swap3A_190, %swap3A_191, %swap3A_192], %broadcast_in_dim3A_188 {strides = array<i32>} : memref<2x128x128xf32, #tpu.memory_space<vmem>>, vector<16xf32>,
      %broadcast_in_dim3A_194 = arith.constant 0.000000e+00 : f32
      %broadcast_in_dim3A_195 = vector.broadcast %broadcast_in_dim3A_194 : f32 to vector<16xf32>
      %swap3A_196 = arith.constant 0 : i32
      %swap3A_197 = arith.index_cast %swap3A_196 : i32 to index
      %swap3A_198 = arith.index_cast %scan3A_167 : i32 to index
      %swap3A_199 = arith.constant 64 : index
      %swap3A_200 = tpu.vector_load %arg9[%swap3A_197, %swap3A_198, %swap3A_199] {strides = array<i32>} : memref<2x128x128xf32, #tpu.memory_space<vmem>>, vector<16xf32>,
      tpu.vector_store %arg9[%swap3A_197, %swap3A_198, %swap3A_199], %broadcast_in_dim3A_195 {strides = array<i32>} : memref<2x128x128xf32, #tpu.memory_space<vmem>>, vector<16xf32>,
      %broadcast_in_dim3A_201 = arith.constant 0.000000e+00 : f32
      %broadcast_in_dim3A_202 = vector.broadcast %broadcast_in_dim3A_201 : f32 to vector<16xf32>
      %swap3A_203 = arith.constant 0 : i32
      %swap3A_204 = arith.index_cast %swap3A_203 : i32 to index
      %swap3A_205 = arith.index_cast %scan3A_167 : i32 to index
      %swap3A_206 = arith.constant 80 : index
      %swap3A_207 = tpu.vector_load %arg9[%swap3A_204, %swap3A_205, %swap3A_206] {strides = array<i32>} : memref<2x128x128xf32, #tpu.memory_space<vmem>>, vector<16xf32>,
      tpu.vector_store %arg9[%swap3A_204, %swap3A_205, %swap3A_206], %broadcast_in_dim3A_202 {strides = array<i32>} : memref<2x128x128xf32, #tpu.memory_space<vmem>>, vector<16xf32>,
      %broadcast_in_dim3A_208 = arith.constant 0.000000e+00 : f32
      %broadcast_in_dim3A_209 = vector.broadcast %broadcast_in_dim3A_208 : f32 to vector<16xf32>
      %swap3A_210 = arith.constant 0 : i32
      %swap3A_211 = arith.index_cast %swap3A_210 : i32 to index
      %swap3A_212 = arith.index_cast %scan3A_167 : i32 to index
      %swap3A_213 = arith.constant 96 : index
      %swap3A_214 = tpu.vector_load %arg9[%swap3A_211, %swap3A_212, %swap3A_213] {strides = array<i32>} : memref<2x128x128xf32, #tpu.memory_space<vmem>>, vector<16xf32>,
      tpu.vector_store %arg9[%swap3A_211, %swap3A_212, %swap3A_213], %broadcast_in_dim3A_209 {strides = array<i32>} : memref<2x128x128xf32, #tpu.memory_space<vmem>>, vector<16xf32>,
      %broadcast_in_dim3A_215 = arith.constant 0.000000e+00 : f32
      %broadcast_in_dim3A_216 = vector.broadcast %broadcast_in_dim3A_215 : f32 to vector<16xf32>
      %swap3A_217 = arith.constant 0 : i32
      %swap3A_218 = arith.index_cast %swap3A_217 : i32 to index
      %swap3A_219 = arith.index_cast %scan3A_167 : i32 to index
      %swap3A_220 = arith.constant 112 : index
      %swap3A_221 = tpu.vector_load %arg9[%swap3A_218, %swap3A_219, %swap3A_220] {strides = array<i32>} : memref<2x128x128xf32, #tpu.memory_space<vmem>>, vector<16xf32>,
      tpu.vector_store %arg9[%swap3A_218, %swap3A_219, %swap3A_220], %broadcast_in_dim3A_216 {strides = array<i32>} : memref<2x128x128xf32, #tpu.memory_space<vmem>>, vector<16xf32>,
    }
    %scan3A_9 = arith.constant 128 : i32
    %add3A_10 = arith.constant 0 : i32
    %add3A_11 = arith.addi %mul3A_4, %add3A_10 : i32
    %run_scoped3A = arith.constant 0 : i32
    "tpu.region"() ({
      %run_scoped3A_167 = tpu.sem_alloc : memref<!tpu.dma_semaphore, #tpu.memory_space<semaphore_mem>>
      %dma_start3A = arith.constant 0 : i32
      %dma_start3A_168 = arith.constant 0 : i32
      %dma_start3A_169 = tpu.memref_slice %arg9[%run_scoped3A, %dma_start3A, %dma_start3A_168] : memref<2x128x128xf32, #tpu.memory_space<vmem>> -> memref<1x128x128xf32, #tpu.memory_space<vmem>>
      %dma_start3A_170 = tpu.memref_squeeze %dma_start3A_169 : memref<1x128x128xf32, #tpu.memory_space<vmem>> -> memref<128x128xf32, #tpu.memory_space<vmem>>
      %dma_start3A_171 = arith.constant 0 : i32
      %dma_start3A_172 = tpu.memref_slice %arg11[%add3A_11, %dma_start3A_171] : memref<8320x128xf32, #tpu.memory_space<vmem_shared>> -> memref<128x128xf32, #tpu.memory_space<vmem_shared>>
      %dma_start3A_173 = arith.constant 0 : i32
      %dma_start3A_174 = tpu.memref_slice %arg11[%add3A_11, %dma_start3A_173] : memref<8320x128xf32, #tpu.memory_space<vmem_shared>> -> memref<128x128xf32, #tpu.memory_space<vmem_shared>>
      %dma_start3A_175 = arith.constant 0 : i32
      %dma_start3A_176 = arith.constant 0 : i32
      %dma_start3A_177 = tpu.memref_slice %arg9[%run_scoped3A, %dma_start3A_175, %dma_start3A_176] : memref<2x128x128xf32, #tpu.memory_space<vmem>> -> memref<1x128x128xf32, #tpu.memory_space<vmem>>
      %dma_start3A_178 = tpu.memref_squeeze %dma_start3A_177 : memref<1x128x128xf32, #tpu.memory_space<vmem>> -> memref<128x128xf32, #tpu.memory_space<vmem>>
      tpu.enqueue_dma source(%dma_start3A_178 : memref<128x128xf32, #tpu.memory_space<vmem>>) target(%dma_start3A_174 : memref<128x128xf32, #tpu.memory_space<vmem_shared>>) target_semaphore(%run_scoped3A_167 : memref<!tpu.dma_semaphore, #tpu.memory_space<semaphore_mem>>)
      %dma_wait3A = arith.constant 0 : i32
      %dma_wait3A_179 = arith.constant 0 : i32
      %dma_wait3A_180 = tpu.memref_slice %arg9[%run_scoped3A, %dma_wait3A, %dma_wait3A_179] : memref<2x128x128xf32, #tpu.memory_space<vmem>> -> memref<1x128x128xf32, #tpu.memory_space<vmem>>
      %dma_wait3A_181 = tpu.memref_squeeze %dma_wait3A_180 : memref<1x128x128xf32, #tpu.memory_space<vmem>> -> memref<128x128xf32, #tpu.memory_space<vmem>>
      %dma_wait3A_182 = arith.constant 0 : i32
      %dma_wait3A_183 = tpu.memref_slice %arg11[%add3A_11, %dma_wait3A_182] : memref<8320x128xf32, #tpu.memory_space<vmem_shared>> -> memref<128x128xf32, #tpu.memory_space<vmem_shared>>
      %dma_wait3A_184 = arith.constant 0 : i32
      %dma_wait3A_185 = tpu.memref_slice %arg11[%add3A_11, %dma_wait3A_184] : memref<8320x128xf32, #tpu.memory_space<vmem_shared>> -> memref<128x128xf32, #tpu.memory_space<vmem_shared>>
      %dma_wait3A_186 = arith.constant 0 : i32
      %dma_wait3A_187 = arith.constant 0 : i32
      %dma_wait3A_188 = tpu.memref_slice %arg9[%run_scoped3A, %dma_wait3A_186, %dma_wait3A_187] : memref<2x128x128xf32, #tpu.memory_space<vmem>> -> memref<1x128x128xf32, #tpu.memory_space<vmem>>
      %dma_wait3A_189 = tpu.memref_squeeze %dma_wait3A_188 : memref<1x128x128xf32, #tpu.memory_space<vmem>> -> memref<128x128xf32, #tpu.memory_space<vmem>>
      tpu.wait_dma2 semaphore(%run_scoped3A_167 : memref<!tpu.dma_semaphore, #tpu.memory_space<semaphore_mem>>) src(%dma_wait3A_189 : memref<128x128xf32, #tpu.memory_space<vmem>>) dst(%dma_wait3A_185 : memref<128x128xf32, #tpu.memory_space<vmem_shared>>)
      tpu.yield
    }) : () -> ()
    %add3A_12 = arith.constant 128 : i32
    %add3A_13 = arith.addi %mul3A_4, %add3A_12 : i32
    %run_scoped3A_14 = arith.constant 0 : i32
    "tpu.region"() ({
      %run_scoped3A_167 = tpu.sem_alloc : memref<!tpu.dma_semaphore, #tpu.memory_space<semaphore_mem>>
      %dma_start3A = arith.constant 0 : i32
      %dma_start3A_168 = arith.constant 0 : i32
      %dma_start3A_169 = tpu.memref_slice %arg9[%run_scoped3A_14, %dma_start3A, %dma_start3A_168] : memref<2x128x128xf32, #tpu.memory_space<vmem>> -> memref<1x128x128xf32, #tpu.memory_space<vmem>>
      %dma_start3A_170 = tpu.memref_squeeze %dma_start3A_169 : memref<1x128x128xf32, #tpu.memory_space<vmem>> -> memref<128x128xf32, #tpu.memory_space<vmem>>
      %dma_start3A_171 = arith.constant 0 : i32
      %dma_start3A_172 = tpu.memref_slice %arg11[%add3A_13, %dma_start3A_171] : memref<8320x128xf32, #tpu.memory_space<vmem_shared>> -> memref<128x128xf32, #tpu.memory_space<vmem_shared>>
      %dma_start3A_173 = arith.constant 0 : i32
      %dma_start3A_174 = tpu.memref_slice %arg11[%add3A_13, %dma_start3A_173] : memref<8320x128xf32, #tpu.memory_space<vmem_shared>> -> memref<128x128xf32, #tpu.memory_space<vmem_shared>>
      %dma_start3A_175 = arith.constant 0 : i32
      %dma_start3A_176 = arith.constant 0 : i32
      %dma_start3A_177 = tpu.memref_slice %arg9[%run_scoped3A_14, %dma_start3A_175, %dma_start3A_176] : memref<2x128x128xf32, #tpu.memory_space<vmem>> -> memref<1x128x128xf32, #tpu.memory_space<vmem>>
      %dma_start3A_178 = tpu.memref_squeeze %dma_start3A_177 : memref<1x128x128xf32, #tpu.memory_space<vmem>> -> memref<128x128xf32, #tpu.memory_space<vmem>>
      tpu.enqueue_dma source(%dma_start3A_178 : memref<128x128xf32, #tpu.memory_space<vmem>>) target(%dma_start3A_174 : memref<128x128xf32, #tpu.memory_space<vmem_shared>>) target_semaphore(%run_scoped3A_167 : memref<!tpu.dma_semaphore, #tpu.memory_space<semaphore_mem>>)
      %dma_wait3A = arith.constant 0 : i32
      %dma_wait3A_179 = arith.constant 0 : i32
      %dma_wait3A_180 = tpu.memref_slice %arg9[%run_scoped3A_14, %dma_wait3A, %dma_wait3A_179] : memref<2x128x128xf32, #tpu.memory_space<vmem>> -> memref<1x128x128xf32, #tpu.memory_space<vmem>>
      %dma_wait3A_181 = tpu.memref_squeeze %dma_wait3A_180 : memref<1x128x128xf32, #tpu.memory_space<vmem>> -> memref<128x128xf32, #tpu.memory_space<vmem>>
      %dma_wait3A_182 = arith.constant 0 : i32
      %dma_wait3A_183 = tpu.memref_slice %arg11[%add3A_13, %dma_wait3A_182] : memref<8320x128xf32, #tpu.memory_space<vmem_shared>> -> memref<128x128xf32, #tpu.memory_space<vmem_shared>>
      %dma_wait3A_184 = arith.constant 0 : i32
      %dma_wait3A_185 = tpu.memref_slice %arg11[%add3A_13, %dma_wait3A_184] : memref<8320x128xf32, #tpu.memory_space<vmem_shared>> -> memref<128x128xf32, #tpu.memory_space<vmem_shared>>
      %dma_wait3A_186 = arith.constant 0 : i32
      %dma_wait3A_187 = arith.constant 0 : i32
      %dma_wait3A_188 = tpu.memref_slice %arg9[%run_scoped3A_14, %dma_wait3A_186, %dma_wait3A_187] : memref<2x128x128xf32, #tpu.memory_space<vmem>> -> memref<1x128x128xf32, #tpu.memory_space<vmem>>
      %dma_wait3A_189 = tpu.memref_squeeze %dma_wait3A_188 : memref<1x128x128xf32, #tpu.memory_space<vmem>> -> memref<128x128xf32, #tpu.memory_space<vmem>>
      tpu.wait_dma2 semaphore(%run_scoped3A_167 : memref<!tpu.dma_semaphore, #tpu.memory_space<semaphore_mem>>) src(%dma_wait3A_189 : memref<128x128xf32, #tpu.memory_space<vmem>>) dst(%dma_wait3A_185 : memref<128x128xf32, #tpu.memory_space<vmem_shared>>)
      tpu.yield
    }) : () -> ()
    %add3A_15 = arith.constant 256 : i32
    %add3A_16 = arith.addi %mul3A_4, %add3A_15 : i32
    %run_scoped3A_17 = arith.constant 0 : i32
    "tpu.region"() ({
      %run_scoped3A_167 = tpu.sem_alloc : memref<!tpu.dma_semaphore, #tpu.memory_space<semaphore_mem>>
      %dma_start3A = arith.constant 0 : i32
      %dma_start3A_168 = arith.constant 0 : i32
      %dma_start3A_169 = tpu.memref_slice %arg9[%run_scoped3A_17, %dma_start3A, %dma_start3A_168] : memref<2x128x128xf32, #tpu.memory_space<vmem>> -> memref<1x128x128xf32, #tpu.memory_space<vmem>>
      %dma_start3A_170 = tpu.memref_squeeze %dma_start3A_169 : memref<1x128x128xf32, #tpu.memory_space<vmem>> -> memref<128x128xf32, #tpu.memory_space<vmem>>
      %dma_start3A_171 = arith.constant 0 : i32
      %dma_start3A_172 = tpu.memref_slice %arg11[%add3A_16, %dma_start3A_171] : memref<8320x128xf32, #tpu.memory_space<vmem_shared>> -> memref<128x128xf32, #tpu.memory_space<vmem_shared>>
      %dma_start3A_173 = arith.constant 0 : i32
      %dma_start3A_174 = tpu.memref_slice %arg11[%add3A_16, %dma_start3A_173] : memref<8320x128xf32, #tpu.memory_space<vmem_shared>> -> memref<128x128xf32, #tpu.memory_space<vmem_shared>>
      %dma_start3A_175 = arith.constant 0 : i32
      %dma_start3A_176 = arith.constant 0 : i32
      %dma_start3A_177 = tpu.memref_slice %arg9[%run_scoped3A_17, %dma_start3A_175, %dma_start3A_176] : memref<2x128x128xf32, #tpu.memory_space<vmem>> -> memref<1x128x128xf32, #tpu.memory_space<vmem>>
      %dma_start3A_178 = tpu.memref_squeeze %dma_start3A_177 : memref<1x128x128xf32, #tpu.memory_space<vmem>> -> memref<128x128xf32, #tpu.memory_space<vmem>>
      tpu.enqueue_dma source(%dma_start3A_178 : memref<128x128xf32, #tpu.memory_space<vmem>>) target(%dma_start3A_174 : memref<128x128xf32, #tpu.memory_space<vmem_shared>>) target_semaphore(%run_scoped3A_167 : memref<!tpu.dma_semaphore, #tpu.memory_space<semaphore_mem>>)
      %dma_wait3A = arith.constant 0 : i32
      %dma_wait3A_179 = arith.constant 0 : i32
      %dma_wait3A_180 = tpu.memref_slice %arg9[%run_scoped3A_17, %dma_wait3A, %dma_wait3A_179] : memref<2x128x128xf32, #tpu.memory_space<vmem>> -> memref<1x128x128xf32, #tpu.memory_space<vmem>>
      %dma_wait3A_181 = tpu.memref_squeeze %dma_wait3A_180 : memref<1x128x128xf32, #tpu.memory_space<vmem>> -> memref<128x128xf32, #tpu.memory_space<vmem>>
      %dma_wait3A_182 = arith.constant 0 : i32
      %dma_wait3A_183 = tpu.memref_slice %arg11[%add3A_16, %dma_wait3A_182] : memref<8320x128xf32, #tpu.memory_space<vmem_shared>> -> memref<128x128xf32, #tpu.memory_space<vmem_shared>>
      %dma_wait3A_184 = arith.constant 0 : i32
      %dma_wait3A_185 = tpu.memref_slice %arg11[%add3A_16, %dma_wait3A_184] : memref<8320x128xf32, #tpu.memory_space<vmem_shared>> -> memref<128x128xf32, #tpu.memory_space<vmem_shared>>
      %dma_wait3A_186 = arith.constant 0 : i32
      %dma_wait3A_187 = arith.constant 0 : i32
      %dma_wait3A_188 = tpu.memref_slice %arg9[%run_scoped3A_17, %dma_wait3A_186, %dma_wait3A_187] : memref<2x128x128xf32, #tpu.memory_space<vmem>> -> memref<1x128x128xf32, #tpu.memory_space<vmem>>
      %dma_wait3A_189 = tpu.memref_squeeze %dma_wait3A_188 : memref<1x128x128xf32, #tpu.memory_space<vmem>> -> memref<128x128xf32, #tpu.memory_space<vmem>>
      tpu.wait_dma2 semaphore(%run_scoped3A_167 : memref<!tpu.dma_semaphore, #tpu.memory_space<semaphore_mem>>) src(%dma_wait3A_189 : memref<128x128xf32, #tpu.memory_space<vmem>>) dst(%dma_wait3A_185 : memref<128x128xf32, #tpu.memory_space<vmem_shared>>)
      tpu.yield
    }) : () -> ()
    %add3A_18 = arith.constant 384 : i32
    %add3A_19 = arith.addi %mul3A_4, %add3A_18 : i32
    %run_scoped3A_20 = arith.constant 0 : i32
    "tpu.region"() ({
      %run_scoped3A_167 = tpu.sem_alloc : memref<!tpu.dma_semaphore, #tpu.memory_space<semaphore_mem>>
      %dma_start3A = arith.constant 0 : i32
      %dma_start3A_168 = arith.constant 0 : i32
      %dma_start3A_169 = tpu.memref_slice %arg9[%run_scoped3A_20, %dma_start3A, %dma_start3A_168] : memref<2x128x128xf32, #tpu.memory_space<vmem>> -> memref<1x128x128xf32, #tpu.memory_space<vmem>>
      %dma_start3A_170 = tpu.memref_squeeze %dma_start3A_169 : memref<1x128x128xf32, #tpu.memory_space<vmem>> -> memref<128x128xf32, #tpu.memory_space<vmem>>
      %dma_start3A_171 = arith.constant 0 : i32
      %dma_start3A_172 = tpu.memref_slice %arg11[%add3A_19, %dma_start3A_171] : memref<8320x128xf32, #tpu.memory_space<vmem_shared>> -> memref<128x128xf32, #tpu.memory_space<vmem_shared>>
      %dma_start3A_173 = arith.constant 0 : i32
      %dma_start3A_174 = tpu.memref_slice %arg11[%add3A_19, %dma_start3A_173] : memref<8320x128xf32, #tpu.memory_space<vmem_shared>> -> memref<128x128xf32, #tpu.memory_space<vmem_shared>>
      %dma_start3A_175 = arith.constant 0 : i32
      %dma_start3A_176 = arith.constant 0 : i32
      %dma_start3A_177 = tpu.memref_slice %arg9[%run_scoped3A_20, %dma_start3A_175, %dma_start3A_176] : memref<2x128x128xf32, #tpu.memory_space<vmem>> -> memref<1x128x128xf32, #tpu.memory_space<vmem>>
      %dma_start3A_178 = tpu.memref_squeeze %dma_start3A_177 : memref<1x128x128xf32, #tpu.memory_space<vmem>> -> memref<128x128xf32, #tpu.memory_space<vmem>>
      tpu.enqueue_dma source(%dma_start3A_178 : memref<128x128xf32, #tpu.memory_space<vmem>>) target(%dma_start3A_174 : memref<128x128xf32, #tpu.memory_space<vmem_shared>>) target_semaphore(%run_scoped3A_167 : memref<!tpu.dma_semaphore, #tpu.memory_space<semaphore_mem>>)
      %dma_wait3A = arith.constant 0 : i32
      %dma_wait3A_179 = arith.constant 0 : i32
      %dma_wait3A_180 = tpu.memref_slice %arg9[%run_scoped3A_20, %dma_wait3A, %dma_wait3A_179] : memref<2x128x128xf32, #tpu.memory_space<vmem>> -> memref<1x128x128xf32, #tpu.memory_space<vmem>>
      %dma_wait3A_181 = tpu.memref_squeeze %dma_wait3A_180 : memref<1x128x128xf32, #tpu.memory_space<vmem>> -> memref<128x128xf32, #tpu.memory_space<vmem>>
      %dma_wait3A_182 = arith.constant 0 : i32
      %dma_wait3A_183 = tpu.memref_slice %arg11[%add3A_19, %dma_wait3A_182] : memref<8320x128xf32, #tpu.memory_space<vmem_shared>> -> memref<128x128xf32, #tpu.memory_space<vmem_shared>>
      %dma_wait3A_184 = arith.constant 0 : i32
      %dma_wait3A_185 = tpu.memref_slice %arg11[%add3A_19, %dma_wait3A_184] : memref<8320x128xf32, #tpu.memory_space<vmem_shared>> -> memref<128x128xf32, #tpu.memory_space<vmem_shared>>
      %dma_wait3A_186 = arith.constant 0 : i32
      %dma_wait3A_187 = arith.constant 0 : i32
      %dma_wait3A_188 = tpu.memref_slice %arg9[%run_scoped3A_20, %dma_wait3A_186, %dma_wait3A_187] : memref<2x128x128xf32, #tpu.memory_space<vmem>> -> memref<1x128x128xf32, #tpu.memory_space<vmem>>
      %dma_wait3A_189 = tpu.memref_squeeze %dma_wait3A_188 : memref<1x128x128xf32, #tpu.memory_space<vmem>> -> memref<128x128xf32, #tpu.memory_space<vmem>>
      tpu.wait_dma2 semaphore(%run_scoped3A_167 : memref<!tpu.dma_semaphore, #tpu.memory_space<semaphore_mem>>) src(%dma_wait3A_189 : memref<128x128xf32, #tpu.memory_space<vmem>>) dst(%dma_wait3A_185 : memref<128x128xf32, #tpu.memory_space<vmem_shared>>)
      tpu.yield
    }) : () -> ()
    %add3A_21 = arith.constant 512 : i32
    %add3A_22 = arith.addi %mul3A_4, %add3A_21 : i32
    %run_scoped3A_23 = arith.constant 0 : i32
    "tpu.region"() ({
      %run_scoped3A_167 = tpu.sem_alloc : memref<!tpu.dma_semaphore, #tpu.memory_space<semaphore_mem>>
      %dma_start3A = arith.constant 0 : i32
      %dma_start3A_168 = arith.constant 0 : i32
      %dma_start3A_169 = tpu.memref_slice %arg9[%run_scoped3A_23, %dma_start3A, %dma_start3A_168] : memref<2x128x128xf32, #tpu.memory_space<vmem>> -> memref<1x8x128xf32, #tpu.memory_space<vmem>>
      %dma_start3A_170 = tpu.memref_squeeze %dma_start3A_169 : memref<1x8x128xf32, #tpu.memory_space<vmem>> -> memref<8x128xf32, #tpu.memory_space<vmem>>
      %dma_start3A_171 = arith.constant 0 : i32
      %dma_start3A_172 = tpu.memref_slice %arg11[%add3A_22, %dma_start3A_171] : memref<8320x128xf32, #tpu.memory_space<vmem_shared>> -> memref<8x128xf32, #tpu.memory_space<vmem_shared>>
      %dma_start3A_173 = arith.constant 0 : i32
      %dma_start3A_174 = tpu.memref_slice %arg11[%add3A_22, %dma_start3A_173] : memref<8320x128xf32, #tpu.memory_space<vmem_shared>> -> memref<8x128xf32, #tpu.memory_space<vmem_shared>>
      %dma_start3A_175 = arith.constant 0 : i32
      %dma_start3A_176 = arith.constant 0 : i32
      %dma_start3A_177 = tpu.memref_slice %arg9[%run_scoped3A_23, %dma_start3A_175, %dma_start3A_176] : memref<2x128x128xf32, #tpu.memory_space<vmem>> -> memref<1x8x128xf32, #tpu.memory_space<vmem>>
      %dma_start3A_178 = tpu.memref_squeeze %dma_start3A_177 : memref<1x8x128xf32, #tpu.memory_space<vmem>> -> memref<8x128xf32, #tpu.memory_space<vmem>>
      tpu.enqueue_dma source(%dma_start3A_178 : memref<8x128xf32, #tpu.memory_space<vmem>>) target(%dma_start3A_174 : memref<8x128xf32, #tpu.memory_space<vmem_shared>>) target_semaphore(%run_scoped3A_167 : memref<!tpu.dma_semaphore, #tpu.memory_space<semaphore_mem>>)
      %dma_wait3A = arith.constant 0 : i32
      %dma_wait3A_179 = arith.constant 0 : i32
      %dma_wait3A_180 = tpu.memref_slice %arg9[%run_scoped3A_23, %dma_wait3A, %dma_wait3A_179] : memref<2x128x128xf32, #tpu.memory_space<vmem>> -> memref<1x8x128xf32, #tpu.memory_space<vmem>>
      %dma_wait3A_181 = tpu.memref_squeeze %dma_wait3A_180 : memref<1x8x128xf32, #tpu.memory_space<vmem>> -> memref<8x128xf32, #tpu.memory_space<vmem>>
      %dma_wait3A_182 = arith.constant 0 : i32
      %dma_wait3A_183 = tpu.memref_slice %arg11[%add3A_22, %dma_wait3A_182] : memref<8320x128xf32, #tpu.memory_space<vmem_shared>> -> memref<8x128xf32, #tpu.memory_space<vmem_shared>>
      %dma_wait3A_184 = arith.constant 0 : i32
      %dma_wait3A_185 = tpu.memref_slice %arg11[%add3A_22, %dma_wait3A_184] : memref<8320x128xf32, #tpu.memory_space<vmem_shared>> -> memref<8x128xf32, #tpu.memory_space<vmem_shared>>
      %dma_wait3A_186 = arith.constant 0 : i32
      %dma_wait3A_187 = arith.constant 0 : i32
      %dma_wait3A_188 = tpu.memref_slice %arg9[%run_scoped3A_23, %dma_wait3A_186, %dma_wait3A_187] : memref<2x128x128xf32, #tpu.memory_space<vmem>> -> memref<1x8x128xf32, #tpu.memory_space<vmem>>
      %dma_wait3A_189 = tpu.memref_squeeze %dma_wait3A_188 : memref<1x8x128xf32, #tpu.memory_space<vmem>> -> memref<8x128xf32, #tpu.memory_space<vmem>>
      tpu.wait_dma2 semaphore(%run_scoped3A_167 : memref<!tpu.dma_semaphore, #tpu.memory_space<semaphore_mem>>) src(%dma_wait3A_189 : memref<8x128xf32, #tpu.memory_space<vmem>>) dst(%dma_wait3A_185 : memref<8x128xf32, #tpu.memory_space<vmem_shared>>)
      tpu.yield
    }) : () -> ()
    %get3A = arith.constant 0 : index
    %get3A_24 = tpu.vector_load %arg6[%get3A] {strides = array<i32>} : memref<528xi32, #tpu.memory_space<vmem>>, vector<16xi32>,
    %slice3A = vector.extract_strided_slice %get3A_24 {offsets = [0], sizes = [1], strides = [1]} : vector<16xi32> to vector<1xi32>
    %squeeze3A = vector.extract %slice3A[0] : i32 from vector<1xi32>
    %get3A_25 = arith.constant 512 : index
    %get3A_26 = tpu.vector_load %arg6[%get3A_25] {strides = array<i32>} : memref<528xi32, #tpu.memory_space<vmem>>, vector<16xi32>,
    %slice3A_27 = vector.extract_strided_slice %get3A_26 {offsets = [0], sizes = [1], strides = [1]} : vector<16xi32> to vector<1xi32>
    %squeeze3A_28 = vector.extract %slice3A_27[0] : i32 from vector<1xi32>
    %jit3A = arith.constant 8 : i32
    %div3A = arith.divsi %squeeze3A, %jit3A : i32
    %sign3A = arith.constant 0 : i32
    %sign3A_29 = arith.cmpi sgt, %squeeze3A, %sign3A : i32
    %sign3A_30 = arith.extui %sign3A_29 : i1 to i32
    %sign3A_31 = arith.constant 0 : i32
    %sign3A_32 = arith.cmpi slt, %squeeze3A, %sign3A_31 : i32
    %sign3A_33 = arith.extui %sign3A_32 : i1 to i32
    %sign3A_34 = arith.subi %sign3A_30, %sign3A_33 : i32
    %sign3A_35 = arith.constant 0 : i32
    %sign3A_36 = arith.cmpi sgt, %jit3A, %sign3A_35 : i32
    %sign3A_37 = arith.extui %sign3A_36 : i1 to i32
    %sign3A_38 = arith.constant 0 : i32
    %sign3A_39 = arith.cmpi slt, %jit3A, %sign3A_38 : i32
    %sign3A_40 = arith.extui %sign3A_39 : i1 to i32
    %sign3A_41 = arith.subi %sign3A_37, %sign3A_40 : i32
    %ne3A = arith.cmpi ne, %sign3A_34, %sign3A_41 : i32
    %rem3A = arith.remsi %squeeze3A, %jit3A : i32
    %ne3A_42 = arith.constant 0 : i32
    %ne3A_43 = arith.cmpi ne, %rem3A, %ne3A_42 : i32
    %and3A = arith.andi %ne3A, %ne3A_43 : i1
    %sub3A = arith.constant 1 : i32
    %sub3A_44 = arith.subi %div3A, %sub3A : i32
    %select_n3A = arith.select %and3A, %sub3A_44, %div3A : i32
    %mul3A_45 = arith.constant 8 : i32
    %mul3A_46 = arith.muli %select_n3A, %mul3A_45 : i32
    %sub3A_47 = arith.subi %squeeze3A_28, %mul3A_46 : i32
    %add3A_48 = arith.constant 128 : i32
    %add3A_49 = arith.addi %sub3A_47, %add3A_48 : i32
    %sub3A_50 = arith.constant 1 : i32
    %sub3A_51 = arith.subi %add3A_49, %sub3A_50 : i32
    %jit3A_52 = arith.constant 128 : i32
    %div3A_53 = arith.divsi %sub3A_51, %jit3A_52 : i32
    %sign3A_54 = arith.constant 0 : i32
    %sign3A_55 = arith.cmpi sgt, %sub3A_51, %sign3A_54 : i32
    %sign3A_56 = arith.extui %sign3A_55 : i1 to i32
    %sign3A_57 = arith.constant 0 : i32
    %sign3A_58 = arith.cmpi slt, %sub3A_51, %sign3A_57 : i32
    %sign3A_59 = arith.extui %sign3A_58 : i1 to i32
    %sign3A_60 = arith.subi %sign3A_56, %sign3A_59 : i32
    %sign3A_61 = arith.constant 0 : i32
    %sign3A_62 = arith.cmpi sgt, %jit3A_52, %sign3A_61 : i32
    %sign3A_63 = arith.extui %sign3A_62 : i1 to i32
    %sign3A_64 = arith.constant 0 : i32
    %sign3A_65 = arith.cmpi slt, %jit3A_52, %sign3A_64 : i32
    %sign3A_66 = arith.extui %sign3A_65 : i1 to i32
    %sign3A_67 = arith.subi %sign3A_63, %sign3A_66 : i32
    %ne3A_68 = arith.cmpi ne, %sign3A_60, %sign3A_67 : i32
    %rem3A_69 = arith.remsi %sub3A_51, %jit3A_52 : i32
    %ne3A_70 = arith.constant 0 : i32
    %ne3A_71 = arith.cmpi ne, %rem3A_69, %ne3A_70 : i32
    %and3A_72 = arith.andi %ne3A_68, %ne3A_71 : i1
    %sub3A_73 = arith.constant 1 : i32
    %sub3A_74 = arith.subi %div3A_53, %sub3A_73 : i32
    %select_n3A_75 = arith.select %and3A_72, %sub3A_74, %div3A_53 : i32
    %gt3A = arith.constant 0 : i32
    %gt3A_76 = arith.cmpi sgt, %select_n3A_75, %gt3A : i32
    %convert_element_type3A = arith.extui %gt3A_76 : i1 to i32
    %cond3A = arith.constant 0 : i32
    %cond3A_77 = arith.cmpi ne, %convert_element_type3A, %cond3A : i32
    scf.if %cond3A_77 {
      %add3A_167 = arith.constant 0 : i32
      %add3A_168 = arith.addi %mul3A_46, %add3A_167 : i32
      %run_scoped3A_169 = arith.constant 0 : i32
      "tpu.region"() ({
        %run_scoped3A_181 = tpu.sem_alloc : memref<!tpu.dma_semaphore, #tpu.memory_space<semaphore_mem>>
        %dma_start3A_182 = arith.constant 0 : i32
        %dma_start3A_183 = tpu.memref_slice %arg7[%run_scoped3A_169, %dma_start3A_182] : memref<2x128xi32, #tpu.memory_space<vmem>> -> memref<1x128xi32, #tpu.memory_space<vmem>>
        %dma_start3A_184 = tpu.memref_squeeze %dma_start3A_183 : memref<1x128xi32, #tpu.memory_space<vmem>> -> memref<128xi32, #tpu.memory_space<vmem>>
        %dma_start3A_185 = tpu.memref_slice %arg2[%add3A_168] : memref<819336xi32, #tpu.memory_space<hbm>> -> memref<128xi32, #tpu.memory_space<hbm>>
        %dma_start3A_186 = arith.constant 0 : i32
        %dma_start3A_187 = tpu.memref_slice %arg7[%run_scoped3A_169, %dma_start3A_186] : memref<2x128xi32, #tpu.memory_space<vmem>> -> memref<1x128xi32, #tpu.memory_space<vmem>>
        %dma_start3A_188 = tpu.memref_squeeze %dma_start3A_187 : memref<1x128xi32, #tpu.memory_space<vmem>> -> memref<128xi32, #tpu.memory_space<vmem>>
        %dma_start3A_189 = tpu.memref_slice %arg2[%add3A_168] : memref<819336xi32, #tpu.memory_space<hbm>> -> memref<128xi32, #tpu.memory_space<hbm>>
        tpu.enqueue_dma source(%dma_start3A_189 : memref<128xi32, #tpu.memory_space<hbm>>) target(%dma_start3A_188 : memref<128xi32, #tpu.memory_space<vmem>>) target_semaphore(%run_scoped3A_181 : memref<!tpu.dma_semaphore, #tpu.memory_space<semaphore_mem>>)
        %dma_wait3A = arith.constant 0 : i32
        %dma_wait3A_190 = tpu.memref_slice %arg7[%run_scoped3A_169, %dma_wait3A] : memref<2x128xi32, #tpu.memory_space<vmem>> -> memref<1x128xi32, #tpu.memory_space<vmem>>
        %dma_wait3A_191 = tpu.memref_squeeze %dma_wait3A_190 : memref<1x128xi32, #tpu.memory_space<vmem>> -> memref<128xi32, #tpu.memory_space<vmem>>
        %dma_wait3A_192 = tpu.memref_slice %arg2[%add3A_168] : memref<819336xi32, #tpu.memory_space<hbm>> -> memref<128xi32, #tpu.memory_space<hbm>>
        %dma_wait3A_193 = arith.constant 0 : i32
        %dma_wait3A_194 = tpu.memref_slice %arg7[%run_scoped3A_169, %dma_wait3A_193] : memref<2x128xi32, #tpu.memory_space<vmem>> -> memref<1x128xi32, #tpu.memory_space<vmem>>
        %dma_wait3A_195 = tpu.memref_squeeze %dma_wait3A_194 : memref<1x128xi32, #tpu.memory_space<vmem>> -> memref<128xi32, #tpu.memory_space<vmem>>
        %dma_wait3A_196 = tpu.memref_slice %arg2[%add3A_168] : memref<819336xi32, #tpu.memory_space<hbm>> -> memref<128xi32, #tpu.memory_space<hbm>>
        tpu.wait_dma2 semaphore(%run_scoped3A_181 : memref<!tpu.dma_semaphore, #tpu.memory_space<semaphore_mem>>) src(%dma_wait3A_196 : memref<128xi32, #tpu.memory_space<hbm>>) dst(%dma_wait3A_195 : memref<128xi32, #tpu.memory_space<vmem>>)
        tpu.yield
      }) : () -> ()
      %dma_start3A = arith.constant 0 : i32
      %dma_start3A_170 = arith.constant 0 : i32
      %dma_start3A_171 = arith.constant 0 : i32
      %dma_start3A_172 = arith.constant 0 : i32
      %dma_start3A_173 = tpu.memref_slice %arg9[%dma_start3A_170, %dma_start3A_171, %dma_start3A_172] : memref<2x128x128xf32, #tpu.memory_space<vmem>> -> memref<1x128x128xf32, #tpu.memory_space<vmem>>
      %dma_start3A_174 = tpu.memref_squeeze %dma_start3A_173 : memref<1x128x128xf32, #tpu.memory_space<vmem>> -> memref<128x128xf32, #tpu.memory_space<vmem>>
      %dma_start3A_175 = arith.constant 0 : i32
      %dma_start3A_176 = tpu.memref_slice %arg7[%dma_start3A, %dma_start3A_175] : memref<2x128xi32, #tpu.memory_space<vmem>> -> memref<1x128xi32, #tpu.memory_space<vmem>>
      %dma_start3A_177 = tpu.memref_squeeze %dma_start3A_176 : memref<1x128xi32, #tpu.memory_space<vmem>> -> memref<128xi32, #tpu.memory_space<vmem>>
      %dma_start3A_178 = arith.constant 0 : i32
      %dma_start3A_179 = arith.constant 0 : i32
      %dma_start3A_180 = tpu.memref_slice %arg4[%dma_start3A_178, %dma_start3A_179] : memref<100000x128xf32, #tpu.memory_space<hbm>> -> memref<100000x128xf32, #tpu.memory_space<hbm>>
      tpu.enqueue_indirect_dma source(%dma_start3A_180 : memref<100000x128xf32, #tpu.memory_space<hbm>>) target(%dma_start3A_174 : memref<128x128xf32, #tpu.memory_space<vmem>>) offsets(%dma_start3A_177 : memref<128xi32, #tpu.memory_space<vmem>>) semaphore(%arg12 : memref<!tpu.dma_semaphore, #tpu.memory_space<semaphore_mem>>)
    } else {
    }
    %add3A_78 = arith.constant 1 : i32
    %add3A_79 = arith.addi %select_n3A_75, %add3A_78 : i32
    %jit3A_80 = arith.constant 2 : i32
    %div3A_81 = arith.divsi %add3A_79, %jit3A_80 : i32
    %sign3A_82 = arith.constant 0 : i32
    %sign3A_83 = arith.cmpi sgt, %add3A_79, %sign3A_82 : i32
    %sign3A_84 = arith.extui %sign3A_83 : i1 to i32
    %sign3A_85 = arith.constant 0 : i32
    %sign3A_86 = arith.cmpi slt, %add3A_79, %sign3A_85 : i32
    %sign3A_87 = arith.extui %sign3A_86 : i1 to i32
    %sign3A_88 = arith.subi %sign3A_84, %sign3A_87 : i32
    %sign3A_89 = arith.constant 0 : i32
    %sign3A_90 = arith.cmpi sgt, %jit3A_80, %sign3A_89 : i32
    %sign3A_91 = arith.extui %sign3A_90 : i1 to i32
    %sign3A_92 = arith.constant 0 : i32
    %sign3A_93 = arith.cmpi slt, %jit3A_80, %sign3A_92 : i32
    %sign3A_94 = arith.extui %sign3A_93 : i1 to i32
    %sign3A_95 = arith.subi %sign3A_91, %sign3A_94 : i32
    %ne3A_96 = arith.cmpi ne, %sign3A_88, %sign3A_95 : i32
    %rem3A_97 = arith.remsi %add3A_79, %jit3A_80 : i32
    %ne3A_98 = arith.constant 0 : i32
    %ne3A_99 = arith.cmpi ne, %rem3A_97, %ne3A_98 : i32
    %and3A_100 = arith.andi %ne3A_96, %ne3A_99 : i1
    %sub3A_101 = arith.constant 1 : i32
    %sub3A_102 = arith.subi %div3A_81, %sub3A_101 : i32
    %select_n3A_103 = arith.select %and3A_100, %sub3A_102, %div3A_81 : i32
    %while3A = arith.constant 0 : i32
    %while3A_104 = arith.constant 0 : i32
    %while3A_105 = arith.subi %select_n3A_103, %while3A_104 : i32
    %while3A_106 = arith.addi %while3A_104, %while3A_105 : i32
    %while3A_107 = arith.constant 1 : i32
    %while3A_108 = arith.divsi %while3A_105, %while3A_107 : i32
    %while3A_109 = arith.muli %while3A_108, %while3A_107 : i32
    %while3A_110 = arith.addi %while3A_104, %while3A_109 : i32
    %while3A_111 = arith.constant 1 : i32
    scf.for %while3A_167 = %while3A_104 to %while3A_110 step %while3A_111  : i32 {
      %mul3A_168 = arith.constant 2 : i32
      %mul3A_169 = arith.muli %while3A_167, %mul3A_168 : i32
      %add3A_170 = arith.constant 0 : i32
      %add3A_171 = arith.addi %mul3A_169, %add3A_170 : i32
      %lt3A = arith.cmpi slt, %add3A_171, %select_n3A_75 : i32
      %convert_element_type3A_172 = arith.extui %lt3A : i1 to i32
      %cond3A_173 = arith.constant 0 : i32
      %cond3A_174 = arith.cmpi ne, %convert_element_type3A_172, %cond3A_173 : i32
      scf.if %cond3A_174 {
        %add3A_183 = arith.constant 1 : i32
        %add3A_184 = arith.addi %add3A_171, %add3A_183 : i32
        %lt3A_185 = arith.cmpi slt, %add3A_184, %select_n3A_75 : i32
        %convert_element_type3A_186 = arith.extui %lt3A_185 : i1 to i32
        %cond3A_187 = arith.constant 0 : i32
        %cond3A_188 = arith.cmpi ne, %convert_element_type3A_186, %cond3A_187 : i32
        scf.if %cond3A_188 {
          %add3A_215 = arith.constant 1 : i32
          %add3A_216 = arith.addi %add3A_171, %add3A_215 : i32
          %mul3A_217 = arith.constant 128 : i32
          %mul3A_218 = arith.muli %add3A_216, %mul3A_217 : i32
          %add3A_219 = arith.addi %mul3A_46, %mul3A_218 : i32
          %run_scoped3A_220 = arith.constant 1 : i32
          "tpu.region"() ({
            %run_scoped3A_221 = tpu.sem_alloc : memref<!tpu.dma_semaphore, #tpu.memory_space<semaphore_mem>>
            %dma_start3A = arith.constant 0 : i32
            %dma_start3A_222 = tpu.memref_slice %arg7[%run_scoped3A_220, %dma_start3A] : memref<2x128xi32, #tpu.memory_space<vmem>> -> memref<1x128xi32, #tpu.memory_space<vmem>>
            %dma_start3A_223 = tpu.memref_squeeze %dma_start3A_222 : memref<1x128xi32, #tpu.memory_space<vmem>> -> memref<128xi32, #tpu.memory_space<vmem>>
            %dma_start3A_224 = tpu.memref_slice %arg2[%add3A_219] : memref<819336xi32, #tpu.memory_space<hbm>> -> memref<128xi32, #tpu.memory_space<hbm>>
            %dma_start3A_225 = arith.constant 0 : i32
            %dma_start3A_226 = tpu.memref_slice %arg7[%run_scoped3A_220, %dma_start3A_225] : memref<2x128xi32, #tpu.memory_space<vmem>> -> memref<1x128xi32, #tpu.memory_space<vmem>>
            %dma_start3A_227 = tpu.memref_squeeze %dma_start3A_226 : memref<1x128xi32, #tpu.memory_space<vmem>> -> memref<128xi32, #tpu.memory_space<vmem>>
            %dma_start3A_228 = tpu.memref_slice %arg2[%add3A_219] : memref<819336xi32, #tpu.memory_space<hbm>> -> memref<128xi32, #tpu.memory_space<hbm>>
            tpu.enqueue_dma source(%dma_start3A_228 : memref<128xi32, #tpu.memory_space<hbm>>) target(%dma_start3A_227 : memref<128xi32, #tpu.memory_space<vmem>>) target_semaphore(%run_scoped3A_221 : memref<!tpu.dma_semaphore, #tpu.memory_space<semaphore_mem>>)
            %dma_wait3A_229 = arith.constant 0 : i32
            %dma_wait3A_230 = tpu.memref_slice %arg7[%run_scoped3A_220, %dma_wait3A_229] : memref<2x128xi32, #tpu.memory_space<vmem>> -> memref<1x128xi32, #tpu.memory_space<vmem>>
            %dma_wait3A_231 = tpu.memref_squeeze %dma_wait3A_230 : memref<1x128xi32, #tpu.memory_space<vmem>> -> memref<128xi32, #tpu.memory_space<vmem>>
            %dma_wait3A_232 = tpu.memref_slice %arg2[%add3A_219] : memref<819336xi32, #tpu.memory_space<hbm>> -> memref<128xi32, #tpu.memory_space<hbm>>
            %dma_wait3A_233 = arith.constant 0 : i32
            %dma_wait3A_234 = tpu.memref_slice %arg7[%run_scoped3A_220, %dma_wait3A_233] : memref<2x128xi32, #tpu.memory_space<vmem>> -> memref<1x128xi32, #tpu.memory_space<vmem>>
            %dma_wait3A_235 = tpu.memref_squeeze %dma_wait3A_234 : memref<1x128xi32, #tpu.memory_space<vmem>> -> memref<128xi32, #tpu.memory_space<vmem>>
            %dma_wait3A_236 = tpu.memref_slice %arg2[%add3A_219] : memref<819336xi32, #tpu.memory_space<hbm>> -> memref<128xi32, #tpu.memory_space<hbm>>
            tpu.wait_dma2 semaphore(%run_scoped3A_221 : memref<!tpu.dma_semaphore, #tpu.memory_space<semaphore_mem>>) src(%dma_wait3A_236 : memref<128xi32, #tpu.memory_space<hbm>>) dst(%dma_wait3A_235 : memref<128xi32, #tpu.memory_space<vmem>>)
            tpu.yield
          }) : () -> ()
        } else {
        }
        %dma_wait3A = arith.constant 0 : i32
        %dma_wait3A_189 = arith.constant 0 : i32
        %dma_wait3A_190 = arith.constant 0 : i32
        %dma_wait3A_191 = arith.constant 0 : i32
        %dma_wait3A_192 = tpu.memref_slice %arg9[%dma_wait3A_189, %dma_wait3A_190, %dma_wait3A_191] : memref<2x128x128xf32, #tpu.memory_space<vmem>> -> memref<1x128x128xf32, #tpu.memory_space<vmem>>
        %dma_wait3A_193 = tpu.memref_squeeze %dma_wait3A_192 : memref<1x128x128xf32, #tpu.memory_space<vmem>> -> memref<128x128xf32, #tpu.memory_space<vmem>>
        %dma_wait3A_194 = arith.constant 0 : i32
        %dma_wait3A_195 = tpu.memref_slice %arg7[%dma_wait3A, %dma_wait3A_194] : memref<2x128xi32, #tpu.memory_space<vmem>> -> memref<1x128xi32, #tpu.memory_space<vmem>>
        %dma_wait3A_196 = tpu.memref_squeeze %dma_wait3A_195 : memref<1x128xi32, #tpu.memory_space<vmem>> -> memref<128xi32, #tpu.memory_space<vmem>>
        %dma_wait3A_197 = arith.constant 0 : i32
        %dma_wait3A_198 = arith.constant 0 : i32
        %dma_wait3A_199 = tpu.memref_slice %arg4[%dma_wait3A_197, %dma_wait3A_198] : memref<100000x128xf32, #tpu.memory_space<hbm>> -> memref<100000x128xf32, #tpu.memory_space<hbm>>
        tpu.wait_indirect_dma semaphore(%arg12 : memref<!tpu.dma_semaphore, #tpu.memory_space<semaphore_mem>>) src(%dma_wait3A_199 : memref<100000x128xf32, #tpu.memory_space<hbm>>) dst(%dma_wait3A_193 : memref<128x128xf32, #tpu.memory_space<vmem>>)
        %add3A_200 = arith.constant 1 : i32
        %add3A_201 = arith.addi %add3A_171, %add3A_200 : i32
        %lt3A_202 = arith.cmpi slt, %add3A_201, %select_n3A_75 : i32
        %convert_element_type3A_203 = arith.extui %lt3A_202 : i1 to i32
        %cond3A_204 = arith.constant 0 : i32
        %cond3A_205 = arith.cmpi ne, %convert_element_type3A_203, %cond3A_204 : i32
        scf.if %cond3A_205 {
          %add3A_215 = arith.constant 1 : i32
          %add3A_216 = arith.addi %add3A_171, %add3A_215 : i32
          %dma_start3A = arith.constant 1 : i32
          %dma_start3A_217 = arith.constant 1 : i32
          %dma_start3A_218 = arith.constant 0 : i32
          %dma_start3A_219 = arith.constant 0 : i32
          %dma_start3A_220 = tpu.memref_slice %arg9[%dma_start3A_217, %dma_start3A_218, %dma_start3A_219] : memref<2x128x128xf32, #tpu.memory_space<vmem>> -> memref<1x128x128xf32, #tpu.memory_space<vmem>>
          %dma_start3A_221 = tpu.memref_squeeze %dma_start3A_220 : memref<1x128x128xf32, #tpu.memory_space<vmem>> -> memref<128x128xf32, #tpu.memory_space<vmem>>
          %dma_start3A_222 = arith.constant 0 : i32
          %dma_start3A_223 = tpu.memref_slice %arg7[%dma_start3A, %dma_start3A_222] : memref<2x128xi32, #tpu.memory_space<vmem>> -> memref<1x128xi32, #tpu.memory_space<vmem>>
          %dma_start3A_224 = tpu.memref_squeeze %dma_start3A_223 : memref<1x128xi32, #tpu.memory_space<vmem>> -> memref<128xi32, #tpu.memory_space<vmem>>
          %dma_start3A_225 = arith.constant 0 : i32
          %dma_start3A_226 = arith.constant 0 : i32
          %dma_start3A_227 = tpu.memref_slice %arg4[%dma_start3A_225, %dma_start3A_226] : memref<100000x128xf32, #tpu.memory_space<hbm>> -> memref<100000x128xf32, #tpu.memory_space<hbm>>
          tpu.enqueue_indirect_dma source(%dma_start3A_227 : memref<100000x128xf32, #tpu.memory_space<hbm>>) target(%dma_start3A_221 : memref<128x128xf32, #tpu.memory_space<vmem>>) offsets(%dma_start3A_224 : memref<128xi32, #tpu.memory_space<vmem>>) semaphore(%arg13 : memref<!tpu.dma_semaphore, #tpu.memory_space<semaphore_mem>>)
        } else {
        }
        %mul3A_206 = arith.constant 128 : i32
        %mul3A_207 = arith.muli %add3A_171, %mul3A_206 : i32
        %add3A_208 = arith.addi %mul3A_46, %mul3A_207 : i32
        %scan3A_209 = arith.constant 0 : i32
        %scan3A_210 = arith.constant 0 : i32
        %scan3A_211 = arith.constant 8 : i32
        %scan3A_212 = arith.addi %scan3A_210, %scan3A_211 : i32
        %scan3A_213 = arith.constant 1 : i32
        scf.for %scan3A_215 = %scan3A_210 to %scan3A_212 step %scan3A_213  : i32 {
          %mul3A_216 = arith.constant 16 : i32
          %mul3A_217 = arith.muli %scan3A_215, %mul3A_216 : i32
          %add3A_218 = arith.addi %add3A_208, %mul3A_217 : i32
          %add3A_219 = vector.broadcast %add3A_218 : i32 to vector<16xi32>
          %add3A_220 = arith.addi %add3A_219, %iota3A : vector<16xi32>
          %broadcast_in_dim3A = arith.constant 0 : i32
          %broadcast_in_dim3A_221 = vector.broadcast %broadcast_in_dim3A : i32 to vector<16xi32>
          %broadcast_in_dim3A_222 = arith.constant 513 : i32
          %broadcast_in_dim3A_223 = vector.broadcast %broadcast_in_dim3A_222 : i32 to vector<16xi32>
          %add3A_224 = arith.addi %broadcast_in_dim3A_221, %broadcast_in_dim3A_223 : vector<16xi32>
          %jit3A_225 = arith.constant 2 : i32
          %div3A_226 = vector.broadcast %jit3A_225 : i32 to vector<16xi32>
          %div3A_227 = arith.divsi %add3A_224, %div3A_226 : vector<16xi32>
          %sign3A_228 = arith.constant 0 : i32
          %sign3A_229 = vector.broadcast %sign3A_228 : i32 to vector<16xi32>
          %sign3A_230 = arith.cmpi sgt, %add3A_224, %sign3A_229 : vector<16xi32>
          %sign3A_231 = arith.extui %sign3A_230 : vector<16xi1> to vector<16xi32>
          %sign3A_232 = arith.constant 0 : i32
          %sign3A_233 = vector.broadcast %sign3A_232 : i32 to vector<16xi32>
          %sign3A_234 = arith.cmpi slt, %add3A_224, %sign3A_233 : vector<16xi32>
          %sign3A_235 = arith.extui %sign3A_234 : vector<16xi1> to vector<16xi32>
          %sign3A_236 = arith.subi %sign3A_231, %sign3A_235 : vector<16xi32>
          %sign3A_237 = arith.constant 0 : i32
          %sign3A_238 = arith.cmpi sgt, %jit3A_225, %sign3A_237 : i32
          %sign3A_239 = arith.extui %sign3A_238 : i1 to i32
          %sign3A_240 = arith.constant 0 : i32
          %sign3A_241 = arith.cmpi slt, %jit3A_225, %sign3A_240 : i32
          %sign3A_242 = arith.extui %sign3A_241 : i1 to i32
          %sign3A_243 = arith.subi %sign3A_239, %sign3A_242 : i32
          %ne3A_244 = vector.broadcast %sign3A_243 : i32 to vector<16xi32>
          %ne3A_245 = arith.cmpi ne, %sign3A_236, %ne3A_244 : vector<16xi32>
          %rem3A_246 = vector.broadcast %jit3A_225 : i32 to vector<16xi32>
          %rem3A_247 = arith.remsi %add3A_224, %rem3A_246 : vector<16xi32>
          %ne3A_248 = arith.constant 0 : i32
          %ne3A_249 = vector.broadcast %ne3A_248 : i32 to vector<16xi32>
          %ne3A_250 = arith.cmpi ne, %rem3A_247, %ne3A_249 : vector<16xi32>
          %and3A_251 = arith.andi %ne3A_245, %ne3A_250 : vector<16xi1>
          %sub3A_252 = arith.constant 1 : i32
          %sub3A_253 = vector.broadcast %sub3A_252 : i32 to vector<16xi32>
          %sub3A_254 = arith.subi %div3A_227, %sub3A_253 : vector<16xi32>
          %select_n3A_255 = arith.select %and3A_251, %sub3A_254, %div3A_227 : vector<16xi1>, vector<16xi32>
          %gather3A = tpu.vector_load_idx %arg6[%select_n3A_255] : memref<528xi32, #tpu.memory_space<vmem>>[vector<16xi32>], vector<16xi32>,
          %le3A = arith.cmpi sle, %gather3A, %add3A_220 : vector<16xi32>
          %add3A_256 = arith.constant 1 : i32
          %add3A_257 = vector.broadcast %add3A_256 : i32 to vector<16xi32>
          %add3A_258 = arith.addi %select_n3A_255, %add3A_257 : vector<16xi32>
          %select_n3A_259 = arith.select %le3A, %add3A_258, %broadcast_in_dim3A_221 : vector<16xi1>, vector<16xi32>
          %select_n3A_260 = arith.select %le3A, %broadcast_in_dim3A_223, %select_n3A_255 : vector<16xi1>, vector<16xi32>
          %add3A_261 = arith.addi %select_n3A_259, %select_n3A_260 : vector<16xi32>
          %jit3A_262 = arith.constant 2 : i32
          %div3A_263 = vector.broadcast %jit3A_262 : i32 to vector<16xi32>
          %div3A_264 = arith.divsi %add3A_261, %div3A_263 : vector<16xi32>
          %sign3A_265 = arith.constant 0 : i32
          %sign3A_266 = vector.broadcast %sign3A_265 : i32 to vector<16xi32>
          %sign3A_267 = arith.cmpi sgt, %add3A_261, %sign3A_266 : vector<16xi32>
          %sign3A_268 = arith.extui %sign3A_267 : vector<16xi1> to vector<16xi32>
          %sign3A_269 = arith.constant 0 : i32
          %sign3A_270 = vector.broadcast %sign3A_269 : i32 to vector<16xi32>
          %sign3A_271 = arith.cmpi slt, %add3A_261, %sign3A_270 : vector<16xi32>
          %sign3A_272 = arith.extui %sign3A_271 : vector<16xi1> to vector<16xi32>
          %sign3A_273 = arith.subi %sign3A_268, %sign3A_272 : vector<16xi32>
          %sign3A_274 = arith.constant 0 : i32
          %sign3A_275 = arith.cmpi sgt, %jit3A_262, %sign3A_274 : i32
          %sign3A_276 = arith.extui %sign3A_275 : i1 to i32
          %sign3A_277 = arith.constant 0 : i32
          %sign3A_278 = arith.cmpi slt, %jit3A_262, %sign3A_277 : i32
          %sign3A_279 = arith.extui %sign3A_278 : i1 to i32
          %sign3A_280 = arith.subi %sign3A_276, %sign3A_279 : i32
          %ne3A_281 = vector.broadcast %sign3A_280 : i32 to vector<16xi32>
          %ne3A_282 = arith.cmpi ne, %sign3A_273, %ne3A_281 : vector<16xi32>
          %rem3A_283 = vector.broadcast %jit3A_262 : i32 to vector<16xi32>
          %rem3A_284 = arith.remsi %add3A_261, %rem3A_283 : vector<16xi32>
          %ne3A_285 = arith.constant 0 : i32
          %ne3A_286 = vector.broadcast %ne3A_285 : i32 to vector<16xi32>
          %ne3A_287 = arith.cmpi ne, %rem3A_284, %ne3A_286 : vector<16xi32>
          %and3A_288 = arith.andi %ne3A_282, %ne3A_287 : vector<16xi1>
          %sub3A_289 = arith.constant 1 : i32
          %sub3A_290 = vector.broadcast %sub3A_289 : i32 to vector<16xi32>
          %sub3A_291 = arith.subi %div3A_264, %sub3A_290 : vector<16xi32>
          %select_n3A_292 = arith.select %and3A_288, %sub3A_291, %div3A_264 : vector<16xi1>, vector<16xi32>
          %gather3A_293 = tpu.vector_load_idx %arg6[%select_n3A_292] : memref<528xi32, #tpu.memory_space<vmem>>[vector<16xi32>], vector<16xi32>,
          %le3A_294 = arith.cmpi sle, %gather3A_293, %add3A_220 : vector<16xi32>
          %add3A_295 = arith.constant 1 : i32
          %add3A_296 = vector.broadcast %add3A_295 : i32 to vector<16xi32>
          %add3A_297 = arith.addi %select_n3A_292, %add3A_296 : vector<16xi32>
          %select_n3A_298 = arith.select %le3A_294, %add3A_297, %select_n3A_259 : vector<16xi1>, vector<16xi32>
          %select_n3A_299 = arith.select %le3A_294, %select_n3A_260, %select_n3A_292 : vector<16xi1>, vector<16xi32>
          %add3A_300 = arith.addi %select_n3A_298, %select_n3A_299 : vector<16xi32>
          %jit3A_301 = arith.constant 2 : i32
          %div3A_302 = vector.broadcast %jit3A_301 : i32 to vector<16xi32>
          %div3A_303 = arith.divsi %add3A_300, %div3A_302 : vector<16xi32>
          %sign3A_304 = arith.constant 0 : i32
          %sign3A_305 = vector.broadcast %sign3A_304 : i32 to vector<16xi32>
          %sign3A_306 = arith.cmpi sgt, %add3A_300, %sign3A_305 : vector<16xi32>
          %sign3A_307 = arith.extui %sign3A_306 : vector<16xi1> to vector<16xi32>
          %sign3A_308 = arith.constant 0 : i32
          %sign3A_309 = vector.broadcast %sign3A_308 : i32 to vector<16xi32>
          %sign3A_310 = arith.cmpi slt, %add3A_300, %sign3A_309 : vector<16xi32>
          %sign3A_311 = arith.extui %sign3A_310 : vector<16xi1> to vector<16xi32>
          %sign3A_312 = arith.subi %sign3A_307, %sign3A_311 : vector<16xi32>
          %sign3A_313 = arith.constant 0 : i32
          %sign3A_314 = arith.cmpi sgt, %jit3A_301, %sign3A_313 : i32
          %sign3A_315 = arith.extui %sign3A_314 : i1 to i32
          %sign3A_316 = arith.constant 0 : i32
          %sign3A_317 = arith.cmpi slt, %jit3A_301, %sign3A_316 : i32
          %sign3A_318 = arith.extui %sign3A_317 : i1 to i32
          %sign3A_319 = arith.subi %sign3A_315, %sign3A_318 : i32
          %ne3A_320 = vector.broadcast %sign3A_319 : i32 to vector<16xi32>
          %ne3A_321 = arith.cmpi ne, %sign3A_312, %ne3A_320 : vector<16xi32>
          %rem3A_322 = vector.broadcast %jit3A_301 : i32 to vector<16xi32>
          %rem3A_323 = arith.remsi %add3A_300, %rem3A_322 : vector<16xi32>
          %ne3A_324 = arith.constant 0 : i32
          %ne3A_325 = vector.broadcast %ne3A_324 : i32 to vector<16xi32>
          %ne3A_326 = arith.cmpi ne, %rem3A_323, %ne3A_325 : vector<16xi32>
          %and3A_327 = arith.andi %ne3A_321, %ne3A_326 : vector<16xi1>
          %sub3A_328 = arith.constant 1 : i32
          %sub3A_329 = vector.broadcast %sub3A_328 : i32 to vector<16xi32>
          %sub3A_330 = arith.subi %div3A_303, %sub3A_329 : vector<16xi32>
          %select_n3A_331 = arith.select %and3A_327, %sub3A_330, %div3A_303 : vector<16xi1>, vector<16xi32>
          %gather3A_332 = tpu.vector_load_idx %arg6[%select_n3A_331] : memref<528xi32, #tpu.memory_space<vmem>>[vector<16xi32>], vector<16xi32>,
          %le3A_333 = arith.cmpi sle, %gather3A_332, %add3A_220 : vector<16xi32>
          %add3A_334 = arith.constant 1 : i32
          %add3A_335 = vector.broadcast %add3A_334 : i32 to vector<16xi32>
          %add3A_336 = arith.addi %select_n3A_331, %add3A_335 : vector<16xi32>
          %select_n3A_337 = arith.select %le3A_333, %add3A_336, %select_n3A_298 : vector<16xi1>, vector<16xi32>
          %select_n3A_338 = arith.select %le3A_333, %select_n3A_299, %select_n3A_331 : vector<16xi1>, vector<16xi32>
          %add3A_339 = arith.addi %select_n3A_337, %select_n3A_338 : vector<16xi32>
          %jit3A_340 = arith.constant 2 : i32
          %div3A_341 = vector.broadcast %jit3A_340 : i32 to vector<16xi32>
          %div3A_342 = arith.divsi %add3A_339, %div3A_341 : vector<16xi32>
          %sign3A_343 = arith.constant 0 : i32
          %sign3A_344 = vector.broadcast %sign3A_343 : i32 to vector<16xi32>
          %sign3A_345 = arith.cmpi sgt, %add3A_339, %sign3A_344 : vector<16xi32>
          %sign3A_346 = arith.extui %sign3A_345 : vector<16xi1> to vector<16xi32>
          %sign3A_347 = arith.constant 0 : i32
          %sign3A_348 = vector.broadcast %sign3A_347 : i32 to vector<16xi32>
          %sign3A_349 = arith.cmpi slt, %add3A_339, %sign3A_348 : vector<16xi32>
          %sign3A_350 = arith.extui %sign3A_349 : vector<16xi1> to vector<16xi32>
          %sign3A_351 = arith.subi %sign3A_346, %sign3A_350 : vector<16xi32>
          %sign3A_352 = arith.constant 0 : i32
          %sign3A_353 = arith.cmpi sgt, %jit3A_340, %sign3A_352 : i32
          %sign3A_354 = arith.extui %sign3A_353 : i1 to i32
          %sign3A_355 = arith.constant 0 : i32
          %sign3A_356 = arith.cmpi slt, %jit3A_340, %sign3A_355 : i32
          %sign3A_357 = arith.extui %sign3A_356 : i1 to i32
          %sign3A_358 = arith.subi %sign3A_354, %sign3A_357 : i32
          %ne3A_359 = vector.broadcast %sign3A_358 : i32 to vector<16xi32>
          %ne3A_360 = arith.cmpi ne, %sign3A_351, %ne3A_359 : vector<16xi32>
          %rem3A_361 = vector.broadcast %jit3A_340 : i32 to vector<16xi32>
          %rem3A_362 = arith.remsi %add3A_339, %rem3A_361 : vector<16xi32>
          %ne3A_363 = arith.constant 0 : i32
          %ne3A_364 = vector.broadcast %ne3A_363 : i32 to vector<16xi32>
          %ne3A_365 = arith.cmpi ne, %rem3A_362, %ne3A_364 : vector<16xi32>
          %and3A_366 = arith.andi %ne3A_360, %ne3A_365 : vector<16xi1>
          %sub3A_367 = arith.constant 1 : i32
          %sub3A_368 = vector.broadcast %sub3A_367 : i32 to vector<16xi32>
          %sub3A_369 = arith.subi %div3A_342, %sub3A_368 : vector<16xi32>
          %select_n3A_370 = arith.select %and3A_366, %sub3A_369, %div3A_342 : vector<16xi1>, vector<16xi32>
          %gather3A_371 = tpu.vector_load_idx %arg6[%select_n3A_370] : memref<528xi32, #tpu.memory_space<vmem>>[vector<16xi32>], vector<16xi32>,
          %le3A_372 = arith.cmpi sle, %gather3A_371, %add3A_220 : vector<16xi32>
          %add3A_373 = arith.constant 1 : i32
          %add3A_374 = vector.broadcast %add3A_373 : i32 to vector<16xi32>
          %add3A_375 = arith.addi %select_n3A_370, %add3A_374 : vector<16xi32>
          %select_n3A_376 = arith.select %le3A_372, %add3A_375, %select_n3A_337 : vector<16xi1>, vector<16xi32>
          %select_n3A_377 = arith.select %le3A_372, %select_n3A_338, %select_n3A_370 : vector<16xi1>, vector<16xi32>
          %add3A_378 = arith.addi %select_n3A_376, %select_n3A_377 : vector<16xi32>
          %jit3A_379 = arith.constant 2 : i32
          %div3A_380 = vector.broadcast %jit3A_379 : i32 to vector<16xi32>
          %div3A_381 = arith.divsi %add3A_378, %div3A_380 : vector<16xi32>
          %sign3A_382 = arith.constant 0 : i32
          %sign3A_383 = vector.broadcast %sign3A_382 : i32 to vector<16xi32>
          %sign3A_384 = arith.cmpi sgt, %add3A_378, %sign3A_383 : vector<16xi32>
          %sign3A_385 = arith.extui %sign3A_384 : vector<16xi1> to vector<16xi32>
          %sign3A_386 = arith.constant 0 : i32
          %sign3A_387 = vector.broadcast %sign3A_386 : i32 to vector<16xi32>
          %sign3A_388 = arith.cmpi slt, %add3A_378, %sign3A_387 : vector<16xi32>
          %sign3A_389 = arith.extui %sign3A_388 : vector<16xi1> to vector<16xi32>
          %sign3A_390 = arith.subi %sign3A_385, %sign3A_389 : vector<16xi32>
          %sign3A_391 = arith.constant 0 : i32
          %sign3A_392 = arith.cmpi sgt, %jit3A_379, %sign3A_391 : i32
          %sign3A_393 = arith.extui %sign3A_392 : i1 to i32
          %sign3A_394 = arith.constant 0 : i32
          %sign3A_395 = arith.cmpi slt, %jit3A_379, %sign3A_394 : i32
          %sign3A_396 = arith.extui %sign3A_395 : i1 to i32
          %sign3A_397 = arith.subi %sign3A_393, %sign3A_396 : i32
          %ne3A_398 = vector.broadcast %sign3A_397 : i32 to vector<16xi32>
          %ne3A_399 = arith.cmpi ne, %sign3A_390, %ne3A_398 : vector<16xi32>
          %rem3A_400 = vector.broadcast %jit3A_379 : i32 to vector<16xi32>
          %rem3A_401 = arith.remsi %add3A_378, %rem3A_400 : vector<16xi32>
          %ne3A_402 = arith.constant 0 : i32
          %ne3A_403 = vector.broadcast %ne3A_402 : i32 to vector<16xi32>
          %ne3A_404 = arith.cmpi ne, %rem3A_401, %ne3A_403 : vector<16xi32>
          %and3A_405 = arith.andi %ne3A_399, %ne3A_404 : vector<16xi1>
          %sub3A_406 = arith.constant 1 : i32
          %sub3A_407 = vector.broadcast %sub3A_406 : i32 to vector<16xi32>
          %sub3A_408 = arith.subi %div3A_381, %sub3A_407 : vector<16xi32>
          %select_n3A_409 = arith.select %and3A_405, %sub3A_408, %div3A_381 : vector<16xi1>, vector<16xi32>
          %gather3A_410 = tpu.vector_load_idx %arg6[%select_n3A_409] : memref<528xi32, #tpu.memory_space<vmem>>[vector<16xi32>], vector<16xi32>,
          %le3A_411 = arith.cmpi sle, %gather3A_410, %add3A_220 : vector<16xi32>
          %add3A_412 = arith.constant 1 : i32
          %add3A_413 = vector.broadcast %add3A_412 : i32 to vector<16xi32>
          %add3A_414 = arith.addi %select_n3A_409, %add3A_413 : vector<16xi32>
          %select_n3A_415 = arith.select %le3A_411, %add3A_414, %select_n3A_376 : vector<16xi1>, vector<16xi32>
          %select_n3A_416 = arith.select %le3A_411, %select_n3A_377, %select_n3A_409 : vector<16xi1>, vector<16xi32>
          %add3A_417 = arith.addi %select_n3A_415, %select_n3A_416 : vector<16xi32>
          %jit3A_418 = arith.constant 2 : i32
          %div3A_419 = vector.broadcast %jit3A_418 : i32 to vector<16xi32>
          %div3A_420 = arith.divsi %add3A_417, %div3A_419 : vector<16xi32>
          %sign3A_421 = arith.constant 0 : i32
          %sign3A_422 = vector.broadcast %sign3A_421 : i32 to vector<16xi32>
          %sign3A_423 = arith.cmpi sgt, %add3A_417, %sign3A_422 : vector<16xi32>
          %sign3A_424 = arith.extui %sign3A_423 : vector<16xi1> to vector<16xi32>
          %sign3A_425 = arith.constant 0 : i32
          %sign3A_426 = vector.broadcast %sign3A_425 : i32 to vector<16xi32>
          %sign3A_427 = arith.cmpi slt, %add3A_417, %sign3A_426 : vector<16xi32>
          %sign3A_428 = arith.extui %sign3A_427 : vector<16xi1> to vector<16xi32>
          %sign3A_429 = arith.subi %sign3A_424, %sign3A_428 : vector<16xi32>
          %sign3A_430 = arith.constant 0 : i32
          %sign3A_431 = arith.cmpi sgt, %jit3A_418, %sign3A_430 : i32
          %sign3A_432 = arith.extui %sign3A_431 : i1 to i32
          %sign3A_433 = arith.constant 0 : i32
          %sign3A_434 = arith.cmpi slt, %jit3A_418, %sign3A_433 : i32
          %sign3A_435 = arith.extui %sign3A_434 : i1 to i32
          %sign3A_436 = arith.subi %sign3A_432, %sign3A_435 : i32
          %ne3A_437 = vector.broadcast %sign3A_436 : i32 to vector<16xi32>
          %ne3A_438 = arith.cmpi ne, %sign3A_429, %ne3A_437 : vector<16xi32>
          %rem3A_439 = vector.broadcast %jit3A_418 : i32 to vector<16xi32>
          %rem3A_440 = arith.remsi %add3A_417, %rem3A_439 : vector<16xi32>
          %ne3A_441 = arith.constant 0 : i32
          %ne3A_442 = vector.broadcast %ne3A_441 : i32 to vector<16xi32>
          %ne3A_443 = arith.cmpi ne, %rem3A_440, %ne3A_442 : vector<16xi32>
          %and3A_444 = arith.andi %ne3A_438, %ne3A_443 : vector<16xi1>
          %sub3A_445 = arith.constant 1 : i32
          %sub3A_446 = vector.broadcast %sub3A_445 : i32 to vector<16xi32>
          %sub3A_447 = arith.subi %div3A_420, %sub3A_446 : vector<16xi32>
          %select_n3A_448 = arith.select %and3A_444, %sub3A_447, %div3A_420 : vector<16xi1>, vector<16xi32>
          %gather3A_449 = tpu.vector_load_idx %arg6[%select_n3A_448] : memref<528xi32, #tpu.memory_space<vmem>>[vector<16xi32>], vector<16xi32>,
          %le3A_450 = arith.cmpi sle, %gather3A_449, %add3A_220 : vector<16xi32>
          %add3A_451 = arith.constant 1 : i32
          %add3A_452 = vector.broadcast %add3A_451 : i32 to vector<16xi32>
          %add3A_453 = arith.addi %select_n3A_448, %add3A_452 : vector<16xi32>
          %select_n3A_454 = arith.select %le3A_450, %add3A_453, %select_n3A_415 : vector<16xi1>, vector<16xi32>
          %select_n3A_455 = arith.select %le3A_450, %select_n3A_416, %select_n3A_448 : vector<16xi1>, vector<16xi32>
          %add3A_456 = arith.addi %select_n3A_454, %select_n3A_455 : vector<16xi32>
          %jit3A_457 = arith.constant 2 : i32
          %div3A_458 = vector.broadcast %jit3A_457 : i32 to vector<16xi32>
          %div3A_459 = arith.divsi %add3A_456, %div3A_458 : vector<16xi32>
          %sign3A_460 = arith.constant 0 : i32
          %sign3A_461 = vector.broadcast %sign3A_460 : i32 to vector<16xi32>
          %sign3A_462 = arith.cmpi sgt, %add3A_456, %sign3A_461 : vector<16xi32>
          %sign3A_463 = arith.extui %sign3A_462 : vector<16xi1> to vector<16xi32>
          %sign3A_464 = arith.constant 0 : i32
          %sign3A_465 = vector.broadcast %sign3A_464 : i32 to vector<16xi32>
          %sign3A_466 = arith.cmpi slt, %add3A_456, %sign3A_465 : vector<16xi32>
          %sign3A_467 = arith.extui %sign3A_466 : vector<16xi1> to vector<16xi32>
          %sign3A_468 = arith.subi %sign3A_463, %sign3A_467 : vector<16xi32>
          %sign3A_469 = arith.constant 0 : i32
          %sign3A_470 = arith.cmpi sgt, %jit3A_457, %sign3A_469 : i32
          %sign3A_471 = arith.extui %sign3A_470 : i1 to i32
          %sign3A_472 = arith.constant 0 : i32
          %sign3A_473 = arith.cmpi slt, %jit3A_457, %sign3A_472 : i32
          %sign3A_474 = arith.extui %sign3A_473 : i1 to i32
          %sign3A_475 = arith.subi %sign3A_471, %sign3A_474 : i32
          %ne3A_476 = vector.broadcast %sign3A_475 : i32 to vector<16xi32>
          %ne3A_477 = arith.cmpi ne, %sign3A_468, %ne3A_476 : vector<16xi32>
          %rem3A_478 = vector.broadcast %jit3A_457 : i32 to vector<16xi32>
          %rem3A_479 = arith.remsi %add3A_456, %rem3A_478 : vector<16xi32>
          %ne3A_480 = arith.constant 0 : i32
          %ne3A_481 = vector.broadcast %ne3A_480 : i32 to vector<16xi32>
          %ne3A_482 = arith.cmpi ne, %rem3A_479, %ne3A_481 : vector<16xi32>
          %and3A_483 = arith.andi %ne3A_477, %ne3A_482 : vector<16xi1>
          %sub3A_484 = arith.constant 1 : i32
          %sub3A_485 = vector.broadcast %sub3A_484 : i32 to vector<16xi32>
          %sub3A_486 = arith.subi %div3A_459, %sub3A_485 : vector<16xi32>
          %select_n3A_487 = arith.select %and3A_483, %sub3A_486, %div3A_459 : vector<16xi1>, vector<16xi32>
          %gather3A_488 = tpu.vector_load_idx %arg6[%select_n3A_487] : memref<528xi32, #tpu.memory_space<vmem>>[vector<16xi32>], vector<16xi32>,
          %le3A_489 = arith.cmpi sle, %gather3A_488, %add3A_220 : vector<16xi32>
          %add3A_490 = arith.constant 1 : i32
          %add3A_491 = vector.broadcast %add3A_490 : i32 to vector<16xi32>
          %add3A_492 = arith.addi %select_n3A_487, %add3A_491 : vector<16xi32>
          %select_n3A_493 = arith.select %le3A_489, %add3A_492, %select_n3A_454 : vector<16xi1>, vector<16xi32>
          %select_n3A_494 = arith.select %le3A_489, %select_n3A_455, %select_n3A_487 : vector<16xi1>, vector<16xi32>
          %add3A_495 = arith.addi %select_n3A_493, %select_n3A_494 : vector<16xi32>
          %jit3A_496 = arith.constant 2 : i32
          %div3A_497 = vector.broadcast %jit3A_496 : i32 to vector<16xi32>
          %div3A_498 = arith.divsi %add3A_495, %div3A_497 : vector<16xi32>
          %sign3A_499 = arith.constant 0 : i32
          %sign3A_500 = vector.broadcast %sign3A_499 : i32 to vector<16xi32>
          %sign3A_501 = arith.cmpi sgt, %add3A_495, %sign3A_500 : vector<16xi32>
          %sign3A_502 = arith.extui %sign3A_501 : vector<16xi1> to vector<16xi32>
          %sign3A_503 = arith.constant 0 : i32
          %sign3A_504 = vector.broadcast %sign3A_503 : i32 to vector<16xi32>
          %sign3A_505 = arith.cmpi slt, %add3A_495, %sign3A_504 : vector<16xi32>
          %sign3A_506 = arith.extui %sign3A_505 : vector<16xi1> to vector<16xi32>
          %sign3A_507 = arith.subi %sign3A_502, %sign3A_506 : vector<16xi32>
          %sign3A_508 = arith.constant 0 : i32
          %sign3A_509 = arith.cmpi sgt, %jit3A_496, %sign3A_508 : i32
          %sign3A_510 = arith.extui %sign3A_509 : i1 to i32
          %sign3A_511 = arith.constant 0 : i32
          %sign3A_512 = arith.cmpi slt, %jit3A_496, %sign3A_511 : i32
          %sign3A_513 = arith.extui %sign3A_512 : i1 to i32
          %sign3A_514 = arith.subi %sign3A_510, %sign3A_513 : i32
          %ne3A_515 = vector.broadcast %sign3A_514 : i32 to vector<16xi32>
          %ne3A_516 = arith.cmpi ne, %sign3A_507, %ne3A_515 : vector<16xi32>
          %rem3A_517 = vector.broadcast %jit3A_496 : i32 to vector<16xi32>
          %rem3A_518 = arith.remsi %add3A_495, %rem3A_517 : vector<16xi32>
          %ne3A_519 = arith.constant 0 : i32
          %ne3A_520 = vector.broadcast %ne3A_519 : i32 to vector<16xi32>
          %ne3A_521 = arith.cmpi ne, %rem3A_518, %ne3A_520 : vector<16xi32>
          %and3A_522 = arith.andi %ne3A_516, %ne3A_521 : vector<16xi1>
          %sub3A_523 = arith.constant 1 : i32
          %sub3A_524 = vector.broadcast %sub3A_523 : i32 to vector<16xi32>
          %sub3A_525 = arith.subi %div3A_498, %sub3A_524 : vector<16xi32>
          %select_n3A_526 = arith.select %and3A_522, %sub3A_525, %div3A_498 : vector<16xi1>, vector<16xi32>
          %gather3A_527 = tpu.vector_load_idx %arg6[%select_n3A_526] : memref<528xi32, #tpu.memory_space<vmem>>[vector<16xi32>], vector<16xi32>,
          %le3A_528 = arith.cmpi sle, %gather3A_527, %add3A_220 : vector<16xi32>
          %add3A_529 = arith.constant 1 : i32
          %add3A_530 = vector.broadcast %add3A_529 : i32 to vector<16xi32>
          %add3A_531 = arith.addi %select_n3A_526, %add3A_530 : vector<16xi32>
          %select_n3A_532 = arith.select %le3A_528, %add3A_531, %select_n3A_493 : vector<16xi1>, vector<16xi32>
          %select_n3A_533 = arith.select %le3A_528, %select_n3A_494, %select_n3A_526 : vector<16xi1>, vector<16xi32>
          %add3A_534 = arith.addi %select_n3A_532, %select_n3A_533 : vector<16xi32>
          %jit3A_535 = arith.constant 2 : i32
          %div3A_536 = vector.broadcast %jit3A_535 : i32 to vector<16xi32>
          %div3A_537 = arith.divsi %add3A_534, %div3A_536 : vector<16xi32>
          %sign3A_538 = arith.constant 0 : i32
          %sign3A_539 = vector.broadcast %sign3A_538 : i32 to vector<16xi32>
          %sign3A_540 = arith.cmpi sgt, %add3A_534, %sign3A_539 : vector<16xi32>
          %sign3A_541 = arith.extui %sign3A_540 : vector<16xi1> to vector<16xi32>
          %sign3A_542 = arith.constant 0 : i32
          %sign3A_543 = vector.broadcast %sign3A_542 : i32 to vector<16xi32>
          %sign3A_544 = arith.cmpi slt, %add3A_534, %sign3A_543 : vector<16xi32>
          %sign3A_545 = arith.extui %sign3A_544 : vector<16xi1> to vector<16xi32>
          %sign3A_546 = arith.subi %sign3A_541, %sign3A_545 : vector<16xi32>
          %sign3A_547 = arith.constant 0 : i32
          %sign3A_548 = arith.cmpi sgt, %jit3A_535, %sign3A_547 : i32
          %sign3A_549 = arith.extui %sign3A_548 : i1 to i32
          %sign3A_550 = arith.constant 0 : i32
          %sign3A_551 = arith.cmpi slt, %jit3A_535, %sign3A_550 : i32
          %sign3A_552 = arith.extui %sign3A_551 : i1 to i32
          %sign3A_553 = arith.subi %sign3A_549, %sign3A_552 : i32
          %ne3A_554 = vector.broadcast %sign3A_553 : i32 to vector<16xi32>
          %ne3A_555 = arith.cmpi ne, %sign3A_546, %ne3A_554 : vector<16xi32>
          %rem3A_556 = vector.broadcast %jit3A_535 : i32 to vector<16xi32>
          %rem3A_557 = arith.remsi %add3A_534, %rem3A_556 : vector<16xi32>
          %ne3A_558 = arith.constant 0 : i32
          %ne3A_559 = vector.broadcast %ne3A_558 : i32 to vector<16xi32>
          %ne3A_560 = arith.cmpi ne, %rem3A_557, %ne3A_559 : vector<16xi32>
          %and3A_561 = arith.andi %ne3A_555, %ne3A_560 : vector<16xi1>
          %sub3A_562 = arith.constant 1 : i32
          %sub3A_563 = vector.broadcast %sub3A_562 : i32 to vector<16xi32>
          %sub3A_564 = arith.subi %div3A_537, %sub3A_563 : vector<16xi32>
          %select_n3A_565 = arith.select %and3A_561, %sub3A_564, %div3A_537 : vector<16xi1>, vector<16xi32>
          %gather3A_566 = tpu.vector_load_idx %arg6[%select_n3A_565] : memref<528xi32, #tpu.memory_space<vmem>>[vector<16xi32>], vector<16xi32>,
          %le3A_567 = arith.cmpi sle, %gather3A_566, %add3A_220 : vector<16xi32>
          %add3A_568 = arith.constant 1 : i32
          %add3A_569 = vector.broadcast %add3A_568 : i32 to vector<16xi32>
          %add3A_570 = arith.addi %select_n3A_565, %add3A_569 : vector<16xi32>
          %select_n3A_571 = arith.select %le3A_567, %add3A_570, %select_n3A_532 : vector<16xi1>, vector<16xi32>
          %select_n3A_572 = arith.select %le3A_567, %select_n3A_533, %select_n3A_565 : vector<16xi1>, vector<16xi32>
          %add3A_573 = arith.addi %select_n3A_571, %select_n3A_572 : vector<16xi32>
          %jit3A_574 = arith.constant 2 : i32
          %div3A_575 = vector.broadcast %jit3A_574 : i32 to vector<16xi32>
          %div3A_576 = arith.divsi %add3A_573, %div3A_575 : vector<16xi32>
          %sign3A_577 = arith.constant 0 : i32
          %sign3A_578 = vector.broadcast %sign3A_577 : i32 to vector<16xi32>
          %sign3A_579 = arith.cmpi sgt, %add3A_573, %sign3A_578 : vector<16xi32>
          %sign3A_580 = arith.extui %sign3A_579 : vector<16xi1> to vector<16xi32>
          %sign3A_581 = arith.constant 0 : i32
          %sign3A_582 = vector.broadcast %sign3A_581 : i32 to vector<16xi32>
          %sign3A_583 = arith.cmpi slt, %add3A_573, %sign3A_582 : vector<16xi32>
          %sign3A_584 = arith.extui %sign3A_583 : vector<16xi1> to vector<16xi32>
          %sign3A_585 = arith.subi %sign3A_580, %sign3A_584 : vector<16xi32>
          %sign3A_586 = arith.constant 0 : i32
          %sign3A_587 = arith.cmpi sgt, %jit3A_574, %sign3A_586 : i32
          %sign3A_588 = arith.extui %sign3A_587 : i1 to i32
          %sign3A_589 = arith.constant 0 : i32
          %sign3A_590 = arith.cmpi slt, %jit3A_574, %sign3A_589 : i32
          %sign3A_591 = arith.extui %sign3A_590 : i1 to i32
          %sign3A_592 = arith.subi %sign3A_588, %sign3A_591 : i32
          %ne3A_593 = vector.broadcast %sign3A_592 : i32 to vector<16xi32>
          %ne3A_594 = arith.cmpi ne, %sign3A_585, %ne3A_593 : vector<16xi32>
          %rem3A_595 = vector.broadcast %jit3A_574 : i32 to vector<16xi32>
          %rem3A_596 = arith.remsi %add3A_573, %rem3A_595 : vector<16xi32>
          %ne3A_597 = arith.constant 0 : i32
          %ne3A_598 = vector.broadcast %ne3A_597 : i32 to vector<16xi32>
          %ne3A_599 = arith.cmpi ne, %rem3A_596, %ne3A_598 : vector<16xi32>
          %and3A_600 = arith.andi %ne3A_594, %ne3A_599 : vector<16xi1>
          %sub3A_601 = arith.constant 1 : i32
          %sub3A_602 = vector.broadcast %sub3A_601 : i32 to vector<16xi32>
          %sub3A_603 = arith.subi %div3A_576, %sub3A_602 : vector<16xi32>
          %select_n3A_604 = arith.select %and3A_600, %sub3A_603, %div3A_576 : vector<16xi1>, vector<16xi32>
          %gather3A_605 = tpu.vector_load_idx %arg6[%select_n3A_604] : memref<528xi32, #tpu.memory_space<vmem>>[vector<16xi32>], vector<16xi32>,
          %le3A_606 = arith.cmpi sle, %gather3A_605, %add3A_220 : vector<16xi32>
          %add3A_607 = arith.constant 1 : i32
          %add3A_608 = vector.broadcast %add3A_607 : i32 to vector<16xi32>
          %add3A_609 = arith.addi %select_n3A_604, %add3A_608 : vector<16xi32>
          %select_n3A_610 = arith.select %le3A_606, %add3A_609, %select_n3A_571 : vector<16xi1>, vector<16xi32>
          %select_n3A_611 = arith.select %le3A_606, %select_n3A_572, %select_n3A_604 : vector<16xi1>, vector<16xi32>
          %eq3A = arith.constant 0 : i32
          %eq3A_612 = vector.broadcast %eq3A : i32 to vector<16xi32>
          %eq3A_613 = arith.cmpi eq, %select_n3A_610, %eq3A_612 : vector<16xi32>
          %sub3A_614 = arith.constant 1 : i32
          %sub3A_615 = vector.broadcast %sub3A_614 : i32 to vector<16xi32>
          %sub3A_616 = arith.subi %select_n3A_610, %sub3A_615 : vector<16xi32>
          %jit3A_617 = arith.constant 512 : i32
          %broadcast_in_dim3A_618 = vector.broadcast %jit3A_617 : i32 to vector<16xi32>
          %select_n3A_619 = arith.select %eq3A_613, %broadcast_in_dim3A_618, %sub3A_616 : vector<16xi1>, vector<16xi32>
          %add3A_620 = vector.broadcast %mul3A_4 : i32 to vector<16xi32>
          %add3A_621 = arith.addi %add3A_620, %select_n3A_619 : vector<16xi32>
          %mul3A_622 = arith.constant 16 : i32
          %mul3A_623 = arith.muli %scan3A_215, %mul3A_622 : i32
          %swap3A = arith.constant 0 : i32
          %swap3A_624 = arith.index_cast %swap3A : i32 to index
          %swap3A_625 = arith.index_cast %mul3A_623 : i32 to index
          %swap3A_626 = tpu.vector_load %arg8[%swap3A_624, %swap3A_625] {strides = array<i32>} : memref<2x128xi32, #tpu.memory_space<vmem>>, vector<16xi32>,
          tpu.vector_store %arg8[%swap3A_624, %swap3A_625], %add3A_621 {strides = array<i32>} : memref<2x128xi32, #tpu.memory_space<vmem>>, vector<16xi32>,
        }
        %scan3A_214 = arith.constant 8 : i32
      } else {
      }
      %mul3A_175 = arith.constant 2 : i32
      %mul3A_176 = arith.muli %while3A_167, %mul3A_175 : i32
      %add3A_177 = arith.constant 1 : i32
      %add3A_178 = arith.addi %mul3A_176, %add3A_177 : i32
      %lt3A_179 = arith.cmpi slt, %add3A_178, %select_n3A_75 : i32
      %convert_element_type3A_180 = arith.extui %lt3A_179 : i1 to i32
      %cond3A_181 = arith.constant 0 : i32
      %cond3A_182 = arith.cmpi ne, %convert_element_type3A_180, %cond3A_181 : i32
      scf.if %cond3A_182 {
        %add3A_183 = arith.constant 1 : i32
        %add3A_184 = arith.addi %add3A_178, %add3A_183 : i32
        %lt3A_185 = arith.cmpi slt, %add3A_184, %select_n3A_75 : i32
        %convert_element_type3A_186 = arith.extui %lt3A_185 : i1 to i32
        %cond3A_187 = arith.constant 0 : i32
        %cond3A_188 = arith.cmpi ne, %convert_element_type3A_186, %cond3A_187 : i32
        scf.if %cond3A_188 {
          %add3A_215 = arith.constant 1 : i32
          %add3A_216 = arith.addi %add3A_178, %add3A_215 : i32
          %mul3A_217 = arith.constant 128 : i32
          %mul3A_218 = arith.muli %add3A_216, %mul3A_217 : i32
          %add3A_219 = arith.addi %mul3A_46, %mul3A_218 : i32
          %run_scoped3A_220 = arith.constant 0 : i32
          "tpu.region"() ({
            %run_scoped3A_221 = tpu.sem_alloc : memref<!tpu.dma_semaphore, #tpu.memory_space<semaphore_mem>>
            %dma_start3A = arith.constant 0 : i32
            %dma_start3A_222 = tpu.memref_slice %arg7[%run_scoped3A_220, %dma_start3A] : memref<2x128xi32, #tpu.memory_space<vmem>> -> memref<1x128xi32, #tpu.memory_space<vmem>>
            %dma_start3A_223 = tpu.memref_squeeze %dma_start3A_222 : memref<1x128xi32, #tpu.memory_space<vmem>> -> memref<128xi32, #tpu.memory_space<vmem>>
            %dma_start3A_224 = tpu.memref_slice %arg2[%add3A_219] : memref<819336xi32, #tpu.memory_space<hbm>> -> memref<128xi32, #tpu.memory_space<hbm>>
            %dma_start3A_225 = arith.constant 0 : i32
            %dma_start3A_226 = tpu.memref_slice %arg7[%run_scoped3A_220, %dma_start3A_225] : memref<2x128xi32, #tpu.memory_space<vmem>> -> memref<1x128xi32, #tpu.memory_space<vmem>>
            %dma_start3A_227 = tpu.memref_squeeze %dma_start3A_226 : memref<1x128xi32, #tpu.memory_space<vmem>> -> memref<128xi32, #tpu.memory_space<vmem>>
            %dma_start3A_228 = tpu.memref_slice %arg2[%add3A_219] : memref<819336xi32, #tpu.memory_space<hbm>> -> memref<128xi32, #tpu.memory_space<hbm>>
            tpu.enqueue_dma source(%dma_start3A_228 : memref<128xi32, #tpu.memory_space<hbm>>) target(%dma_start3A_227 : memref<128xi32, #tpu.memory_space<vmem>>) target_semaphore(%run_scoped3A_221 : memref<!tpu.dma_semaphore, #tpu.memory_space<semaphore_mem>>)
            %dma_wait3A_229 = arith.constant 0 : i32
            %dma_wait3A_230 = tpu.memref_slice %arg7[%run_scoped3A_220, %dma_wait3A_229] : memref<2x128xi32, #tpu.memory_space<vmem>> -> memref<1x128xi32, #tpu.memory_space<vmem>>
            %dma_wait3A_231 = tpu.memref_squeeze %dma_wait3A_230 : memref<1x128xi32, #tpu.memory_space<vmem>> -> memref<128xi32, #tpu.memory_space<vmem>>
            %dma_wait3A_232 = tpu.memref_slice %arg2[%add3A_219] : memref<819336xi32, #tpu.memory_space<hbm>> -> memref<128xi32, #tpu.memory_space<hbm>>
            %dma_wait3A_233 = arith.constant 0 : i32
            %dma_wait3A_234 = tpu.memref_slice %arg7[%run_scoped3A_220, %dma_wait3A_233] : memref<2x128xi32, #tpu.memory_space<vmem>> -> memref<1x128xi32, #tpu.memory_space<vmem>>
            %dma_wait3A_235 = tpu.memref_squeeze %dma_wait3A_234 : memref<1x128xi32, #tpu.memory_space<vmem>> -> memref<128xi32, #tpu.memory_space<vmem>>
            %dma_wait3A_236 = tpu.memref_slice %arg2[%add3A_219] : memref<819336xi32, #tpu.memory_space<hbm>> -> memref<128xi32, #tpu.memory_space<hbm>>
            tpu.wait_dma2 semaphore(%run_scoped3A_221 : memref<!tpu.dma_semaphore, #tpu.memory_space<semaphore_mem>>) src(%dma_wait3A_236 : memref<128xi32, #tpu.memory_space<hbm>>) dst(%dma_wait3A_235 : memref<128xi32, #tpu.memory_space<vmem>>)
            tpu.yield
          }) : () -> ()
        } else {
        }
        %dma_wait3A = arith.constant 1 : i32
        %dma_wait3A_189 = arith.constant 1 : i32
        %dma_wait3A_190 = arith.constant 0 : i32
        %dma_wait3A_191 = arith.constant 0 : i32
        %dma_wait3A_192 = tpu.memref_slice %arg9[%dma_wait3A_189, %dma_wait3A_190, %dma_wait3A_191] : memref<2x128x128xf32, #tpu.memory_space<vmem>> -> memref<1x128x128xf32, #tpu.memory_space<vmem>>
        %dma_wait3A_193 = tpu.memref_squeeze %dma_wait3A_192 : memref<1x128x128xf32, #tpu.memory_space<vmem>> -> memref<128x128xf32, #tpu.memory_space<vmem>>
        %dma_wait3A_194 = arith.constant 0 : i32
        %dma_wait3A_195 = tpu.memref_slice %arg7[%dma_wait3A, %dma_wait3A_194] : memref<2x128xi32, #tpu.memory_space<vmem>> -> memref<1x128xi32, #tpu.memory_space<vmem>>
        %dma_wait3A_196 = tpu.memref_squeeze %dma_wait3A_195 : memref<1x128xi32, #tpu.memory_space<vmem>> -> memref<128xi32, #tpu.memory_space<vmem>>
        %dma_wait3A_197 = arith.constant 0 : i32
        %dma_wait3A_198 = arith.constant 0 : i32
        %dma_wait3A_199 = tpu.memref_slice %arg4[%dma_wait3A_197, %dma_wait3A_198] : memref<100000x128xf32, #tpu.memory_space<hbm>> -> memref<100000x128xf32, #tpu.memory_space<hbm>>
        tpu.wait_indirect_dma semaphore(%arg13 : memref<!tpu.dma_semaphore, #tpu.memory_space<semaphore_mem>>) src(%dma_wait3A_199 : memref<100000x128xf32, #tpu.memory_space<hbm>>) dst(%dma_wait3A_193 : memref<128x128xf32, #tpu.memory_space<vmem>>)
        %add3A_200 = arith.constant 1 : i32
        %add3A_201 = arith.addi %add3A_178, %add3A_200 : i32
        %lt3A_202 = arith.cmpi slt, %add3A_201, %select_n3A_75 : i32
        %convert_element_type3A_203 = arith.extui %lt3A_202 : i1 to i32
        %cond3A_204 = arith.constant 0 : i32
        %cond3A_205 = arith.cmpi ne, %convert_element_type3A_203, %cond3A_204 : i32
        scf.if %cond3A_205 {
          %add3A_215 = arith.constant 1 : i32
          %add3A_216 = arith.addi %add3A_178, %add3A_215 : i32
          %dma_start3A = arith.constant 0 : i32
          %dma_start3A_217 = arith.constant 0 : i32
          %dma_start3A_218 = arith.constant 0 : i32
          %dma_start3A_219 = arith.constant 0 : i32
          %dma_start3A_220 = tpu.memref_slice %arg9[%dma_start3A_217, %dma_start3A_218, %dma_start3A_219] : memref<2x128x128xf32, #tpu.memory_space<vmem>> -> memref<1x128x128xf32, #tpu.memory_space<vmem>>
          %dma_start3A_221 = tpu.memref_squeeze %dma_start3A_220 : memref<1x128x128xf32, #tpu.memory_space<vmem>> -> memref<128x128xf32, #tpu.memory_space<vmem>>
          %dma_start3A_222 = arith.constant 0 : i32
          %dma_start3A_223 = tpu.memref_slice %arg7[%dma_start3A, %dma_start3A_222] : memref<2x128xi32, #tpu.memory_space<vmem>> -> memref<1x128xi32, #tpu.memory_space<vmem>>
          %dma_start3A_224 = tpu.memref_squeeze %dma_start3A_223 : memref<1x128xi32, #tpu.memory_space<vmem>> -> memref<128xi32, #tpu.memory_space<vmem>>
          %dma_start3A_225 = arith.constant 0 : i32
          %dma_start3A_226 = arith.constant 0 : i32
          %dma_start3A_227 = tpu.memref_slice %arg4[%dma_start3A_225, %dma_start3A_226] : memref<100000x128xf32, #tpu.memory_space<hbm>> -> memref<100000x128xf32, #tpu.memory_space<hbm>>
          tpu.enqueue_indirect_dma source(%dma_start3A_227 : memref<100000x128xf32, #tpu.memory_space<hbm>>) target(%dma_start3A_221 : memref<128x128xf32, #tpu.memory_space<vmem>>) offsets(%dma_start3A_224 : memref<128xi32, #tpu.memory_space<vmem>>) semaphore(%arg12 : memref<!tpu.dma_semaphore, #tpu.memory_space<semaphore_mem>>)
        } else {
        }
        %mul3A_206 = arith.constant 128 : i32
        %mul3A_207 = arith.muli %add3A_178, %mul3A_206 : i32
        %add3A_208 = arith.addi %mul3A_46, %mul3A_207 : i32
        %scan3A_209 = arith.constant 0 : i32
        %scan3A_210 = arith.constant 0 : i32
        %scan3A_211 = arith.constant 8 : i32
        %scan3A_212 = arith.addi %scan3A_210, %scan3A_211 : i32
        %scan3A_213 = arith.constant 1 : i32
        scf.for %scan3A_215 = %scan3A_210 to %scan3A_212 step %scan3A_213  : i32 {
          %mul3A_216 = arith.constant 16 : i32
          %mul3A_217 = arith.muli %scan3A_215, %mul3A_216 : i32
          %add3A_218 = arith.addi %add3A_208, %mul3A_217 : i32
          %add3A_219 = vector.broadcast %add3A_218 : i32 to vector<16xi32>
          %add3A_220 = arith.addi %add3A_219, %iota3A : vector<16xi32>
          %broadcast_in_dim3A = arith.constant 0 : i32
          %broadcast_in_dim3A_221 = vector.broadcast %broadcast_in_dim3A : i32 to vector<16xi32>
          %broadcast_in_dim3A_222 = arith.constant 513 : i32
          %broadcast_in_dim3A_223 = vector.broadcast %broadcast_in_dim3A_222 : i32 to vector<16xi32>
          %add3A_224 = arith.addi %broadcast_in_dim3A_221, %broadcast_in_dim3A_223 : vector<16xi32>
          %jit3A_225 = arith.constant 2 : i32
          %div3A_226 = vector.broadcast %jit3A_225 : i32 to vector<16xi32>
          %div3A_227 = arith.divsi %add3A_224, %div3A_226 : vector<16xi32>
          %sign3A_228 = arith.constant 0 : i32
          %sign3A_229 = vector.broadcast %sign3A_228 : i32 to vector<16xi32>
          %sign3A_230 = arith.cmpi sgt, %add3A_224, %sign3A_229 : vector<16xi32>
          %sign3A_231 = arith.extui %sign3A_230 : vector<16xi1> to vector<16xi32>
          %sign3A_232 = arith.constant 0 : i32
          %sign3A_233 = vector.broadcast %sign3A_232 : i32 to vector<16xi32>
          %sign3A_234 = arith.cmpi slt, %add3A_224, %sign3A_233 : vector<16xi32>
          %sign3A_235 = arith.extui %sign3A_234 : vector<16xi1> to vector<16xi32>
          %sign3A_236 = arith.subi %sign3A_231, %sign3A_235 : vector<16xi32>
          %sign3A_237 = arith.constant 0 : i32
          %sign3A_238 = arith.cmpi sgt, %jit3A_225, %sign3A_237 : i32
          %sign3A_239 = arith.extui %sign3A_238 : i1 to i32
          %sign3A_240 = arith.constant 0 : i32
          %sign3A_241 = arith.cmpi slt, %jit3A_225, %sign3A_240 : i32
          %sign3A_242 = arith.extui %sign3A_241 : i1 to i32
          %sign3A_243 = arith.subi %sign3A_239, %sign3A_242 : i32
          %ne3A_244 = vector.broadcast %sign3A_243 : i32 to vector<16xi32>
          %ne3A_245 = arith.cmpi ne, %sign3A_236, %ne3A_244 : vector<16xi32>
          %rem3A_246 = vector.broadcast %jit3A_225 : i32 to vector<16xi32>
          %rem3A_247 = arith.remsi %add3A_224, %rem3A_246 : vector<16xi32>
          %ne3A_248 = arith.constant 0 : i32
          %ne3A_249 = vector.broadcast %ne3A_248 : i32 to vector<16xi32>
          %ne3A_250 = arith.cmpi ne, %rem3A_247, %ne3A_249 : vector<16xi32>
          %and3A_251 = arith.andi %ne3A_245, %ne3A_250 : vector<16xi1>
          %sub3A_252 = arith.constant 1 : i32
          %sub3A_253 = vector.broadcast %sub3A_252 : i32 to vector<16xi32>
          %sub3A_254 = arith.subi %div3A_227, %sub3A_253 : vector<16xi32>
          %select_n3A_255 = arith.select %and3A_251, %sub3A_254, %div3A_227 : vector<16xi1>, vector<16xi32>
          %gather3A = tpu.vector_load_idx %arg6[%select_n3A_255] : memref<528xi32, #tpu.memory_space<vmem>>[vector<16xi32>], vector<16xi32>,
          %le3A = arith.cmpi sle, %gather3A, %add3A_220 : vector<16xi32>
          %add3A_256 = arith.constant 1 : i32
          %add3A_257 = vector.broadcast %add3A_256 : i32 to vector<16xi32>
          %add3A_258 = arith.addi %select_n3A_255, %add3A_257 : vector<16xi32>
          %select_n3A_259 = arith.select %le3A, %add3A_258, %broadcast_in_dim3A_221 : vector<16xi1>, vector<16xi32>
          %select_n3A_260 = arith.select %le3A, %broadcast_in_dim3A_223, %select_n3A_255 : vector<16xi1>, vector<16xi32>
          %add3A_261 = arith.addi %select_n3A_259, %select_n3A_260 : vector<16xi32>
          %jit3A_262 = arith.constant 2 : i32
          %div3A_263 = vector.broadcast %jit3A_262 : i32 to vector<16xi32>
          %div3A_264 = arith.divsi %add3A_261, %div3A_263 : vector<16xi32>
          %sign3A_265 = arith.constant 0 : i32
          %sign3A_266 = vector.broadcast %sign3A_265 : i32 to vector<16xi32>
          %sign3A_267 = arith.cmpi sgt, %add3A_261, %sign3A_266 : vector<16xi32>
          %sign3A_268 = arith.extui %sign3A_267 : vector<16xi1> to vector<16xi32>
          %sign3A_269 = arith.constant 0 : i32
          %sign3A_270 = vector.broadcast %sign3A_269 : i32 to vector<16xi32>
          %sign3A_271 = arith.cmpi slt, %add3A_261, %sign3A_270 : vector<16xi32>
          %sign3A_272 = arith.extui %sign3A_271 : vector<16xi1> to vector<16xi32>
          %sign3A_273 = arith.subi %sign3A_268, %sign3A_272 : vector<16xi32>
          %sign3A_274 = arith.constant 0 : i32
          %sign3A_275 = arith.cmpi sgt, %jit3A_262, %sign3A_274 : i32
          %sign3A_276 = arith.extui %sign3A_275 : i1 to i32
          %sign3A_277 = arith.constant 0 : i32
          %sign3A_278 = arith.cmpi slt, %jit3A_262, %sign3A_277 : i32
          %sign3A_279 = arith.extui %sign3A_278 : i1 to i32
          %sign3A_280 = arith.subi %sign3A_276, %sign3A_279 : i32
          %ne3A_281 = vector.broadcast %sign3A_280 : i32 to vector<16xi32>
          %ne3A_282 = arith.cmpi ne, %sign3A_273, %ne3A_281 : vector<16xi32>
          %rem3A_283 = vector.broadcast %jit3A_262 : i32 to vector<16xi32>
          %rem3A_284 = arith.remsi %add3A_261, %rem3A_283 : vector<16xi32>
          %ne3A_285 = arith.constant 0 : i32
          %ne3A_286 = vector.broadcast %ne3A_285 : i32 to vector<16xi32>
          %ne3A_287 = arith.cmpi ne, %rem3A_284, %ne3A_286 : vector<16xi32>
          %and3A_288 = arith.andi %ne3A_282, %ne3A_287 : vector<16xi1>
          %sub3A_289 = arith.constant 1 : i32
          %sub3A_290 = vector.broadcast %sub3A_289 : i32 to vector<16xi32>
          %sub3A_291 = arith.subi %div3A_264, %sub3A_290 : vector<16xi32>
          %select_n3A_292 = arith.select %and3A_288, %sub3A_291, %div3A_264 : vector<16xi1>, vector<16xi32>
          %gather3A_293 = tpu.vector_load_idx %arg6[%select_n3A_292] : memref<528xi32, #tpu.memory_space<vmem>>[vector<16xi32>], vector<16xi32>,
          %le3A_294 = arith.cmpi sle, %gather3A_293, %add3A_220 : vector<16xi32>
          %add3A_295 = arith.constant 1 : i32
          %add3A_296 = vector.broadcast %add3A_295 : i32 to vector<16xi32>
          %add3A_297 = arith.addi %select_n3A_292, %add3A_296 : vector<16xi32>
          %select_n3A_298 = arith.select %le3A_294, %add3A_297, %select_n3A_259 : vector<16xi1>, vector<16xi32>
          %select_n3A_299 = arith.select %le3A_294, %select_n3A_260, %select_n3A_292 : vector<16xi1>, vector<16xi32>
          %add3A_300 = arith.addi %select_n3A_298, %select_n3A_299 : vector<16xi32>
          %jit3A_301 = arith.constant 2 : i32
          %div3A_302 = vector.broadcast %jit3A_301 : i32 to vector<16xi32>
          %div3A_303 = arith.divsi %add3A_300, %div3A_302 : vector<16xi32>
          %sign3A_304 = arith.constant 0 : i32
          %sign3A_305 = vector.broadcast %sign3A_304 : i32 to vector<16xi32>
          %sign3A_306 = arith.cmpi sgt, %add3A_300, %sign3A_305 : vector<16xi32>
          %sign3A_307 = arith.extui %sign3A_306 : vector<16xi1> to vector<16xi32>
          %sign3A_308 = arith.constant 0 : i32
          %sign3A_309 = vector.broadcast %sign3A_308 : i32 to vector<16xi32>
          %sign3A_310 = arith.cmpi slt, %add3A_300, %sign3A_309 : vector<16xi32>
          %sign3A_311 = arith.extui %sign3A_310 : vector<16xi1> to vector<16xi32>
          %sign3A_312 = arith.subi %sign3A_307, %sign3A_311 : vector<16xi32>
          %sign3A_313 = arith.constant 0 : i32
          %sign3A_314 = arith.cmpi sgt, %jit3A_301, %sign3A_313 : i32
          %sign3A_315 = arith.extui %sign3A_314 : i1 to i32
          %sign3A_316 = arith.constant 0 : i32
          %sign3A_317 = arith.cmpi slt, %jit3A_301, %sign3A_316 : i32
          %sign3A_318 = arith.extui %sign3A_317 : i1 to i32
          %sign3A_319 = arith.subi %sign3A_315, %sign3A_318 : i32
          %ne3A_320 = vector.broadcast %sign3A_319 : i32 to vector<16xi32>
          %ne3A_321 = arith.cmpi ne, %sign3A_312, %ne3A_320 : vector<16xi32>
          %rem3A_322 = vector.broadcast %jit3A_301 : i32 to vector<16xi32>
          %rem3A_323 = arith.remsi %add3A_300, %rem3A_322 : vector<16xi32>
          %ne3A_324 = arith.constant 0 : i32
          %ne3A_325 = vector.broadcast %ne3A_324 : i32 to vector<16xi32>
          %ne3A_326 = arith.cmpi ne, %rem3A_323, %ne3A_325 : vector<16xi32>
          %and3A_327 = arith.andi %ne3A_321, %ne3A_326 : vector<16xi1>
          %sub3A_328 = arith.constant 1 : i32
          %sub3A_329 = vector.broadcast %sub3A_328 : i32 to vector<16xi32>
          %sub3A_330 = arith.subi %div3A_303, %sub3A_329 : vector<16xi32>
          %select_n3A_331 = arith.select %and3A_327, %sub3A_330, %div3A_303 : vector<16xi1>, vector<16xi32>
          %gather3A_332 = tpu.vector_load_idx %arg6[%select_n3A_331] : memref<528xi32, #tpu.memory_space<vmem>>[vector<16xi32>], vector<16xi32>,
          %le3A_333 = arith.cmpi sle, %gather3A_332, %add3A_220 : vector<16xi32>
          %add3A_334 = arith.constant 1 : i32
          %add3A_335 = vector.broadcast %add3A_334 : i32 to vector<16xi32>
          %add3A_336 = arith.addi %select_n3A_331, %add3A_335 : vector<16xi32>
          %select_n3A_337 = arith.select %le3A_333, %add3A_336, %select_n3A_298 : vector<16xi1>, vector<16xi32>
          %select_n3A_338 = arith.select %le3A_333, %select_n3A_299, %select_n3A_331 : vector<16xi1>, vector<16xi32>
          %add3A_339 = arith.addi %select_n3A_337, %select_n3A_338 : vector<16xi32>
          %jit3A_340 = arith.constant 2 : i32
          %div3A_341 = vector.broadcast %jit3A_340 : i32 to vector<16xi32>
          %div3A_342 = arith.divsi %add3A_339, %div3A_341 : vector<16xi32>
          %sign3A_343 = arith.constant 0 : i32
          %sign3A_344 = vector.broadcast %sign3A_343 : i32 to vector<16xi32>
          %sign3A_345 = arith.cmpi sgt, %add3A_339, %sign3A_344 : vector<16xi32>
          %sign3A_346 = arith.extui %sign3A_345 : vector<16xi1> to vector<16xi32>
          %sign3A_347 = arith.constant 0 : i32
          %sign3A_348 = vector.broadcast %sign3A_347 : i32 to vector<16xi32>
          %sign3A_349 = arith.cmpi slt, %add3A_339, %sign3A_348 : vector<16xi32>
          %sign3A_350 = arith.extui %sign3A_349 : vector<16xi1> to vector<16xi32>
          %sign3A_351 = arith.subi %sign3A_346, %sign3A_350 : vector<16xi32>
          %sign3A_352 = arith.constant 0 : i32
          %sign3A_353 = arith.cmpi sgt, %jit3A_340, %sign3A_352 : i32
          %sign3A_354 = arith.extui %sign3A_353 : i1 to i32
          %sign3A_355 = arith.constant 0 : i32
          %sign3A_356 = arith.cmpi slt, %jit3A_340, %sign3A_355 : i32
          %sign3A_357 = arith.extui %sign3A_356 : i1 to i32
          %sign3A_358 = arith.subi %sign3A_354, %sign3A_357 : i32
          %ne3A_359 = vector.broadcast %sign3A_358 : i32 to vector<16xi32>
          %ne3A_360 = arith.cmpi ne, %sign3A_351, %ne3A_359 : vector<16xi32>
          %rem3A_361 = vector.broadcast %jit3A_340 : i32 to vector<16xi32>
          %rem3A_362 = arith.remsi %add3A_339, %rem3A_361 : vector<16xi32>
          %ne3A_363 = arith.constant 0 : i32
          %ne3A_364 = vector.broadcast %ne3A_363 : i32 to vector<16xi32>
          %ne3A_365 = arith.cmpi ne, %rem3A_362, %ne3A_364 : vector<16xi32>
          %and3A_366 = arith.andi %ne3A_360, %ne3A_365 : vector<16xi1>
          %sub3A_367 = arith.constant 1 : i32
          %sub3A_368 = vector.broadcast %sub3A_367 : i32 to vector<16xi32>
          %sub3A_369 = arith.subi %div3A_342, %sub3A_368 : vector<16xi32>
          %select_n3A_370 = arith.select %and3A_366, %sub3A_369, %div3A_342 : vector<16xi1>, vector<16xi32>
          %gather3A_371 = tpu.vector_load_idx %arg6[%select_n3A_370] : memref<528xi32, #tpu.memory_space<vmem>>[vector<16xi32>], vector<16xi32>,
          %le3A_372 = arith.cmpi sle, %gather3A_371, %add3A_220 : vector<16xi32>
          %add3A_373 = arith.constant 1 : i32
          %add3A_374 = vector.broadcast %add3A_373 : i32 to vector<16xi32>
          %add3A_375 = arith.addi %select_n3A_370, %add3A_374 : vector<16xi32>
          %select_n3A_376 = arith.select %le3A_372, %add3A_375, %select_n3A_337 : vector<16xi1>, vector<16xi32>
          %select_n3A_377 = arith.select %le3A_372, %select_n3A_338, %select_n3A_370 : vector<16xi1>, vector<16xi32>
          %add3A_378 = arith.addi %select_n3A_376, %select_n3A_377 : vector<16xi32>
          %jit3A_379 = arith.constant 2 : i32
          %div3A_380 = vector.broadcast %jit3A_379 : i32 to vector<16xi32>
          %div3A_381 = arith.divsi %add3A_378, %div3A_380 : vector<16xi32>
          %sign3A_382 = arith.constant 0 : i32
          %sign3A_383 = vector.broadcast %sign3A_382 : i32 to vector<16xi32>
          %sign3A_384 = arith.cmpi sgt, %add3A_378, %sign3A_383 : vector<16xi32>
          %sign3A_385 = arith.extui %sign3A_384 : vector<16xi1> to vector<16xi32>
          %sign3A_386 = arith.constant 0 : i32
          %sign3A_387 = vector.broadcast %sign3A_386 : i32 to vector<16xi32>
          %sign3A_388 = arith.cmpi slt, %add3A_378, %sign3A_387 : vector<16xi32>
          %sign3A_389 = arith.extui %sign3A_388 : vector<16xi1> to vector<16xi32>
          %sign3A_390 = arith.subi %sign3A_385, %sign3A_389 : vector<16xi32>
          %sign3A_391 = arith.constant 0 : i32
          %sign3A_392 = arith.cmpi sgt, %jit3A_379, %sign3A_391 : i32
          %sign3A_393 = arith.extui %sign3A_392 : i1 to i32
          %sign3A_394 = arith.constant 0 : i32
          %sign3A_395 = arith.cmpi slt, %jit3A_379, %sign3A_394 : i32
          %sign3A_396 = arith.extui %sign3A_395 : i1 to i32
          %sign3A_397 = arith.subi %sign3A_393, %sign3A_396 : i32
          %ne3A_398 = vector.broadcast %sign3A_397 : i32 to vector<16xi32>
          %ne3A_399 = arith.cmpi ne, %sign3A_390, %ne3A_398 : vector<16xi32>
          %rem3A_400 = vector.broadcast %jit3A_379 : i32 to vector<16xi32>
          %rem3A_401 = arith.remsi %add3A_378, %rem3A_400 : vector<16xi32>
          %ne3A_402 = arith.constant 0 : i32
          %ne3A_403 = vector.broadcast %ne3A_402 : i32 to vector<16xi32>
          %ne3A_404 = arith.cmpi ne, %rem3A_401, %ne3A_403 : vector<16xi32>
          %and3A_405 = arith.andi %ne3A_399, %ne3A_404 : vector<16xi1>
          %sub3A_406 = arith.constant 1 : i32
          %sub3A_407 = vector.broadcast %sub3A_406 : i32 to vector<16xi32>
          %sub3A_408 = arith.subi %div3A_381, %sub3A_407 : vector<16xi32>
          %select_n3A_409 = arith.select %and3A_405, %sub3A_408, %div3A_381 : vector<16xi1>, vector<16xi32>
          %gather3A_410 = tpu.vector_load_idx %arg6[%select_n3A_409] : memref<528xi32, #tpu.memory_space<vmem>>[vector<16xi32>], vector<16xi32>,
          %le3A_411 = arith.cmpi sle, %gather3A_410, %add3A_220 : vector<16xi32>
          %add3A_412 = arith.constant 1 : i32
          %add3A_413 = vector.broadcast %add3A_412 : i32 to vector<16xi32>
          %add3A_414 = arith.addi %select_n3A_409, %add3A_413 : vector<16xi32>
          %select_n3A_415 = arith.select %le3A_411, %add3A_414, %select_n3A_376 : vector<16xi1>, vector<16xi32>
          %select_n3A_416 = arith.select %le3A_411, %select_n3A_377, %select_n3A_409 : vector<16xi1>, vector<16xi32>
          %add3A_417 = arith.addi %select_n3A_415, %select_n3A_416 : vector<16xi32>
          %jit3A_418 = arith.constant 2 : i32
          %div3A_419 = vector.broadcast %jit3A_418 : i32 to vector<16xi32>
          %div3A_420 = arith.divsi %add3A_417, %div3A_419 : vector<16xi32>
          %sign3A_421 = arith.constant 0 : i32
          %sign3A_422 = vector.broadcast %sign3A_421 : i32 to vector<16xi32>
          %sign3A_423 = arith.cmpi sgt, %add3A_417, %sign3A_422 : vector<16xi32>
          %sign3A_424 = arith.extui %sign3A_423 : vector<16xi1> to vector<16xi32>
          %sign3A_425 = arith.constant 0 : i32
          %sign3A_426 = vector.broadcast %sign3A_425 : i32 to vector<16xi32>
          %sign3A_427 = arith.cmpi slt, %add3A_417, %sign3A_426 : vector<16xi32>
          %sign3A_428 = arith.extui %sign3A_427 : vector<16xi1> to vector<16xi32>
          %sign3A_429 = arith.subi %sign3A_424, %sign3A_428 : vector<16xi32>
          %sign3A_430 = arith.constant 0 : i32
          %sign3A_431 = arith.cmpi sgt, %jit3A_418, %sign3A_430 : i32
          %sign3A_432 = arith.extui %sign3A_431 : i1 to i32
          %sign3A_433 = arith.constant 0 : i32
          %sign3A_434 = arith.cmpi slt, %jit3A_418, %sign3A_433 : i32
          %sign3A_435 = arith.extui %sign3A_434 : i1 to i32
          %sign3A_436 = arith.subi %sign3A_432, %sign3A_435 : i32
          %ne3A_437 = vector.broadcast %sign3A_436 : i32 to vector<16xi32>
          %ne3A_438 = arith.cmpi ne, %sign3A_429, %ne3A_437 : vector<16xi32>
          %rem3A_439 = vector.broadcast %jit3A_418 : i32 to vector<16xi32>
          %rem3A_440 = arith.remsi %add3A_417, %rem3A_439 : vector<16xi32>
          %ne3A_441 = arith.constant 0 : i32
          %ne3A_442 = vector.broadcast %ne3A_441 : i32 to vector<16xi32>
          %ne3A_443 = arith.cmpi ne, %rem3A_440, %ne3A_442 : vector<16xi32>
          %and3A_444 = arith.andi %ne3A_438, %ne3A_443 : vector<16xi1>
          %sub3A_445 = arith.constant 1 : i32
          %sub3A_446 = vector.broadcast %sub3A_445 : i32 to vector<16xi32>
          %sub3A_447 = arith.subi %div3A_420, %sub3A_446 : vector<16xi32>
          %select_n3A_448 = arith.select %and3A_444, %sub3A_447, %div3A_420 : vector<16xi1>, vector<16xi32>
          %gather3A_449 = tpu.vector_load_idx %arg6[%select_n3A_448] : memref<528xi32, #tpu.memory_space<vmem>>[vector<16xi32>], vector<16xi32>,
          %le3A_450 = arith.cmpi sle, %gather3A_449, %add3A_220 : vector<16xi32>
          %add3A_451 = arith.constant 1 : i32
          %add3A_452 = vector.broadcast %add3A_451 : i32 to vector<16xi32>
          %add3A_453 = arith.addi %select_n3A_448, %add3A_452 : vector<16xi32>
          %select_n3A_454 = arith.select %le3A_450, %add3A_453, %select_n3A_415 : vector<16xi1>, vector<16xi32>
          %select_n3A_455 = arith.select %le3A_450, %select_n3A_416, %select_n3A_448 : vector<16xi1>, vector<16xi32>
          %add3A_456 = arith.addi %select_n3A_454, %select_n3A_455 : vector<16xi32>
          %jit3A_457 = arith.constant 2 : i32
          %div3A_458 = vector.broadcast %jit3A_457 : i32 to vector<16xi32>
          %div3A_459 = arith.divsi %add3A_456, %div3A_458 : vector<16xi32>
          %sign3A_460 = arith.constant 0 : i32
          %sign3A_461 = vector.broadcast %sign3A_460 : i32 to vector<16xi32>
          %sign3A_462 = arith.cmpi sgt, %add3A_456, %sign3A_461 : vector<16xi32>
          %sign3A_463 = arith.extui %sign3A_462 : vector<16xi1> to vector<16xi32>
          %sign3A_464 = arith.constant 0 : i32
          %sign3A_465 = vector.broadcast %sign3A_464 : i32 to vector<16xi32>
          %sign3A_466 = arith.cmpi slt, %add3A_456, %sign3A_465 : vector<16xi32>
          %sign3A_467 = arith.extui %sign3A_466 : vector<16xi1> to vector<16xi32>
          %sign3A_468 = arith.subi %sign3A_463, %sign3A_467 : vector<16xi32>
          %sign3A_469 = arith.constant 0 : i32
          %sign3A_470 = arith.cmpi sgt, %jit3A_457, %sign3A_469 : i32
          %sign3A_471 = arith.extui %sign3A_470 : i1 to i32
          %sign3A_472 = arith.constant 0 : i32
          %sign3A_473 = arith.cmpi slt, %jit3A_457, %sign3A_472 : i32
          %sign3A_474 = arith.extui %sign3A_473 : i1 to i32
          %sign3A_475 = arith.subi %sign3A_471, %sign3A_474 : i32
          %ne3A_476 = vector.broadcast %sign3A_475 : i32 to vector<16xi32>
          %ne3A_477 = arith.cmpi ne, %sign3A_468, %ne3A_476 : vector<16xi32>
          %rem3A_478 = vector.broadcast %jit3A_457 : i32 to vector<16xi32>
          %rem3A_479 = arith.remsi %add3A_456, %rem3A_478 : vector<16xi32>
          %ne3A_480 = arith.constant 0 : i32
          %ne3A_481 = vector.broadcast %ne3A_480 : i32 to vector<16xi32>
          %ne3A_482 = arith.cmpi ne, %rem3A_479, %ne3A_481 : vector<16xi32>
          %and3A_483 = arith.andi %ne3A_477, %ne3A_482 : vector<16xi1>
          %sub3A_484 = arith.constant 1 : i32
          %sub3A_485 = vector.broadcast %sub3A_484 : i32 to vector<16xi32>
          %sub3A_486 = arith.subi %div3A_459, %sub3A_485 : vector<16xi32>
          %select_n3A_487 = arith.select %and3A_483, %sub3A_486, %div3A_459 : vector<16xi1>, vector<16xi32>
          %gather3A_488 = tpu.vector_load_idx %arg6[%select_n3A_487] : memref<528xi32, #tpu.memory_space<vmem>>[vector<16xi32>], vector<16xi32>,
          %le3A_489 = arith.cmpi sle, %gather3A_488, %add3A_220 : vector<16xi32>
          %add3A_490 = arith.constant 1 : i32
          %add3A_491 = vector.broadcast %add3A_490 : i32 to vector<16xi32>
          %add3A_492 = arith.addi %select_n3A_487, %add3A_491 : vector<16xi32>
          %select_n3A_493 = arith.select %le3A_489, %add3A_492, %select_n3A_454 : vector<16xi1>, vector<16xi32>
          %select_n3A_494 = arith.select %le3A_489, %select_n3A_455, %select_n3A_487 : vector<16xi1>, vector<16xi32>
          %add3A_495 = arith.addi %select_n3A_493, %select_n3A_494 : vector<16xi32>
          %jit3A_496 = arith.constant 2 : i32
          %div3A_497 = vector.broadcast %jit3A_496 : i32 to vector<16xi32>
          %div3A_498 = arith.divsi %add3A_495, %div3A_497 : vector<16xi32>
          %sign3A_499 = arith.constant 0 : i32
          %sign3A_500 = vector.broadcast %sign3A_499 : i32 to vector<16xi32>
          %sign3A_501 = arith.cmpi sgt, %add3A_495, %sign3A_500 : vector<16xi32>
          %sign3A_502 = arith.extui %sign3A_501 : vector<16xi1> to vector<16xi32>
          %sign3A_503 = arith.constant 0 : i32
          %sign3A_504 = vector.broadcast %sign3A_503 : i32 to vector<16xi32>
          %sign3A_505 = arith.cmpi slt, %add3A_495, %sign3A_504 : vector<16xi32>
          %sign3A_506 = arith.extui %sign3A_505 : vector<16xi1> to vector<16xi32>
          %sign3A_507 = arith.subi %sign3A_502, %sign3A_506 : vector<16xi32>
          %sign3A_508 = arith.constant 0 : i32
          %sign3A_509 = arith.cmpi sgt, %jit3A_496, %sign3A_508 : i32
          %sign3A_510 = arith.extui %sign3A_509 : i1 to i32
          %sign3A_511 = arith.constant 0 : i32
          %sign3A_512 = arith.cmpi slt, %jit3A_496, %sign3A_511 : i32
          %sign3A_513 = arith.extui %sign3A_512 : i1 to i32
          %sign3A_514 = arith.subi %sign3A_510, %sign3A_513 : i32
          %ne3A_515 = vector.broadcast %sign3A_514 : i32 to vector<16xi32>
          %ne3A_516 = arith.cmpi ne, %sign3A_507, %ne3A_515 : vector<16xi32>
          %rem3A_517 = vector.broadcast %jit3A_496 : i32 to vector<16xi32>
          %rem3A_518 = arith.remsi %add3A_495, %rem3A_517 : vector<16xi32>
          %ne3A_519 = arith.constant 0 : i32
          %ne3A_520 = vector.broadcast %ne3A_519 : i32 to vector<16xi32>
          %ne3A_521 = arith.cmpi ne, %rem3A_518, %ne3A_520 : vector<16xi32>
          %and3A_522 = arith.andi %ne3A_516, %ne3A_521 : vector<16xi1>
          %sub3A_523 = arith.constant 1 : i32
          %sub3A_524 = vector.broadcast %sub3A_523 : i32 to vector<16xi32>
          %sub3A_525 = arith.subi %div3A_498, %sub3A_524 : vector<16xi32>
          %select_n3A_526 = arith.select %and3A_522, %sub3A_525, %div3A_498 : vector<16xi1>, vector<16xi32>
          %gather3A_527 = tpu.vector_load_idx %arg6[%select_n3A_526] : memref<528xi32, #tpu.memory_space<vmem>>[vector<16xi32>], vector<16xi32>,
          %le3A_528 = arith.cmpi sle, %gather3A_527, %add3A_220 : vector<16xi32>
          %add3A_529 = arith.constant 1 : i32
          %add3A_530 = vector.broadcast %add3A_529 : i32 to vector<16xi32>
          %add3A_531 = arith.addi %select_n3A_526, %add3A_530 : vector<16xi32>
          %select_n3A_532 = arith.select %le3A_528, %add3A_531, %select_n3A_493 : vector<16xi1>, vector<16xi32>
          %select_n3A_533 = arith.select %le3A_528, %select_n3A_494, %select_n3A_526 : vector<16xi1>, vector<16xi32>
          %add3A_534 = arith.addi %select_n3A_532, %select_n3A_533 : vector<16xi32>
          %jit3A_535 = arith.constant 2 : i32
          %div3A_536 = vector.broadcast %jit3A_535 : i32 to vector<16xi32>
          %div3A_537 = arith.divsi %add3A_534, %div3A_536 : vector<16xi32>
          %sign3A_538 = arith.constant 0 : i32
          %sign3A_539 = vector.broadcast %sign3A_538 : i32 to vector<16xi32>
          %sign3A_540 = arith.cmpi sgt, %add3A_534, %sign3A_539 : vector<16xi32>
          %sign3A_541 = arith.extui %sign3A_540 : vector<16xi1> to vector<16xi32>
          %sign3A_542 = arith.constant 0 : i32
          %sign3A_543 = vector.broadcast %sign3A_542 : i32 to vector<16xi32>
          %sign3A_544 = arith.cmpi slt, %add3A_534, %sign3A_543 : vector<16xi32>
          %sign3A_545 = arith.extui %sign3A_544 : vector<16xi1> to vector<16xi32>
          %sign3A_546 = arith.subi %sign3A_541, %sign3A_545 : vector<16xi32>
          %sign3A_547 = arith.constant 0 : i32
          %sign3A_548 = arith.cmpi sgt, %jit3A_535, %sign3A_547 : i32
          %sign3A_549 = arith.extui %sign3A_548 : i1 to i32
          %sign3A_550 = arith.constant 0 : i32
          %sign3A_551 = arith.cmpi slt, %jit3A_535, %sign3A_550 : i32
          %sign3A_552 = arith.extui %sign3A_551 : i1 to i32
          %sign3A_553 = arith.subi %sign3A_549, %sign3A_552 : i32
          %ne3A_554 = vector.broadcast %sign3A_553 : i32 to vector<16xi32>
          %ne3A_555 = arith.cmpi ne, %sign3A_546, %ne3A_554 : vector<16xi32>
          %rem3A_556 = vector.broadcast %jit3A_535 : i32 to vector<16xi32>
          %rem3A_557 = arith.remsi %add3A_534, %rem3A_556 : vector<16xi32>
          %ne3A_558 = arith.constant 0 : i32
          %ne3A_559 = vector.broadcast %ne3A_558 : i32 to vector<16xi32>
          %ne3A_560 = arith.cmpi ne, %rem3A_557, %ne3A_559 : vector<16xi32>
          %and3A_561 = arith.andi %ne3A_555, %ne3A_560 : vector<16xi1>
          %sub3A_562 = arith.constant 1 : i32
          %sub3A_563 = vector.broadcast %sub3A_562 : i32 to vector<16xi32>
          %sub3A_564 = arith.subi %div3A_537, %sub3A_563 : vector<16xi32>
          %select_n3A_565 = arith.select %and3A_561, %sub3A_564, %div3A_537 : vector<16xi1>, vector<16xi32>
          %gather3A_566 = tpu.vector_load_idx %arg6[%select_n3A_565] : memref<528xi32, #tpu.memory_space<vmem>>[vector<16xi32>], vector<16xi32>,
          %le3A_567 = arith.cmpi sle, %gather3A_566, %add3A_220 : vector<16xi32>
          %add3A_568 = arith.constant 1 : i32
          %add3A_569 = vector.broadcast %add3A_568 : i32 to vector<16xi32>
          %add3A_570 = arith.addi %select_n3A_565, %add3A_569 : vector<16xi32>
          %select_n3A_571 = arith.select %le3A_567, %add3A_570, %select_n3A_532 : vector<16xi1>, vector<16xi32>
          %select_n3A_572 = arith.select %le3A_567, %select_n3A_533, %select_n3A_565 : vector<16xi1>, vector<16xi32>
          %add3A_573 = arith.addi %select_n3A_571, %select_n3A_572 : vector<16xi32>
          %jit3A_574 = arith.constant 2 : i32
          %div3A_575 = vector.broadcast %jit3A_574 : i32 to vector<16xi32>
          %div3A_576 = arith.divsi %add3A_573, %div3A_575 : vector<16xi32>
          %sign3A_577 = arith.constant 0 : i32
          %sign3A_578 = vector.broadcast %sign3A_577 : i32 to vector<16xi32>
          %sign3A_579 = arith.cmpi sgt, %add3A_573, %sign3A_578 : vector<16xi32>
          %sign3A_580 = arith.extui %sign3A_579 : vector<16xi1> to vector<16xi32>
          %sign3A_581 = arith.constant 0 : i32
          %sign3A_582 = vector.broadcast %sign3A_581 : i32 to vector<16xi32>
          %sign3A_583 = arith.cmpi slt, %add3A_573, %sign3A_582 : vector<16xi32>
          %sign3A_584 = arith.extui %sign3A_583 : vector<16xi1> to vector<16xi32>
          %sign3A_585 = arith.subi %sign3A_580, %sign3A_584 : vector<16xi32>
          %sign3A_586 = arith.constant 0 : i32
          %sign3A_587 = arith.cmpi sgt, %jit3A_574, %sign3A_586 : i32
          %sign3A_588 = arith.extui %sign3A_587 : i1 to i32
          %sign3A_589 = arith.constant 0 : i32
          %sign3A_590 = arith.cmpi slt, %jit3A_574, %sign3A_589 : i32
          %sign3A_591 = arith.extui %sign3A_590 : i1 to i32
          %sign3A_592 = arith.subi %sign3A_588, %sign3A_591 : i32
          %ne3A_593 = vector.broadcast %sign3A_592 : i32 to vector<16xi32>
          %ne3A_594 = arith.cmpi ne, %sign3A_585, %ne3A_593 : vector<16xi32>
          %rem3A_595 = vector.broadcast %jit3A_574 : i32 to vector<16xi32>
          %rem3A_596 = arith.remsi %add3A_573, %rem3A_595 : vector<16xi32>
          %ne3A_597 = arith.constant 0 : i32
          %ne3A_598 = vector.broadcast %ne3A_597 : i32 to vector<16xi32>
          %ne3A_599 = arith.cmpi ne, %rem3A_596, %ne3A_598 : vector<16xi32>
          %and3A_600 = arith.andi %ne3A_594, %ne3A_599 : vector<16xi1>
          %sub3A_601 = arith.constant 1 : i32
          %sub3A_602 = vector.broadcast %sub3A_601 : i32 to vector<16xi32>
          %sub3A_603 = arith.subi %div3A_576, %sub3A_602 : vector<16xi32>
          %select_n3A_604 = arith.select %and3A_600, %sub3A_603, %div3A_576 : vector<16xi1>, vector<16xi32>
          %gather3A_605 = tpu.vector_load_idx %arg6[%select_n3A_604] : memref<528xi32, #tpu.memory_space<vmem>>[vector<16xi32>], vector<16xi32>,
          %le3A_606 = arith.cmpi sle, %gather3A_605, %add3A_220 : vector<16xi32>
          %add3A_607 = arith.constant 1 : i32
          %add3A_608 = vector.broadcast %add3A_607 : i32 to vector<16xi32>
          %add3A_609 = arith.addi %select_n3A_604, %add3A_608 : vector<16xi32>
          %select_n3A_610 = arith.select %le3A_606, %add3A_609, %select_n3A_571 : vector<16xi1>, vector<16xi32>
          %select_n3A_611 = arith.select %le3A_606, %select_n3A_572, %select_n3A_604 : vector<16xi1>, vector<16xi32>
          %eq3A = arith.constant 0 : i32
          %eq3A_612 = vector.broadcast %eq3A : i32 to vector<16xi32>
          %eq3A_613 = arith.cmpi eq, %select_n3A_610, %eq3A_612 : vector<16xi32>
          %sub3A_614 = arith.constant 1 : i32
          %sub3A_615 = vector.broadcast %sub3A_614 : i32 to vector<16xi32>
          %sub3A_616 = arith.subi %select_n3A_610, %sub3A_615 : vector<16xi32>
          %jit3A_617 = arith.constant 512 : i32
          %broadcast_in_dim3A_618 = vector.broadcast %jit3A_617 : i32 to vector<16xi32>
          %select_n3A_619 = arith.select %eq3A_613, %broadcast_in_dim3A_618, %sub3A_616 : vector<16xi1>, vector<16xi32>
          %add3A_620 = vector.broadcast %mul3A_4 : i32 to vector<16xi32>
          %add3A_621 = arith.addi %add3A_620, %select_n3A_619 : vector<16xi32>
          %mul3A_622 = arith.constant 16 : i32
          %mul3A_623 = arith.muli %scan3A_215, %mul3A_622 : i32
          %swap3A = arith.constant 1 : i32
          %swap3A_624 = arith.index_cast %swap3A : i32 to index
          %swap3A_625 = arith.index_cast %mul3A_623 : i32 to index
          %swap3A_626 = tpu.vector_load %arg8[%swap3A_624, %swap3A_625] {strides = array<i32>} : memref<2x128xi32, #tpu.memory_space<vmem>>, vector<16xi32>,
          tpu.vector_store %arg8[%swap3A_624, %swap3A_625], %add3A_621 {strides = array<i32>} : memref<2x128xi32, #tpu.memory_space<vmem>>, vector<16xi32>,
        }
        %scan3A_214 = arith.constant 8 : i32
      } else {
      }
    }
    %while3A_112 = arith.constant 1 : i32
    scf.for %while3A_167 = %while3A_110 to %while3A_106 step %while3A_112  : i32 {
      %mul3A_168 = arith.constant 2 : i32
      %mul3A_169 = arith.muli %while3A_167, %mul3A_168 : i32
      %add3A_170 = arith.constant 0 : i32
      %add3A_171 = arith.addi %mul3A_169, %add3A_170 : i32
      %lt3A = arith.cmpi slt, %add3A_171, %select_n3A_75 : i32
      %convert_element_type3A_172 = arith.extui %lt3A : i1 to i32
      %cond3A_173 = arith.constant 0 : i32
      %cond3A_174 = arith.cmpi ne, %convert_element_type3A_172, %cond3A_173 : i32
      scf.if %cond3A_174 {
        %add3A_183 = arith.constant 1 : i32
        %add3A_184 = arith.addi %add3A_171, %add3A_183 : i32
        %lt3A_185 = arith.cmpi slt, %add3A_184, %select_n3A_75 : i32
        %convert_element_type3A_186 = arith.extui %lt3A_185 : i1 to i32
        %cond3A_187 = arith.constant 0 : i32
        %cond3A_188 = arith.cmpi ne, %convert_element_type3A_186, %cond3A_187 : i32
        scf.if %cond3A_188 {
          %add3A_215 = arith.constant 1 : i32
          %add3A_216 = arith.addi %add3A_171, %add3A_215 : i32
          %mul3A_217 = arith.constant 128 : i32
          %mul3A_218 = arith.muli %add3A_216, %mul3A_217 : i32
          %add3A_219 = arith.addi %mul3A_46, %mul3A_218 : i32
          %run_scoped3A_220 = arith.constant 1 : i32
          "tpu.region"() ({
            %run_scoped3A_221 = tpu.sem_alloc : memref<!tpu.dma_semaphore, #tpu.memory_space<semaphore_mem>>
            %dma_start3A = arith.constant 0 : i32
            %dma_start3A_222 = tpu.memref_slice %arg7[%run_scoped3A_220, %dma_start3A] : memref<2x128xi32, #tpu.memory_space<vmem>> -> memref<1x128xi32, #tpu.memory_space<vmem>>
            %dma_start3A_223 = tpu.memref_squeeze %dma_start3A_222 : memref<1x128xi32, #tpu.memory_space<vmem>> -> memref<128xi32, #tpu.memory_space<vmem>>
            %dma_start3A_224 = tpu.memref_slice %arg2[%add3A_219] : memref<819336xi32, #tpu.memory_space<hbm>> -> memref<128xi32, #tpu.memory_space<hbm>>
            %dma_start3A_225 = arith.constant 0 : i32
            %dma_start3A_226 = tpu.memref_slice %arg7[%run_scoped3A_220, %dma_start3A_225] : memref<2x128xi32, #tpu.memory_space<vmem>> -> memref<1x128xi32, #tpu.memory_space<vmem>>
            %dma_start3A_227 = tpu.memref_squeeze %dma_start3A_226 : memref<1x128xi32, #tpu.memory_space<vmem>> -> memref<128xi32, #tpu.memory_space<vmem>>
            %dma_start3A_228 = tpu.memref_slice %arg2[%add3A_219] : memref<819336xi32, #tpu.memory_space<hbm>> -> memref<128xi32, #tpu.memory_space<hbm>>
            tpu.enqueue_dma source(%dma_start3A_228 : memref<128xi32, #tpu.memory_space<hbm>>) target(%dma_start3A_227 : memref<128xi32, #tpu.memory_space<vmem>>) target_semaphore(%run_scoped3A_221 : memref<!tpu.dma_semaphore, #tpu.memory_space<semaphore_mem>>)
            %dma_wait3A_229 = arith.constant 0 : i32
            %dma_wait3A_230 = tpu.memref_slice %arg7[%run_scoped3A_220, %dma_wait3A_229] : memref<2x128xi32, #tpu.memory_space<vmem>> -> memref<1x128xi32, #tpu.memory_space<vmem>>
            %dma_wait3A_231 = tpu.memref_squeeze %dma_wait3A_230 : memref<1x128xi32, #tpu.memory_space<vmem>> -> memref<128xi32, #tpu.memory_space<vmem>>
            %dma_wait3A_232 = tpu.memref_slice %arg2[%add3A_219] : memref<819336xi32, #tpu.memory_space<hbm>> -> memref<128xi32, #tpu.memory_space<hbm>>
            %dma_wait3A_233 = arith.constant 0 : i32
            %dma_wait3A_234 = tpu.memref_slice %arg7[%run_scoped3A_220, %dma_wait3A_233] : memref<2x128xi32, #tpu.memory_space<vmem>> -> memref<1x128xi32, #tpu.memory_space<vmem>>
            %dma_wait3A_235 = tpu.memref_squeeze %dma_wait3A_234 : memref<1x128xi32, #tpu.memory_space<vmem>> -> memref<128xi32, #tpu.memory_space<vmem>>
            %dma_wait3A_236 = tpu.memref_slice %arg2[%add3A_219] : memref<819336xi32, #tpu.memory_space<hbm>> -> memref<128xi32, #tpu.memory_space<hbm>>
            tpu.wait_dma2 semaphore(%run_scoped3A_221 : memref<!tpu.dma_semaphore, #tpu.memory_space<semaphore_mem>>) src(%dma_wait3A_236 : memref<128xi32, #tpu.memory_space<hbm>>) dst(%dma_wait3A_235 : memref<128xi32, #tpu.memory_space<vmem>>)
            tpu.yield
          }) : () -> ()
        } else {
        }
        %dma_wait3A = arith.constant 0 : i32
        %dma_wait3A_189 = arith.constant 0 : i32
        %dma_wait3A_190 = arith.constant 0 : i32
        %dma_wait3A_191 = arith.constant 0 : i32
        %dma_wait3A_192 = tpu.memref_slice %arg9[%dma_wait3A_189, %dma_wait3A_190, %dma_wait3A_191] : memref<2x128x128xf32, #tpu.memory_space<vmem>> -> memref<1x128x128xf32, #tpu.memory_space<vmem>>
        %dma_wait3A_193 = tpu.memref_squeeze %dma_wait3A_192 : memref<1x128x128xf32, #tpu.memory_space<vmem>> -> memref<128x128xf32, #tpu.memory_space<vmem>>
        %dma_wait3A_194 = arith.constant 0 : i32
        %dma_wait3A_195 = tpu.memref_slice %arg7[%dma_wait3A, %dma_wait3A_194] : memref<2x128xi32, #tpu.memory_space<vmem>> -> memref<1x128xi32, #tpu.memory_space<vmem>>
        %dma_wait3A_196 = tpu.memref_squeeze %dma_wait3A_195 : memref<1x128xi32, #tpu.memory_space<vmem>> -> memref<128xi32, #tpu.memory_space<vmem>>
        %dma_wait3A_197 = arith.constant 0 : i32
        %dma_wait3A_198 = arith.constant 0 : i32
        %dma_wait3A_199 = tpu.memref_slice %arg4[%dma_wait3A_197, %dma_wait3A_198] : memref<100000x128xf32, #tpu.memory_space<hbm>> -> memref<100000x128xf32, #tpu.memory_space<hbm>>
        tpu.wait_indirect_dma semaphore(%arg12 : memref<!tpu.dma_semaphore, #tpu.memory_space<semaphore_mem>>) src(%dma_wait3A_199 : memref<100000x128xf32, #tpu.memory_space<hbm>>) dst(%dma_wait3A_193 : memref<128x128xf32, #tpu.memory_space<vmem>>)
        %add3A_200 = arith.constant 1 : i32
        %add3A_201 = arith.addi %add3A_171, %add3A_200 : i32
        %lt3A_202 = arith.cmpi slt, %add3A_201, %select_n3A_75 : i32
        %convert_element_type3A_203 = arith.extui %lt3A_202 : i1 to i32
        %cond3A_204 = arith.constant 0 : i32
        %cond3A_205 = arith.cmpi ne, %convert_element_type3A_203, %cond3A_204 : i32
        scf.if %cond3A_205 {
          %add3A_215 = arith.constant 1 : i32
          %add3A_216 = arith.addi %add3A_171, %add3A_215 : i32
          %dma_start3A = arith.constant 1 : i32
          %dma_start3A_217 = arith.constant 1 : i32
          %dma_start3A_218 = arith.constant 0 : i32
          %dma_start3A_219 = arith.constant 0 : i32
          %dma_start3A_220 = tpu.memref_slice %arg9[%dma_start3A_217, %dma_start3A_218, %dma_start3A_219] : memref<2x128x128xf32, #tpu.memory_space<vmem>> -> memref<1x128x128xf32, #tpu.memory_space<vmem>>
          %dma_start3A_221 = tpu.memref_squeeze %dma_start3A_220 : memref<1x128x128xf32, #tpu.memory_space<vmem>> -> memref<128x128xf32, #tpu.memory_space<vmem>>
          %dma_start3A_222 = arith.constant 0 : i32
          %dma_start3A_223 = tpu.memref_slice %arg7[%dma_start3A, %dma_start3A_222] : memref<2x128xi32, #tpu.memory_space<vmem>> -> memref<1x128xi32, #tpu.memory_space<vmem>>
          %dma_start3A_224 = tpu.memref_squeeze %dma_start3A_223 : memref<1x128xi32, #tpu.memory_space<vmem>> -> memref<128xi32, #tpu.memory_space<vmem>>
          %dma_start3A_225 = arith.constant 0 : i32
          %dma_start3A_226 = arith.constant 0 : i32
          %dma_start3A_227 = tpu.memref_slice %arg4[%dma_start3A_225, %dma_start3A_226] : memref<100000x128xf32, #tpu.memory_space<hbm>> -> memref<100000x128xf32, #tpu.memory_space<hbm>>
          tpu.enqueue_indirect_dma source(%dma_start3A_227 : memref<100000x128xf32, #tpu.memory_space<hbm>>) target(%dma_start3A_221 : memref<128x128xf32, #tpu.memory_space<vmem>>) offsets(%dma_start3A_224 : memref<128xi32, #tpu.memory_space<vmem>>) semaphore(%arg13 : memref<!tpu.dma_semaphore, #tpu.memory_space<semaphore_mem>>)
        } else {
        }
        %mul3A_206 = arith.constant 128 : i32
        %mul3A_207 = arith.muli %add3A_171, %mul3A_206 : i32
        %add3A_208 = arith.addi %mul3A_46, %mul3A_207 : i32
        %scan3A_209 = arith.constant 0 : i32
        %scan3A_210 = arith.constant 0 : i32
        %scan3A_211 = arith.constant 8 : i32
        %scan3A_212 = arith.addi %scan3A_210, %scan3A_211 : i32
        %scan3A_213 = arith.constant 1 : i32
        scf.for %scan3A_215 = %scan3A_210 to %scan3A_212 step %scan3A_213  : i32 {
          %mul3A_216 = arith.constant 16 : i32
          %mul3A_217 = arith.muli %scan3A_215, %mul3A_216 : i32
          %add3A_218 = arith.addi %add3A_208, %mul3A_217 : i32
          %add3A_219 = vector.broadcast %add3A_218 : i32 to vector<16xi32>
          %add3A_220 = arith.addi %add3A_219, %iota3A : vector<16xi32>
          %broadcast_in_dim3A = arith.constant 0 : i32
          %broadcast_in_dim3A_221 = vector.broadcast %broadcast_in_dim3A : i32 to vector<16xi32>
          %broadcast_in_dim3A_222 = arith.constant 513 : i32
          %broadcast_in_dim3A_223 = vector.broadcast %broadcast_in_dim3A_222 : i32 to vector<16xi32>
          %add3A_224 = arith.addi %broadcast_in_dim3A_221, %broadcast_in_dim3A_223 : vector<16xi32>
          %jit3A_225 = arith.constant 2 : i32
          %div3A_226 = vector.broadcast %jit3A_225 : i32 to vector<16xi32>
          %div3A_227 = arith.divsi %add3A_224, %div3A_226 : vector<16xi32>
          %sign3A_228 = arith.constant 0 : i32
          %sign3A_229 = vector.broadcast %sign3A_228 : i32 to vector<16xi32>
          %sign3A_230 = arith.cmpi sgt, %add3A_224, %sign3A_229 : vector<16xi32>
          %sign3A_231 = arith.extui %sign3A_230 : vector<16xi1> to vector<16xi32>
          %sign3A_232 = arith.constant 0 : i32
          %sign3A_233 = vector.broadcast %sign3A_232 : i32 to vector<16xi32>
          %sign3A_234 = arith.cmpi slt, %add3A_224, %sign3A_233 : vector<16xi32>
          %sign3A_235 = arith.extui %sign3A_234 : vector<16xi1> to vector<16xi32>
          %sign3A_236 = arith.subi %sign3A_231, %sign3A_235 : vector<16xi32>
          %sign3A_237 = arith.constant 0 : i32
          %sign3A_238 = arith.cmpi sgt, %jit3A_225, %sign3A_237 : i32
          %sign3A_239 = arith.extui %sign3A_238 : i1 to i32
          %sign3A_240 = arith.constant 0 : i32
          %sign3A_241 = arith.cmpi slt, %jit3A_225, %sign3A_240 : i32
          %sign3A_242 = arith.extui %sign3A_241 : i1 to i32
          %sign3A_243 = arith.subi %sign3A_239, %sign3A_242 : i32
          %ne3A_244 = vector.broadcast %sign3A_243 : i32 to vector<16xi32>
          %ne3A_245 = arith.cmpi ne, %sign3A_236, %ne3A_244 : vector<16xi32>
          %rem3A_246 = vector.broadcast %jit3A_225 : i32 to vector<16xi32>
          %rem3A_247 = arith.remsi %add3A_224, %rem3A_246 : vector<16xi32>
          %ne3A_248 = arith.constant 0 : i32
          %ne3A_249 = vector.broadcast %ne3A_248 : i32 to vector<16xi32>
          %ne3A_250 = arith.cmpi ne, %rem3A_247, %ne3A_249 : vector<16xi32>
          %and3A_251 = arith.andi %ne3A_245, %ne3A_250 : vector<16xi1>
          %sub3A_252 = arith.constant 1 : i32
          %sub3A_253 = vector.broadcast %sub3A_252 : i32 to vector<16xi32>
          %sub3A_254 = arith.subi %div3A_227, %sub3A_253 : vector<16xi32>
          %select_n3A_255 = arith.select %and3A_251, %sub3A_254, %div3A_227 : vector<16xi1>, vector<16xi32>
          %gather3A = tpu.vector_load_idx %arg6[%select_n3A_255] : memref<528xi32, #tpu.memory_space<vmem>>[vector<16xi32>], vector<16xi32>,
          %le3A = arith.cmpi sle, %gather3A, %add3A_220 : vector<16xi32>
          %add3A_256 = arith.constant 1 : i32
          %add3A_257 = vector.broadcast %add3A_256 : i32 to vector<16xi32>
          %add3A_258 = arith.addi %select_n3A_255, %add3A_257 : vector<16xi32>
          %select_n3A_259 = arith.select %le3A, %add3A_258, %broadcast_in_dim3A_221 : vector<16xi1>, vector<16xi32>
          %select_n3A_260 = arith.select %le3A, %broadcast_in_dim3A_223, %select_n3A_255 : vector<16xi1>, vector<16xi32>
          %add3A_261 = arith.addi %select_n3A_259, %select_n3A_260 : vector<16xi32>
          %jit3A_262 = arith.constant 2 : i32
          %div3A_263 = vector.broadcast %jit3A_262 : i32 to vector<16xi32>
          %div3A_264 = arith.divsi %add3A_261, %div3A_263 : vector<16xi32>
          %sign3A_265 = arith.constant 0 : i32
          %sign3A_266 = vector.broadcast %sign3A_265 : i32 to vector<16xi32>
          %sign3A_267 = arith.cmpi sgt, %add3A_261, %sign3A_266 : vector<16xi32>
          %sign3A_268 = arith.extui %sign3A_267 : vector<16xi1> to vector<16xi32>
          %sign3A_269 = arith.constant 0 : i32
          %sign3A_270 = vector.broadcast %sign3A_269 : i32 to vector<16xi32>
          %sign3A_271 = arith.cmpi slt, %add3A_261, %sign3A_270 : vector<16xi32>
          %sign3A_272 = arith.extui %sign3A_271 : vector<16xi1> to vector<16xi32>
          %sign3A_273 = arith.subi %sign3A_268, %sign3A_272 : vector<16xi32>
          %sign3A_274 = arith.constant 0 : i32
          %sign3A_275 = arith.cmpi sgt, %jit3A_262, %sign3A_274 : i32
          %sign3A_276 = arith.extui %sign3A_275 : i1 to i32
          %sign3A_277 = arith.constant 0 : i32
          %sign3A_278 = arith.cmpi slt, %jit3A_262, %sign3A_277 : i32
          %sign3A_279 = arith.extui %sign3A_278 : i1 to i32
          %sign3A_280 = arith.subi %sign3A_276, %sign3A_279 : i32
          %ne3A_281 = vector.broadcast %sign3A_280 : i32 to vector<16xi32>
          %ne3A_282 = arith.cmpi ne, %sign3A_273, %ne3A_281 : vector<16xi32>
          %rem3A_283 = vector.broadcast %jit3A_262 : i32 to vector<16xi32>
          %rem3A_284 = arith.remsi %add3A_261, %rem3A_283 : vector<16xi32>
          %ne3A_285 = arith.constant 0 : i32
          %ne3A_286 = vector.broadcast %ne3A_285 : i32 to vector<16xi32>
          %ne3A_287 = arith.cmpi ne, %rem3A_284, %ne3A_286 : vector<16xi32>
          %and3A_288 = arith.andi %ne3A_282, %ne3A_287 : vector<16xi1>
          %sub3A_289 = arith.constant 1 : i32
          %sub3A_290 = vector.broadcast %sub3A_289 : i32 to vector<16xi32>
          %sub3A_291 = arith.subi %div3A_264, %sub3A_290 : vector<16xi32>
          %select_n3A_292 = arith.select %and3A_288, %sub3A_291, %div3A_264 : vector<16xi1>, vector<16xi32>
          %gather3A_293 = tpu.vector_load_idx %arg6[%select_n3A_292] : memref<528xi32, #tpu.memory_space<vmem>>[vector<16xi32>], vector<16xi32>,
          %le3A_294 = arith.cmpi sle, %gather3A_293, %add3A_220 : vector<16xi32>
          %add3A_295 = arith.constant 1 : i32
          %add3A_296 = vector.broadcast %add3A_295 : i32 to vector<16xi32>
          %add3A_297 = arith.addi %select_n3A_292, %add3A_296 : vector<16xi32>
          %select_n3A_298 = arith.select %le3A_294, %add3A_297, %select_n3A_259 : vector<16xi1>, vector<16xi32>
          %select_n3A_299 = arith.select %le3A_294, %select_n3A_260, %select_n3A_292 : vector<16xi1>, vector<16xi32>
          %add3A_300 = arith.addi %select_n3A_298, %select_n3A_299 : vector<16xi32>
          %jit3A_301 = arith.constant 2 : i32
          %div3A_302 = vector.broadcast %jit3A_301 : i32 to vector<16xi32>
          %div3A_303 = arith.divsi %add3A_300, %div3A_302 : vector<16xi32>
          %sign3A_304 = arith.constant 0 : i32
          %sign3A_305 = vector.broadcast %sign3A_304 : i32 to vector<16xi32>
          %sign3A_306 = arith.cmpi sgt, %add3A_300, %sign3A_305 : vector<16xi32>
          %sign3A_307 = arith.extui %sign3A_306 : vector<16xi1> to vector<16xi32>
          %sign3A_308 = arith.constant 0 : i32
          %sign3A_309 = vector.broadcast %sign3A_308 : i32 to vector<16xi32>
          %sign3A_310 = arith.cmpi slt, %add3A_300, %sign3A_309 : vector<16xi32>
          %sign3A_311 = arith.extui %sign3A_310 : vector<16xi1> to vector<16xi32>
          %sign3A_312 = arith.subi %sign3A_307, %sign3A_311 : vector<16xi32>
          %sign3A_313 = arith.constant 0 : i32
          %sign3A_314 = arith.cmpi sgt, %jit3A_301, %sign3A_313 : i32
          %sign3A_315 = arith.extui %sign3A_314 : i1 to i32
          %sign3A_316 = arith.constant 0 : i32
          %sign3A_317 = arith.cmpi slt, %jit3A_301, %sign3A_316 : i32
          %sign3A_318 = arith.extui %sign3A_317 : i1 to i32
          %sign3A_319 = arith.subi %sign3A_315, %sign3A_318 : i32
          %ne3A_320 = vector.broadcast %sign3A_319 : i32 to vector<16xi32>
          %ne3A_321 = arith.cmpi ne, %sign3A_312, %ne3A_320 : vector<16xi32>
          %rem3A_322 = vector.broadcast %jit3A_301 : i32 to vector<16xi32>
          %rem3A_323 = arith.remsi %add3A_300, %rem3A_322 : vector<16xi32>
          %ne3A_324 = arith.constant 0 : i32
          %ne3A_325 = vector.broadcast %ne3A_324 : i32 to vector<16xi32>
          %ne3A_326 = arith.cmpi ne, %rem3A_323, %ne3A_325 : vector<16xi32>
          %and3A_327 = arith.andi %ne3A_321, %ne3A_326 : vector<16xi1>
          %sub3A_328 = arith.constant 1 : i32
          %sub3A_329 = vector.broadcast %sub3A_328 : i32 to vector<16xi32>
          %sub3A_330 = arith.subi %div3A_303, %sub3A_329 : vector<16xi32>
          %select_n3A_331 = arith.select %and3A_327, %sub3A_330, %div3A_303 : vector<16xi1>, vector<16xi32>
          %gather3A_332 = tpu.vector_load_idx %arg6[%select_n3A_331] : memref<528xi32, #tpu.memory_space<vmem>>[vector<16xi32>], vector<16xi32>,
          %le3A_333 = arith.cmpi sle, %gather3A_332, %add3A_220 : vector<16xi32>
          %add3A_334 = arith.constant 1 : i32
          %add3A_335 = vector.broadcast %add3A_334 : i32 to vector<16xi32>
          %add3A_336 = arith.addi %select_n3A_331, %add3A_335 : vector<16xi32>
          %select_n3A_337 = arith.select %le3A_333, %add3A_336, %select_n3A_298 : vector<16xi1>, vector<16xi32>
          %select_n3A_338 = arith.select %le3A_333, %select_n3A_299, %select_n3A_331 : vector<16xi1>, vector<16xi32>
          %add3A_339 = arith.addi %select_n3A_337, %select_n3A_338 : vector<16xi32>
          %jit3A_340 = arith.constant 2 : i32
          %div3A_341 = vector.broadcast %jit3A_340 : i32 to vector<16xi32>
          %div3A_342 = arith.divsi %add3A_339, %div3A_341 : vector<16xi32>
          %sign3A_343 = arith.constant 0 : i32
          %sign3A_344 = vector.broadcast %sign3A_343 : i32 to vector<16xi32>
          %sign3A_345 = arith.cmpi sgt, %add3A_339, %sign3A_344 : vector<16xi32>
          %sign3A_346 = arith.extui %sign3A_345 : vector<16xi1> to vector<16xi32>
          %sign3A_347 = arith.constant 0 : i32
          %sign3A_348 = vector.broadcast %sign3A_347 : i32 to vector<16xi32>
          %sign3A_349 = arith.cmpi slt, %add3A_339, %sign3A_348 : vector<16xi32>
          %sign3A_350 = arith.extui %sign3A_349 : vector<16xi1> to vector<16xi32>
          %sign3A_351 = arith.subi %sign3A_346, %sign3A_350 : vector<16xi32>
          %sign3A_352 = arith.constant 0 : i32
          %sign3A_353 = arith.cmpi sgt, %jit3A_340, %sign3A_352 : i32
          %sign3A_354 = arith.extui %sign3A_353 : i1 to i32
          %sign3A_355 = arith.constant 0 : i32
          %sign3A_356 = arith.cmpi slt, %jit3A_340, %sign3A_355 : i32
          %sign3A_357 = arith.extui %sign3A_356 : i1 to i32
          %sign3A_358 = arith.subi %sign3A_354, %sign3A_357 : i32
          %ne3A_359 = vector.broadcast %sign3A_358 : i32 to vector<16xi32>
          %ne3A_360 = arith.cmpi ne, %sign3A_351, %ne3A_359 : vector<16xi32>
          %rem3A_361 = vector.broadcast %jit3A_340 : i32 to vector<16xi32>
          %rem3A_362 = arith.remsi %add3A_339, %rem3A_361 : vector<16xi32>
          %ne3A_363 = arith.constant 0 : i32
          %ne3A_364 = vector.broadcast %ne3A_363 : i32 to vector<16xi32>
          %ne3A_365 = arith.cmpi ne, %rem3A_362, %ne3A_364 : vector<16xi32>
          %and3A_366 = arith.andi %ne3A_360, %ne3A_365 : vector<16xi1>
          %sub3A_367 = arith.constant 1 : i32
          %sub3A_368 = vector.broadcast %sub3A_367 : i32 to vector<16xi32>
          %sub3A_369 = arith.subi %div3A_342, %sub3A_368 : vector<16xi32>
          %select_n3A_370 = arith.select %and3A_366, %sub3A_369, %div3A_342 : vector<16xi1>, vector<16xi32>
          %gather3A_371 = tpu.vector_load_idx %arg6[%select_n3A_370] : memref<528xi32, #tpu.memory_space<vmem>>[vector<16xi32>], vector<16xi32>,
          %le3A_372 = arith.cmpi sle, %gather3A_371, %add3A_220 : vector<16xi32>
          %add3A_373 = arith.constant 1 : i32
          %add3A_374 = vector.broadcast %add3A_373 : i32 to vector<16xi32>
          %add3A_375 = arith.addi %select_n3A_370, %add3A_374 : vector<16xi32>
          %select_n3A_376 = arith.select %le3A_372, %add3A_375, %select_n3A_337 : vector<16xi1>, vector<16xi32>
          %select_n3A_377 = arith.select %le3A_372, %select_n3A_338, %select_n3A_370 : vector<16xi1>, vector<16xi32>
          %add3A_378 = arith.addi %select_n3A_376, %select_n3A_377 : vector<16xi32>
          %jit3A_379 = arith.constant 2 : i32
          %div3A_380 = vector.broadcast %jit3A_379 : i32 to vector<16xi32>
          %div3A_381 = arith.divsi %add3A_378, %div3A_380 : vector<16xi32>
          %sign3A_382 = arith.constant 0 : i32
          %sign3A_383 = vector.broadcast %sign3A_382 : i32 to vector<16xi32>
          %sign3A_384 = arith.cmpi sgt, %add3A_378, %sign3A_383 : vector<16xi32>
          %sign3A_385 = arith.extui %sign3A_384 : vector<16xi1> to vector<16xi32>
          %sign3A_386 = arith.constant 0 : i32
          %sign3A_387 = vector.broadcast %sign3A_386 : i32 to vector<16xi32>
          %sign3A_388 = arith.cmpi slt, %add3A_378, %sign3A_387 : vector<16xi32>
          %sign3A_389 = arith.extui %sign3A_388 : vector<16xi1> to vector<16xi32>
          %sign3A_390 = arith.subi %sign3A_385, %sign3A_389 : vector<16xi32>
          %sign3A_391 = arith.constant 0 : i32
          %sign3A_392 = arith.cmpi sgt, %jit3A_379, %sign3A_391 : i32
          %sign3A_393 = arith.extui %sign3A_392 : i1 to i32
          %sign3A_394 = arith.constant 0 : i32
          %sign3A_395 = arith.cmpi slt, %jit3A_379, %sign3A_394 : i32
          %sign3A_396 = arith.extui %sign3A_395 : i1 to i32
          %sign3A_397 = arith.subi %sign3A_393, %sign3A_396 : i32
          %ne3A_398 = vector.broadcast %sign3A_397 : i32 to vector<16xi32>
          %ne3A_399 = arith.cmpi ne, %sign3A_390, %ne3A_398 : vector<16xi32>
          %rem3A_400 = vector.broadcast %jit3A_379 : i32 to vector<16xi32>
          %rem3A_401 = arith.remsi %add3A_378, %rem3A_400 : vector<16xi32>
          %ne3A_402 = arith.constant 0 : i32
          %ne3A_403 = vector.broadcast %ne3A_402 : i32 to vector<16xi32>
          %ne3A_404 = arith.cmpi ne, %rem3A_401, %ne3A_403 : vector<16xi32>
          %and3A_405 = arith.andi %ne3A_399, %ne3A_404 : vector<16xi1>
          %sub3A_406 = arith.constant 1 : i32
          %sub3A_407 = vector.broadcast %sub3A_406 : i32 to vector<16xi32>
          %sub3A_408 = arith.subi %div3A_381, %sub3A_407 : vector<16xi32>
          %select_n3A_409 = arith.select %and3A_405, %sub3A_408, %div3A_381 : vector<16xi1>, vector<16xi32>
          %gather3A_410 = tpu.vector_load_idx %arg6[%select_n3A_409] : memref<528xi32, #tpu.memory_space<vmem>>[vector<16xi32>], vector<16xi32>,
          %le3A_411 = arith.cmpi sle, %gather3A_410, %add3A_220 : vector<16xi32>
          %add3A_412 = arith.constant 1 : i32
          %add3A_413 = vector.broadcast %add3A_412 : i32 to vector<16xi32>
          %add3A_414 = arith.addi %select_n3A_409, %add3A_413 : vector<16xi32>
          %select_n3A_415 = arith.select %le3A_411, %add3A_414, %select_n3A_376 : vector<16xi1>, vector<16xi32>
          %select_n3A_416 = arith.select %le3A_411, %select_n3A_377, %select_n3A_409 : vector<16xi1>, vector<16xi32>
          %add3A_417 = arith.addi %select_n3A_415, %select_n3A_416 : vector<16xi32>
          %jit3A_418 = arith.constant 2 : i32
          %div3A_419 = vector.broadcast %jit3A_418 : i32 to vector<16xi32>
          %div3A_420 = arith.divsi %add3A_417, %div3A_419 : vector<16xi32>
          %sign3A_421 = arith.constant 0 : i32
          %sign3A_422 = vector.broadcast %sign3A_421 : i32 to vector<16xi32>
          %sign3A_423 = arith.cmpi sgt, %add3A_417, %sign3A_422 : vector<16xi32>
          %sign3A_424 = arith.extui %sign3A_423 : vector<16xi1> to vector<16xi32>
          %sign3A_425 = arith.constant 0 : i32
          %sign3A_426 = vector.broadcast %sign3A_425 : i32 to vector<16xi32>
          %sign3A_427 = arith.cmpi slt, %add3A_417, %sign3A_426 : vector<16xi32>
          %sign3A_428 = arith.extui %sign3A_427 : vector<16xi1> to vector<16xi32>
          %sign3A_429 = arith.subi %sign3A_424, %sign3A_428 : vector<16xi32>
          %sign3A_430 = arith.constant 0 : i32
          %sign3A_431 = arith.cmpi sgt, %jit3A_418, %sign3A_430 : i32
          %sign3A_432 = arith.extui %sign3A_431 : i1 to i32
          %sign3A_433 = arith.constant 0 : i32
          %sign3A_434 = arith.cmpi slt, %jit3A_418, %sign3A_433 : i32
          %sign3A_435 = arith.extui %sign3A_434 : i1 to i32
          %sign3A_436 = arith.subi %sign3A_432, %sign3A_435 : i32
          %ne3A_437 = vector.broadcast %sign3A_436 : i32 to vector<16xi32>
          %ne3A_438 = arith.cmpi ne, %sign3A_429, %ne3A_437 : vector<16xi32>
          %rem3A_439 = vector.broadcast %jit3A_418 : i32 to vector<16xi32>
          %rem3A_440 = arith.remsi %add3A_417, %rem3A_439 : vector<16xi32>
          %ne3A_441 = arith.constant 0 : i32
          %ne3A_442 = vector.broadcast %ne3A_441 : i32 to vector<16xi32>
          %ne3A_443 = arith.cmpi ne, %rem3A_440, %ne3A_442 : vector<16xi32>
          %and3A_444 = arith.andi %ne3A_438, %ne3A_443 : vector<16xi1>
          %sub3A_445 = arith.constant 1 : i32
          %sub3A_446 = vector.broadcast %sub3A_445 : i32 to vector<16xi32>
          %sub3A_447 = arith.subi %div3A_420, %sub3A_446 : vector<16xi32>
          %select_n3A_448 = arith.select %and3A_444, %sub3A_447, %div3A_420 : vector<16xi1>, vector<16xi32>
          %gather3A_449 = tpu.vector_load_idx %arg6[%select_n3A_448] : memref<528xi32, #tpu.memory_space<vmem>>[vector<16xi32>], vector<16xi32>,
          %le3A_450 = arith.cmpi sle, %gather3A_449, %add3A_220 : vector<16xi32>
          %add3A_451 = arith.constant 1 : i32
          %add3A_452 = vector.broadcast %add3A_451 : i32 to vector<16xi32>
          %add3A_453 = arith.addi %select_n3A_448, %add3A_452 : vector<16xi32>
          %select_n3A_454 = arith.select %le3A_450, %add3A_453, %select_n3A_415 : vector<16xi1>, vector<16xi32>
          %select_n3A_455 = arith.select %le3A_450, %select_n3A_416, %select_n3A_448 : vector<16xi1>, vector<16xi32>
          %add3A_456 = arith.addi %select_n3A_454, %select_n3A_455 : vector<16xi32>
          %jit3A_457 = arith.constant 2 : i32
          %div3A_458 = vector.broadcast %jit3A_457 : i32 to vector<16xi32>
          %div3A_459 = arith.divsi %add3A_456, %div3A_458 : vector<16xi32>
          %sign3A_460 = arith.constant 0 : i32
          %sign3A_461 = vector.broadcast %sign3A_460 : i32 to vector<16xi32>
          %sign3A_462 = arith.cmpi sgt, %add3A_456, %sign3A_461 : vector<16xi32>
          %sign3A_463 = arith.extui %sign3A_462 : vector<16xi1> to vector<16xi32>
          %sign3A_464 = arith.constant 0 : i32
          %sign3A_465 = vector.broadcast %sign3A_464 : i32 to vector<16xi32>
          %sign3A_466 = arith.cmpi slt, %add3A_456, %sign3A_465 : vector<16xi32>
          %sign3A_467 = arith.extui %sign3A_466 : vector<16xi1> to vector<16xi32>
          %sign3A_468 = arith.subi %sign3A_463, %sign3A_467 : vector<16xi32>
          %sign3A_469 = arith.constant 0 : i32
          %sign3A_470 = arith.cmpi sgt, %jit3A_457, %sign3A_469 : i32
          %sign3A_471 = arith.extui %sign3A_470 : i1 to i32
          %sign3A_472 = arith.constant 0 : i32
          %sign3A_473 = arith.cmpi slt, %jit3A_457, %sign3A_472 : i32
          %sign3A_474 = arith.extui %sign3A_473 : i1 to i32
          %sign3A_475 = arith.subi %sign3A_471, %sign3A_474 : i32
          %ne3A_476 = vector.broadcast %sign3A_475 : i32 to vector<16xi32>
          %ne3A_477 = arith.cmpi ne, %sign3A_468, %ne3A_476 : vector<16xi32>
          %rem3A_478 = vector.broadcast %jit3A_457 : i32 to vector<16xi32>
          %rem3A_479 = arith.remsi %add3A_456, %rem3A_478 : vector<16xi32>
          %ne3A_480 = arith.constant 0 : i32
          %ne3A_481 = vector.broadcast %ne3A_480 : i32 to vector<16xi32>
          %ne3A_482 = arith.cmpi ne, %rem3A_479, %ne3A_481 : vector<16xi32>
          %and3A_483 = arith.andi %ne3A_477, %ne3A_482 : vector<16xi1>
          %sub3A_484 = arith.constant 1 : i32
          %sub3A_485 = vector.broadcast %sub3A_484 : i32 to vector<16xi32>
          %sub3A_486 = arith.subi %div3A_459, %sub3A_485 : vector<16xi32>
          %select_n3A_487 = arith.select %and3A_483, %sub3A_486, %div3A_459 : vector<16xi1>, vector<16xi32>
          %gather3A_488 = tpu.vector_load_idx %arg6[%select_n3A_487] : memref<528xi32, #tpu.memory_space<vmem>>[vector<16xi32>], vector<16xi32>,
          %le3A_489 = arith.cmpi sle, %gather3A_488, %add3A_220 : vector<16xi32>
          %add3A_490 = arith.constant 1 : i32
          %add3A_491 = vector.broadcast %add3A_490 : i32 to vector<16xi32>
          %add3A_492 = arith.addi %select_n3A_487, %add3A_491 : vector<16xi32>
          %select_n3A_493 = arith.select %le3A_489, %add3A_492, %select_n3A_454 : vector<16xi1>, vector<16xi32>
          %select_n3A_494 = arith.select %le3A_489, %select_n3A_455, %select_n3A_487 : vector<16xi1>, vector<16xi32>
          %add3A_495 = arith.addi %select_n3A_493, %select_n3A_494 : vector<16xi32>
          %jit3A_496 = arith.constant 2 : i32
          %div3A_497 = vector.broadcast %jit3A_496 : i32 to vector<16xi32>
          %div3A_498 = arith.divsi %add3A_495, %div3A_497 : vector<16xi32>
          %sign3A_499 = arith.constant 0 : i32
          %sign3A_500 = vector.broadcast %sign3A_499 : i32 to vector<16xi32>
          %sign3A_501 = arith.cmpi sgt, %add3A_495, %sign3A_500 : vector<16xi32>
          %sign3A_502 = arith.extui %sign3A_501 : vector<16xi1> to vector<16xi32>
          %sign3A_503 = arith.constant 0 : i32
          %sign3A_504 = vector.broadcast %sign3A_503 : i32 to vector<16xi32>
          %sign3A_505 = arith.cmpi slt, %add3A_495, %sign3A_504 : vector<16xi32>
          %sign3A_506 = arith.extui %sign3A_505 : vector<16xi1> to vector<16xi32>
          %sign3A_507 = arith.subi %sign3A_502, %sign3A_506 : vector<16xi32>
          %sign3A_508 = arith.constant 0 : i32
          %sign3A_509 = arith.cmpi sgt, %jit3A_496, %sign3A_508 : i32
          %sign3A_510 = arith.extui %sign3A_509 : i1 to i32
          %sign3A_511 = arith.constant 0 : i32
          %sign3A_512 = arith.cmpi slt, %jit3A_496, %sign3A_511 : i32
          %sign3A_513 = arith.extui %sign3A_512 : i1 to i32
          %sign3A_514 = arith.subi %sign3A_510, %sign3A_513 : i32
          %ne3A_515 = vector.broadcast %sign3A_514 : i32 to vector<16xi32>
          %ne3A_516 = arith.cmpi ne, %sign3A_507, %ne3A_515 : vector<16xi32>
          %rem3A_517 = vector.broadcast %jit3A_496 : i32 to vector<16xi32>
          %rem3A_518 = arith.remsi %add3A_495, %rem3A_517 : vector<16xi32>
          %ne3A_519 = arith.constant 0 : i32
          %ne3A_520 = vector.broadcast %ne3A_519 : i32 to vector<16xi32>
          %ne3A_521 = arith.cmpi ne, %rem3A_518, %ne3A_520 : vector<16xi32>
          %and3A_522 = arith.andi %ne3A_516, %ne3A_521 : vector<16xi1>
          %sub3A_523 = arith.constant 1 : i32
          %sub3A_524 = vector.broadcast %sub3A_523 : i32 to vector<16xi32>
          %sub3A_525 = arith.subi %div3A_498, %sub3A_524 : vector<16xi32>
          %select_n3A_526 = arith.select %and3A_522, %sub3A_525, %div3A_498 : vector<16xi1>, vector<16xi32>
          %gather3A_527 = tpu.vector_load_idx %arg6[%select_n3A_526] : memref<528xi32, #tpu.memory_space<vmem>>[vector<16xi32>], vector<16xi32>,
          %le3A_528 = arith.cmpi sle, %gather3A_527, %add3A_220 : vector<16xi32>
          %add3A_529 = arith.constant 1 : i32
          %add3A_530 = vector.broadcast %add3A_529 : i32 to vector<16xi32>
          %add3A_531 = arith.addi %select_n3A_526, %add3A_530 : vector<16xi32>
          %select_n3A_532 = arith.select %le3A_528, %add3A_531, %select_n3A_493 : vector<16xi1>, vector<16xi32>
          %select_n3A_533 = arith.select %le3A_528, %select_n3A_494, %select_n3A_526 : vector<16xi1>, vector<16xi32>
          %add3A_534 = arith.addi %select_n3A_532, %select_n3A_533 : vector<16xi32>
          %jit3A_535 = arith.constant 2 : i32
          %div3A_536 = vector.broadcast %jit3A_535 : i32 to vector<16xi32>
          %div3A_537 = arith.divsi %add3A_534, %div3A_536 : vector<16xi32>
          %sign3A_538 = arith.constant 0 : i32
          %sign3A_539 = vector.broadcast %sign3A_538 : i32 to vector<16xi32>
          %sign3A_540 = arith.cmpi sgt, %add3A_534, %sign3A_539 : vector<16xi32>
          %sign3A_541 = arith.extui %sign3A_540 : vector<16xi1> to vector<16xi32>
          %sign3A_542 = arith.constant 0 : i32
          %sign3A_543 = vector.broadcast %sign3A_542 : i32 to vector<16xi32>
          %sign3A_544 = arith.cmpi slt, %add3A_534, %sign3A_543 : vector<16xi32>
          %sign3A_545 = arith.extui %sign3A_544 : vector<16xi1> to vector<16xi32>
          %sign3A_546 = arith.subi %sign3A_541, %sign3A_545 : vector<16xi32>
          %sign3A_547 = arith.constant 0 : i32
          %sign3A_548 = arith.cmpi sgt, %jit3A_535, %sign3A_547 : i32
          %sign3A_549 = arith.extui %sign3A_548 : i1 to i32
          %sign3A_550 = arith.constant 0 : i32
          %sign3A_551 = arith.cmpi slt, %jit3A_535, %sign3A_550 : i32
          %sign3A_552 = arith.extui %sign3A_551 : i1 to i32
          %sign3A_553 = arith.subi %sign3A_549, %sign3A_552 : i32
          %ne3A_554 = vector.broadcast %sign3A_553 : i32 to vector<16xi32>
          %ne3A_555 = arith.cmpi ne, %sign3A_546, %ne3A_554 : vector<16xi32>
          %rem3A_556 = vector.broadcast %jit3A_535 : i32 to vector<16xi32>
          %rem3A_557 = arith.remsi %add3A_534, %rem3A_556 : vector<16xi32>
          %ne3A_558 = arith.constant 0 : i32
          %ne3A_559 = vector.broadcast %ne3A_558 : i32 to vector<16xi32>
          %ne3A_560 = arith.cmpi ne, %rem3A_557, %ne3A_559 : vector<16xi32>
          %and3A_561 = arith.andi %ne3A_555, %ne3A_560 : vector<16xi1>
          %sub3A_562 = arith.constant 1 : i32
          %sub3A_563 = vector.broadcast %sub3A_562 : i32 to vector<16xi32>
          %sub3A_564 = arith.subi %div3A_537, %sub3A_563 : vector<16xi32>
          %select_n3A_565 = arith.select %and3A_561, %sub3A_564, %div3A_537 : vector<16xi1>, vector<16xi32>
          %gather3A_566 = tpu.vector_load_idx %arg6[%select_n3A_565] : memref<528xi32, #tpu.memory_space<vmem>>[vector<16xi32>], vector<16xi32>,
          %le3A_567 = arith.cmpi sle, %gather3A_566, %add3A_220 : vector<16xi32>
          %add3A_568 = arith.constant 1 : i32
          %add3A_569 = vector.broadcast %add3A_568 : i32 to vector<16xi32>
          %add3A_570 = arith.addi %select_n3A_565, %add3A_569 : vector<16xi32>
          %select_n3A_571 = arith.select %le3A_567, %add3A_570, %select_n3A_532 : vector<16xi1>, vector<16xi32>
          %select_n3A_572 = arith.select %le3A_567, %select_n3A_533, %select_n3A_565 : vector<16xi1>, vector<16xi32>
          %add3A_573 = arith.addi %select_n3A_571, %select_n3A_572 : vector<16xi32>
          %jit3A_574 = arith.constant 2 : i32
          %div3A_575 = vector.broadcast %jit3A_574 : i32 to vector<16xi32>
          %div3A_576 = arith.divsi %add3A_573, %div3A_575 : vector<16xi32>
          %sign3A_577 = arith.constant 0 : i32
          %sign3A_578 = vector.broadcast %sign3A_577 : i32 to vector<16xi32>
          %sign3A_579 = arith.cmpi sgt, %add3A_573, %sign3A_578 : vector<16xi32>
          %sign3A_580 = arith.extui %sign3A_579 : vector<16xi1> to vector<16xi32>
          %sign3A_581 = arith.constant 0 : i32
          %sign3A_582 = vector.broadcast %sign3A_581 : i32 to vector<16xi32>
          %sign3A_583 = arith.cmpi slt, %add3A_573, %sign3A_582 : vector<16xi32>
          %sign3A_584 = arith.extui %sign3A_583 : vector<16xi1> to vector<16xi32>
          %sign3A_585 = arith.subi %sign3A_580, %sign3A_584 : vector<16xi32>
          %sign3A_586 = arith.constant 0 : i32
          %sign3A_587 = arith.cmpi sgt, %jit3A_574, %sign3A_586 : i32
          %sign3A_588 = arith.extui %sign3A_587 : i1 to i32
          %sign3A_589 = arith.constant 0 : i32
          %sign3A_590 = arith.cmpi slt, %jit3A_574, %sign3A_589 : i32
          %sign3A_591 = arith.extui %sign3A_590 : i1 to i32
          %sign3A_592 = arith.subi %sign3A_588, %sign3A_591 : i32
          %ne3A_593 = vector.broadcast %sign3A_592 : i32 to vector<16xi32>
          %ne3A_594 = arith.cmpi ne, %sign3A_585, %ne3A_593 : vector<16xi32>
          %rem3A_595 = vector.broadcast %jit3A_574 : i32 to vector<16xi32>
          %rem3A_596 = arith.remsi %add3A_573, %rem3A_595 : vector<16xi32>
          %ne3A_597 = arith.constant 0 : i32
          %ne3A_598 = vector.broadcast %ne3A_597 : i32 to vector<16xi32>
          %ne3A_599 = arith.cmpi ne, %rem3A_596, %ne3A_598 : vector<16xi32>
          %and3A_600 = arith.andi %ne3A_594, %ne3A_599 : vector<16xi1>
          %sub3A_601 = arith.constant 1 : i32
          %sub3A_602 = vector.broadcast %sub3A_601 : i32 to vector<16xi32>
          %sub3A_603 = arith.subi %div3A_576, %sub3A_602 : vector<16xi32>
          %select_n3A_604 = arith.select %and3A_600, %sub3A_603, %div3A_576 : vector<16xi1>, vector<16xi32>
          %gather3A_605 = tpu.vector_load_idx %arg6[%select_n3A_604] : memref<528xi32, #tpu.memory_space<vmem>>[vector<16xi32>], vector<16xi32>,
          %le3A_606 = arith.cmpi sle, %gather3A_605, %add3A_220 : vector<16xi32>
          %add3A_607 = arith.constant 1 : i32
          %add3A_608 = vector.broadcast %add3A_607 : i32 to vector<16xi32>
          %add3A_609 = arith.addi %select_n3A_604, %add3A_608 : vector<16xi32>
          %select_n3A_610 = arith.select %le3A_606, %add3A_609, %select_n3A_571 : vector<16xi1>, vector<16xi32>
          %select_n3A_611 = arith.select %le3A_606, %select_n3A_572, %select_n3A_604 : vector<16xi1>, vector<16xi32>
          %eq3A = arith.constant 0 : i32
          %eq3A_612 = vector.broadcast %eq3A : i32 to vector<16xi32>
          %eq3A_613 = arith.cmpi eq, %select_n3A_610, %eq3A_612 : vector<16xi32>
          %sub3A_614 = arith.constant 1 : i32
          %sub3A_615 = vector.broadcast %sub3A_614 : i32 to vector<16xi32>
          %sub3A_616 = arith.subi %select_n3A_610, %sub3A_615 : vector<16xi32>
          %jit3A_617 = arith.constant 512 : i32
          %broadcast_in_dim3A_618 = vector.broadcast %jit3A_617 : i32 to vector<16xi32>
          %select_n3A_619 = arith.select %eq3A_613, %broadcast_in_dim3A_618, %sub3A_616 : vector<16xi1>, vector<16xi32>
          %add3A_620 = vector.broadcast %mul3A_4 : i32 to vector<16xi32>
          %add3A_621 = arith.addi %add3A_620, %select_n3A_619 : vector<16xi32>
          %mul3A_622 = arith.constant 16 : i32
          %mul3A_623 = arith.muli %scan3A_215, %mul3A_622 : i32
          %swap3A = arith.constant 0 : i32
          %swap3A_624 = arith.index_cast %swap3A : i32 to index
          %swap3A_625 = arith.index_cast %mul3A_623 : i32 to index
          %swap3A_626 = tpu.vector_load %arg8[%swap3A_624, %swap3A_625] {strides = array<i32>} : memref<2x128xi32, #tpu.memory_space<vmem>>, vector<16xi32>,
          tpu.vector_store %arg8[%swap3A_624, %swap3A_625], %add3A_621 {strides = array<i32>} : memref<2x128xi32, #tpu.memory_space<vmem>>, vector<16xi32>,
        }
        %scan3A_214 = arith.constant 8 : i32
      } else {
      }
      %mul3A_175 = arith.constant 2 : i32
      %mul3A_176 = arith.muli %while3A_167, %mul3A_175 : i32
      %add3A_177 = arith.constant 1 : i32
      %add3A_178 = arith.addi %mul3A_176, %add3A_177 : i32
      %lt3A_179 = arith.cmpi slt, %add3A_178, %select_n3A_75 : i32
      %convert_element_type3A_180 = arith.extui %lt3A_179 : i1 to i32
      %cond3A_181 = arith.constant 0 : i32
      %cond3A_182 = arith.cmpi ne, %convert_element_type3A_180, %cond3A_181 : i32
      scf.if %cond3A_182 {
        %add3A_183 = arith.constant 1 : i32
        %add3A_184 = arith.addi %add3A_178, %add3A_183 : i32
        %lt3A_185 = arith.cmpi slt, %add3A_184, %select_n3A_75 : i32
        %convert_element_type3A_186 = arith.extui %lt3A_185 : i1 to i32
        %cond3A_187 = arith.constant 0 : i32
        %cond3A_188 = arith.cmpi ne, %convert_element_type3A_186, %cond3A_187 : i32
        scf.if %cond3A_188 {
          %add3A_215 = arith.constant 1 : i32
          %add3A_216 = arith.addi %add3A_178, %add3A_215 : i32
          %mul3A_217 = arith.constant 128 : i32
          %mul3A_218 = arith.muli %add3A_216, %mul3A_217 : i32
          %add3A_219 = arith.addi %mul3A_46, %mul3A_218 : i32
          %run_scoped3A_220 = arith.constant 0 : i32
          "tpu.region"() ({
            %run_scoped3A_221 = tpu.sem_alloc : memref<!tpu.dma_semaphore, #tpu.memory_space<semaphore_mem>>
            %dma_start3A = arith.constant 0 : i32
            %dma_start3A_222 = tpu.memref_slice %arg7[%run_scoped3A_220, %dma_start3A] : memref<2x128xi32, #tpu.memory_space<vmem>> -> memref<1x128xi32, #tpu.memory_space<vmem>>
            %dma_start3A_223 = tpu.memref_squeeze %dma_start3A_222 : memref<1x128xi32, #tpu.memory_space<vmem>> -> memref<128xi32, #tpu.memory_space<vmem>>
            %dma_start3A_224 = tpu.memref_slice %arg2[%add3A_219] : memref<819336xi32, #tpu.memory_space<hbm>> -> memref<128xi32, #tpu.memory_space<hbm>>
            %dma_start3A_225 = arith.constant 0 : i32
            %dma_start3A_226 = tpu.memref_slice %arg7[%run_scoped3A_220, %dma_start3A_225] : memref<2x128xi32, #tpu.memory_space<vmem>> -> memref<1x128xi32, #tpu.memory_space<vmem>>
            %dma_start3A_227 = tpu.memref_squeeze %dma_start3A_226 : memref<1x128xi32, #tpu.memory_space<vmem>> -> memref<128xi32, #tpu.memory_space<vmem>>
            %dma_start3A_228 = tpu.memref_slice %arg2[%add3A_219] : memref<819336xi32, #tpu.memory_space<hbm>> -> memref<128xi32, #tpu.memory_space<hbm>>
            tpu.enqueue_dma source(%dma_start3A_228 : memref<128xi32, #tpu.memory_space<hbm>>) target(%dma_start3A_227 : memref<128xi32, #tpu.memory_space<vmem>>) target_semaphore(%run_scoped3A_221 : memref<!tpu.dma_semaphore, #tpu.memory_space<semaphore_mem>>)
            %dma_wait3A_229 = arith.constant 0 : i32
            %dma_wait3A_230 = tpu.memref_slice %arg7[%run_scoped3A_220, %dma_wait3A_229] : memref<2x128xi32, #tpu.memory_space<vmem>> -> memref<1x128xi32, #tpu.memory_space<vmem>>
            %dma_wait3A_231 = tpu.memref_squeeze %dma_wait3A_230 : memref<1x128xi32, #tpu.memory_space<vmem>> -> memref<128xi32, #tpu.memory_space<vmem>>
            %dma_wait3A_232 = tpu.memref_slice %arg2[%add3A_219] : memref<819336xi32, #tpu.memory_space<hbm>> -> memref<128xi32, #tpu.memory_space<hbm>>
            %dma_wait3A_233 = arith.constant 0 : i32
            %dma_wait3A_234 = tpu.memref_slice %arg7[%run_scoped3A_220, %dma_wait3A_233] : memref<2x128xi32, #tpu.memory_space<vmem>> -> memref<1x128xi32, #tpu.memory_space<vmem>>
            %dma_wait3A_235 = tpu.memref_squeeze %dma_wait3A_234 : memref<1x128xi32, #tpu.memory_space<vmem>> -> memref<128xi32, #tpu.memory_space<vmem>>
            %dma_wait3A_236 = tpu.memref_slice %arg2[%add3A_219] : memref<819336xi32, #tpu.memory_space<hbm>> -> memref<128xi32, #tpu.memory_space<hbm>>
            tpu.wait_dma2 semaphore(%run_scoped3A_221 : memref<!tpu.dma_semaphore, #tpu.memory_space<semaphore_mem>>) src(%dma_wait3A_236 : memref<128xi32, #tpu.memory_space<hbm>>) dst(%dma_wait3A_235 : memref<128xi32, #tpu.memory_space<vmem>>)
            tpu.yield
          }) : () -> ()
        } else {
        }
        %dma_wait3A = arith.constant 1 : i32
        %dma_wait3A_189 = arith.constant 1 : i32
        %dma_wait3A_190 = arith.constant 0 : i32
        %dma_wait3A_191 = arith.constant 0 : i32
        %dma_wait3A_192 = tpu.memref_slice %arg9[%dma_wait3A_189, %dma_wait3A_190, %dma_wait3A_191] : memref<2x128x128xf32, #tpu.memory_space<vmem>> -> memref<1x128x128xf32, #tpu.memory_space<vmem>>
        %dma_wait3A_193 = tpu.memref_squeeze %dma_wait3A_192 : memref<1x128x128xf32, #tpu.memory_space<vmem>> -> memref<128x128xf32, #tpu.memory_space<vmem>>
        %dma_wait3A_194 = arith.constant 0 : i32
        %dma_wait3A_195 = tpu.memref_slice %arg7[%dma_wait3A, %dma_wait3A_194] : memref<2x128xi32, #tpu.memory_space<vmem>> -> memref<1x128xi32, #tpu.memory_space<vmem>>
        %dma_wait3A_196 = tpu.memref_squeeze %dma_wait3A_195 : memref<1x128xi32, #tpu.memory_space<vmem>> -> memref<128xi32, #tpu.memory_space<vmem>>
        %dma_wait3A_197 = arith.constant 0 : i32
        %dma_wait3A_198 = arith.constant 0 : i32
        %dma_wait3A_199 = tpu.memref_slice %arg4[%dma_wait3A_197, %dma_wait3A_198] : memref<100000x128xf32, #tpu.memory_space<hbm>> -> memref<100000x128xf32, #tpu.memory_space<hbm>>
        tpu.wait_indirect_dma semaphore(%arg13 : memref<!tpu.dma_semaphore, #tpu.memory_space<semaphore_mem>>) src(%dma_wait3A_199 : memref<100000x128xf32, #tpu.memory_space<hbm>>) dst(%dma_wait3A_193 : memref<128x128xf32, #tpu.memory_space<vmem>>)
        %add3A_200 = arith.constant 1 : i32
        %add3A_201 = arith.addi %add3A_178, %add3A_200 : i32
        %lt3A_202 = arith.cmpi slt, %add3A_201, %select_n3A_75 : i32
        %convert_element_type3A_203 = arith.extui %lt3A_202 : i1 to i32
        %cond3A_204 = arith.constant 0 : i32
        %cond3A_205 = arith.cmpi ne, %convert_element_type3A_203, %cond3A_204 : i32
        scf.if %cond3A_205 {
          %add3A_215 = arith.constant 1 : i32
          %add3A_216 = arith.addi %add3A_178, %add3A_215 : i32
          %dma_start3A = arith.constant 0 : i32
          %dma_start3A_217 = arith.constant 0 : i32
          %dma_start3A_218 = arith.constant 0 : i32
          %dma_start3A_219 = arith.constant 0 : i32
          %dma_start3A_220 = tpu.memref_slice %arg9[%dma_start3A_217, %dma_start3A_218, %dma_start3A_219] : memref<2x128x128xf32, #tpu.memory_space<vmem>> -> memref<1x128x128xf32, #tpu.memory_space<vmem>>
          %dma_start3A_221 = tpu.memref_squeeze %dma_start3A_220 : memref<1x128x128xf32, #tpu.memory_space<vmem>> -> memref<128x128xf32, #tpu.memory_space<vmem>>
          %dma_start3A_222 = arith.constant 0 : i32
          %dma_start3A_223 = tpu.memref_slice %arg7[%dma_start3A, %dma_start3A_222] : memref<2x128xi32, #tpu.memory_space<vmem>> -> memref<1x128xi32, #tpu.memory_space<vmem>>
          %dma_start3A_224 = tpu.memref_squeeze %dma_start3A_223 : memref<1x128xi32, #tpu.memory_space<vmem>> -> memref<128xi32, #tpu.memory_space<vmem>>
          %dma_start3A_225 = arith.constant 0 : i32
          %dma_start3A_226 = arith.constant 0 : i32
          %dma_start3A_227 = tpu.memref_slice %arg4[%dma_start3A_225, %dma_start3A_226] : memref<100000x128xf32, #tpu.memory_space<hbm>> -> memref<100000x128xf32, #tpu.memory_space<hbm>>
          tpu.enqueue_indirect_dma source(%dma_start3A_227 : memref<100000x128xf32, #tpu.memory_space<hbm>>) target(%dma_start3A_221 : memref<128x128xf32, #tpu.memory_space<vmem>>) offsets(%dma_start3A_224 : memref<128xi32, #tpu.memory_space<vmem>>) semaphore(%arg12 : memref<!tpu.dma_semaphore, #tpu.memory_space<semaphore_mem>>)
        } else {
        }
        %mul3A_206 = arith.constant 128 : i32
        %mul3A_207 = arith.muli %add3A_178, %mul3A_206 : i32
        %add3A_208 = arith.addi %mul3A_46, %mul3A_207 : i32
        %scan3A_209 = arith.constant 0 : i32
        %scan3A_210 = arith.constant 0 : i32
        %scan3A_211 = arith.constant 8 : i32
        %scan3A_212 = arith.addi %scan3A_210, %scan3A_211 : i32
        %scan3A_213 = arith.constant 1 : i32
        scf.for %scan3A_215 = %scan3A_210 to %scan3A_212 step %scan3A_213  : i32 {
          %mul3A_216 = arith.constant 16 : i32
          %mul3A_217 = arith.muli %scan3A_215, %mul3A_216 : i32
          %add3A_218 = arith.addi %add3A_208, %mul3A_217 : i32
          %add3A_219 = vector.broadcast %add3A_218 : i32 to vector<16xi32>
          %add3A_220 = arith.addi %add3A_219, %iota3A : vector<16xi32>
          %broadcast_in_dim3A = arith.constant 0 : i32
          %broadcast_in_dim3A_221 = vector.broadcast %broadcast_in_dim3A : i32 to vector<16xi32>
          %broadcast_in_dim3A_222 = arith.constant 513 : i32
          %broadcast_in_dim3A_223 = vector.broadcast %broadcast_in_dim3A_222 : i32 to vector<16xi32>
          %add3A_224 = arith.addi %broadcast_in_dim3A_221, %broadcast_in_dim3A_223 : vector<16xi32>
          %jit3A_225 = arith.constant 2 : i32
          %div3A_226 = vector.broadcast %jit3A_225 : i32 to vector<16xi32>
          %div3A_227 = arith.divsi %add3A_224, %div3A_226 : vector<16xi32>
          %sign3A_228 = arith.constant 0 : i32
          %sign3A_229 = vector.broadcast %sign3A_228 : i32 to vector<16xi32>
          %sign3A_230 = arith.cmpi sgt, %add3A_224, %sign3A_229 : vector<16xi32>
          %sign3A_231 = arith.extui %sign3A_230 : vector<16xi1> to vector<16xi32>
          %sign3A_232 = arith.constant 0 : i32
          %sign3A_233 = vector.broadcast %sign3A_232 : i32 to vector<16xi32>
          %sign3A_234 = arith.cmpi slt, %add3A_224, %sign3A_233 : vector<16xi32>
          %sign3A_235 = arith.extui %sign3A_234 : vector<16xi1> to vector<16xi32>
          %sign3A_236 = arith.subi %sign3A_231, %sign3A_235 : vector<16xi32>
          %sign3A_237 = arith.constant 0 : i32
          %sign3A_238 = arith.cmpi sgt, %jit3A_225, %sign3A_237 : i32
          %sign3A_239 = arith.extui %sign3A_238 : i1 to i32
          %sign3A_240 = arith.constant 0 : i32
          %sign3A_241 = arith.cmpi slt, %jit3A_225, %sign3A_240 : i32
          %sign3A_242 = arith.extui %sign3A_241 : i1 to i32
          %sign3A_243 = arith.subi %sign3A_239, %sign3A_242 : i32
          %ne3A_244 = vector.broadcast %sign3A_243 : i32 to vector<16xi32>
          %ne3A_245 = arith.cmpi ne, %sign3A_236, %ne3A_244 : vector<16xi32>
          %rem3A_246 = vector.broadcast %jit3A_225 : i32 to vector<16xi32>
          %rem3A_247 = arith.remsi %add3A_224, %rem3A_246 : vector<16xi32>
          %ne3A_248 = arith.constant 0 : i32
          %ne3A_249 = vector.broadcast %ne3A_248 : i32 to vector<16xi32>
          %ne3A_250 = arith.cmpi ne, %rem3A_247, %ne3A_249 : vector<16xi32>
          %and3A_251 = arith.andi %ne3A_245, %ne3A_250 : vector<16xi1>
          %sub3A_252 = arith.constant 1 : i32
          %sub3A_253 = vector.broadcast %sub3A_252 : i32 to vector<16xi32>
          %sub3A_254 = arith.subi %div3A_227, %sub3A_253 : vector<16xi32>
          %select_n3A_255 = arith.select %and3A_251, %sub3A_254, %div3A_227 : vector<16xi1>, vector<16xi32>
          %gather3A = tpu.vector_load_idx %arg6[%select_n3A_255] : memref<528xi32, #tpu.memory_space<vmem>>[vector<16xi32>], vector<16xi32>,
          %le3A = arith.cmpi sle, %gather3A, %add3A_220 : vector<16xi32>
          %add3A_256 = arith.constant 1 : i32
          %add3A_257 = vector.broadcast %add3A_256 : i32 to vector<16xi32>
          %add3A_258 = arith.addi %select_n3A_255, %add3A_257 : vector<16xi32>
          %select_n3A_259 = arith.select %le3A, %add3A_258, %broadcast_in_dim3A_221 : vector<16xi1>, vector<16xi32>
          %select_n3A_260 = arith.select %le3A, %broadcast_in_dim3A_223, %select_n3A_255 : vector<16xi1>, vector<16xi32>
          %add3A_261 = arith.addi %select_n3A_259, %select_n3A_260 : vector<16xi32>
          %jit3A_262 = arith.constant 2 : i32
          %div3A_263 = vector.broadcast %jit3A_262 : i32 to vector<16xi32>
          %div3A_264 = arith.divsi %add3A_261, %div3A_263 : vector<16xi32>
          %sign3A_265 = arith.constant 0 : i32
          %sign3A_266 = vector.broadcast %sign3A_265 : i32 to vector<16xi32>
          %sign3A_267 = arith.cmpi sgt, %add3A_261, %sign3A_266 : vector<16xi32>
          %sign3A_268 = arith.extui %sign3A_267 : vector<16xi1> to vector<16xi32>
          %sign3A_269 = arith.constant 0 : i32
          %sign3A_270 = vector.broadcast %sign3A_269 : i32 to vector<16xi32>
          %sign3A_271 = arith.cmpi slt, %add3A_261, %sign3A_270 : vector<16xi32>
          %sign3A_272 = arith.extui %sign3A_271 : vector<16xi1> to vector<16xi32>
          %sign3A_273 = arith.subi %sign3A_268, %sign3A_272 : vector<16xi32>
          %sign3A_274 = arith.constant 0 : i32
          %sign3A_275 = arith.cmpi sgt, %jit3A_262, %sign3A_274 : i32
          %sign3A_276 = arith.extui %sign3A_275 : i1 to i32
          %sign3A_277 = arith.constant 0 : i32
          %sign3A_278 = arith.cmpi slt, %jit3A_262, %sign3A_277 : i32
          %sign3A_279 = arith.extui %sign3A_278 : i1 to i32
          %sign3A_280 = arith.subi %sign3A_276, %sign3A_279 : i32
          %ne3A_281 = vector.broadcast %sign3A_280 : i32 to vector<16xi32>
          %ne3A_282 = arith.cmpi ne, %sign3A_273, %ne3A_281 : vector<16xi32>
          %rem3A_283 = vector.broadcast %jit3A_262 : i32 to vector<16xi32>
          %rem3A_284 = arith.remsi %add3A_261, %rem3A_283 : vector<16xi32>
          %ne3A_285 = arith.constant 0 : i32
          %ne3A_286 = vector.broadcast %ne3A_285 : i32 to vector<16xi32>
          %ne3A_287 = arith.cmpi ne, %rem3A_284, %ne3A_286 : vector<16xi32>
          %and3A_288 = arith.andi %ne3A_282, %ne3A_287 : vector<16xi1>
          %sub3A_289 = arith.constant 1 : i32
          %sub3A_290 = vector.broadcast %sub3A_289 : i32 to vector<16xi32>
          %sub3A_291 = arith.subi %div3A_264, %sub3A_290 : vector<16xi32>
          %select_n3A_292 = arith.select %and3A_288, %sub3A_291, %div3A_264 : vector<16xi1>, vector<16xi32>
          %gather3A_293 = tpu.vector_load_idx %arg6[%select_n3A_292] : memref<528xi32, #tpu.memory_space<vmem>>[vector<16xi32>], vector<16xi32>,
          %le3A_294 = arith.cmpi sle, %gather3A_293, %add3A_220 : vector<16xi32>
          %add3A_295 = arith.constant 1 : i32
          %add3A_296 = vector.broadcast %add3A_295 : i32 to vector<16xi32>
          %add3A_297 = arith.addi %select_n3A_292, %add3A_296 : vector<16xi32>
          %select_n3A_298 = arith.select %le3A_294, %add3A_297, %select_n3A_259 : vector<16xi1>, vector<16xi32>
          %select_n3A_299 = arith.select %le3A_294, %select_n3A_260, %select_n3A_292 : vector<16xi1>, vector<16xi32>
          %add3A_300 = arith.addi %select_n3A_298, %select_n3A_299 : vector<16xi32>
          %jit3A_301 = arith.constant 2 : i32
          %div3A_302 = vector.broadcast %jit3A_301 : i32 to vector<16xi32>
          %div3A_303 = arith.divsi %add3A_300, %div3A_302 : vector<16xi32>
          %sign3A_304 = arith.constant 0 : i32
          %sign3A_305 = vector.broadcast %sign3A_304 : i32 to vector<16xi32>
          %sign3A_306 = arith.cmpi sgt, %add3A_300, %sign3A_305 : vector<16xi32>
          %sign3A_307 = arith.extui %sign3A_306 : vector<16xi1> to vector<16xi32>
          %sign3A_308 = arith.constant 0 : i32
          %sign3A_309 = vector.broadcast %sign3A_308 : i32 to vector<16xi32>
          %sign3A_310 = arith.cmpi slt, %add3A_300, %sign3A_309 : vector<16xi32>
          %sign3A_311 = arith.extui %sign3A_310 : vector<16xi1> to vector<16xi32>
          %sign3A_312 = arith.subi %sign3A_307, %sign3A_311 : vector<16xi32>
          %sign3A_313 = arith.constant 0 : i32
          %sign3A_314 = arith.cmpi sgt, %jit3A_301, %sign3A_313 : i32
          %sign3A_315 = arith.extui %sign3A_314 : i1 to i32
          %sign3A_316 = arith.constant 0 : i32
          %sign3A_317 = arith.cmpi slt, %jit3A_301, %sign3A_316 : i32
          %sign3A_318 = arith.extui %sign3A_317 : i1 to i32
          %sign3A_319 = arith.subi %sign3A_315, %sign3A_318 : i32
          %ne3A_320 = vector.broadcast %sign3A_319 : i32 to vector<16xi32>
          %ne3A_321 = arith.cmpi ne, %sign3A_312, %ne3A_320 : vector<16xi32>
          %rem3A_322 = vector.broadcast %jit3A_301 : i32 to vector<16xi32>
          %rem3A_323 = arith.remsi %add3A_300, %rem3A_322 : vector<16xi32>
          %ne3A_324 = arith.constant 0 : i32
          %ne3A_325 = vector.broadcast %ne3A_324 : i32 to vector<16xi32>
          %ne3A_326 = arith.cmpi ne, %rem3A_323, %ne3A_325 : vector<16xi32>
          %and3A_327 = arith.andi %ne3A_321, %ne3A_326 : vector<16xi1>
          %sub3A_328 = arith.constant 1 : i32
          %sub3A_329 = vector.broadcast %sub3A_328 : i32 to vector<16xi32>
          %sub3A_330 = arith.subi %div3A_303, %sub3A_329 : vector<16xi32>
          %select_n3A_331 = arith.select %and3A_327, %sub3A_330, %div3A_303 : vector<16xi1>, vector<16xi32>
          %gather3A_332 = tpu.vector_load_idx %arg6[%select_n3A_331] : memref<528xi32, #tpu.memory_space<vmem>>[vector<16xi32>], vector<16xi32>,
          %le3A_333 = arith.cmpi sle, %gather3A_332, %add3A_220 : vector<16xi32>
          %add3A_334 = arith.constant 1 : i32
          %add3A_335 = vector.broadcast %add3A_334 : i32 to vector<16xi32>
          %add3A_336 = arith.addi %select_n3A_331, %add3A_335 : vector<16xi32>
          %select_n3A_337 = arith.select %le3A_333, %add3A_336, %select_n3A_298 : vector<16xi1>, vector<16xi32>
          %select_n3A_338 = arith.select %le3A_333, %select_n3A_299, %select_n3A_331 : vector<16xi1>, vector<16xi32>
          %add3A_339 = arith.addi %select_n3A_337, %select_n3A_338 : vector<16xi32>
          %jit3A_340 = arith.constant 2 : i32
          %div3A_341 = vector.broadcast %jit3A_340 : i32 to vector<16xi32>
          %div3A_342 = arith.divsi %add3A_339, %div3A_341 : vector<16xi32>
          %sign3A_343 = arith.constant 0 : i32
          %sign3A_344 = vector.broadcast %sign3A_343 : i32 to vector<16xi32>
          %sign3A_345 = arith.cmpi sgt, %add3A_339, %sign3A_344 : vector<16xi32>
          %sign3A_346 = arith.extui %sign3A_345 : vector<16xi1> to vector<16xi32>
          %sign3A_347 = arith.constant 0 : i32
          %sign3A_348 = vector.broadcast %sign3A_347 : i32 to vector<16xi32>
          %sign3A_349 = arith.cmpi slt, %add3A_339, %sign3A_348 : vector<16xi32>
          %sign3A_350 = arith.extui %sign3A_349 : vector<16xi1> to vector<16xi32>
          %sign3A_351 = arith.subi %sign3A_346, %sign3A_350 : vector<16xi32>
          %sign3A_352 = arith.constant 0 : i32
          %sign3A_353 = arith.cmpi sgt, %jit3A_340, %sign3A_352 : i32
          %sign3A_354 = arith.extui %sign3A_353 : i1 to i32
          %sign3A_355 = arith.constant 0 : i32
          %sign3A_356 = arith.cmpi slt, %jit3A_340, %sign3A_355 : i32
          %sign3A_357 = arith.extui %sign3A_356 : i1 to i32
          %sign3A_358 = arith.subi %sign3A_354, %sign3A_357 : i32
          %ne3A_359 = vector.broadcast %sign3A_358 : i32 to vector<16xi32>
          %ne3A_360 = arith.cmpi ne, %sign3A_351, %ne3A_359 : vector<16xi32>
          %rem3A_361 = vector.broadcast %jit3A_340 : i32 to vector<16xi32>
          %rem3A_362 = arith.remsi %add3A_339, %rem3A_361 : vector<16xi32>
          %ne3A_363 = arith.constant 0 : i32
          %ne3A_364 = vector.broadcast %ne3A_363 : i32 to vector<16xi32>
          %ne3A_365 = arith.cmpi ne, %rem3A_362, %ne3A_364 : vector<16xi32>
          %and3A_366 = arith.andi %ne3A_360, %ne3A_365 : vector<16xi1>
          %sub3A_367 = arith.constant 1 : i32
          %sub3A_368 = vector.broadcast %sub3A_367 : i32 to vector<16xi32>
          %sub3A_369 = arith.subi %div3A_342, %sub3A_368 : vector<16xi32>
          %select_n3A_370 = arith.select %and3A_366, %sub3A_369, %div3A_342 : vector<16xi1>, vector<16xi32>
          %gather3A_371 = tpu.vector_load_idx %arg6[%select_n3A_370] : memref<528xi32, #tpu.memory_space<vmem>>[vector<16xi32>], vector<16xi32>,
          %le3A_372 = arith.cmpi sle, %gather3A_371, %add3A_220 : vector<16xi32>
          %add3A_373 = arith.constant 1 : i32
          %add3A_374 = vector.broadcast %add3A_373 : i32 to vector<16xi32>
          %add3A_375 = arith.addi %select_n3A_370, %add3A_374 : vector<16xi32>
          %select_n3A_376 = arith.select %le3A_372, %add3A_375, %select_n3A_337 : vector<16xi1>, vector<16xi32>
          %select_n3A_377 = arith.select %le3A_372, %select_n3A_338, %select_n3A_370 : vector<16xi1>, vector<16xi32>
          %add3A_378 = arith.addi %select_n3A_376, %select_n3A_377 : vector<16xi32>
          %jit3A_379 = arith.constant 2 : i32
          %div3A_380 = vector.broadcast %jit3A_379 : i32 to vector<16xi32>
          %div3A_381 = arith.divsi %add3A_378, %div3A_380 : vector<16xi32>
          %sign3A_382 = arith.constant 0 : i32
          %sign3A_383 = vector.broadcast %sign3A_382 : i32 to vector<16xi32>
          %sign3A_384 = arith.cmpi sgt, %add3A_378, %sign3A_383 : vector<16xi32>
          %sign3A_385 = arith.extui %sign3A_384 : vector<16xi1> to vector<16xi32>
          %sign3A_386 = arith.constant 0 : i32
          %sign3A_387 = vector.broadcast %sign3A_386 : i32 to vector<16xi32>
          %sign3A_388 = arith.cmpi slt, %add3A_378, %sign3A_387 : vector<16xi32>
          %sign3A_389 = arith.extui %sign3A_388 : vector<16xi1> to vector<16xi32>
          %sign3A_390 = arith.subi %sign3A_385, %sign3A_389 : vector<16xi32>
          %sign3A_391 = arith.constant 0 : i32
          %sign3A_392 = arith.cmpi sgt, %jit3A_379, %sign3A_391 : i32
          %sign3A_393 = arith.extui %sign3A_392 : i1 to i32
          %sign3A_394 = arith.constant 0 : i32
          %sign3A_395 = arith.cmpi slt, %jit3A_379, %sign3A_394 : i32
          %sign3A_396 = arith.extui %sign3A_395 : i1 to i32
          %sign3A_397 = arith.subi %sign3A_393, %sign3A_396 : i32
          %ne3A_398 = vector.broadcast %sign3A_397 : i32 to vector<16xi32>
          %ne3A_399 = arith.cmpi ne, %sign3A_390, %ne3A_398 : vector<16xi32>
          %rem3A_400 = vector.broadcast %jit3A_379 : i32 to vector<16xi32>
          %rem3A_401 = arith.remsi %add3A_378, %rem3A_400 : vector<16xi32>
          %ne3A_402 = arith.constant 0 : i32
          %ne3A_403 = vector.broadcast %ne3A_402 : i32 to vector<16xi32>
          %ne3A_404 = arith.cmpi ne, %rem3A_401, %ne3A_403 : vector<16xi32>
          %and3A_405 = arith.andi %ne3A_399, %ne3A_404 : vector<16xi1>
          %sub3A_406 = arith.constant 1 : i32
          %sub3A_407 = vector.broadcast %sub3A_406 : i32 to vector<16xi32>
          %sub3A_408 = arith.subi %div3A_381, %sub3A_407 : vector<16xi32>
          %select_n3A_409 = arith.select %and3A_405, %sub3A_408, %div3A_381 : vector<16xi1>, vector<16xi32>
          %gather3A_410 = tpu.vector_load_idx %arg6[%select_n3A_409] : memref<528xi32, #tpu.memory_space<vmem>>[vector<16xi32>], vector<16xi32>,
          %le3A_411 = arith.cmpi sle, %gather3A_410, %add3A_220 : vector<16xi32>
          %add3A_412 = arith.constant 1 : i32
          %add3A_413 = vector.broadcast %add3A_412 : i32 to vector<16xi32>
          %add3A_414 = arith.addi %select_n3A_409, %add3A_413 : vector<16xi32>
          %select_n3A_415 = arith.select %le3A_411, %add3A_414, %select_n3A_376 : vector<16xi1>, vector<16xi32>
          %select_n3A_416 = arith.select %le3A_411, %select_n3A_377, %select_n3A_409 : vector<16xi1>, vector<16xi32>
          %add3A_417 = arith.addi %select_n3A_415, %select_n3A_416 : vector<16xi32>
          %jit3A_418 = arith.constant 2 : i32
          %div3A_419 = vector.broadcast %jit3A_418 : i32 to vector<16xi32>
          %div3A_420 = arith.divsi %add3A_417, %div3A_419 : vector<16xi32>
          %sign3A_421 = arith.constant 0 : i32
          %sign3A_422 = vector.broadcast %sign3A_421 : i32 to vector<16xi32>
          %sign3A_423 = arith.cmpi sgt, %add3A_417, %sign3A_422 : vector<16xi32>
          %sign3A_424 = arith.extui %sign3A_423 : vector<16xi1> to vector<16xi32>
          %sign3A_425 = arith.constant 0 : i32
          %sign3A_426 = vector.broadcast %sign3A_425 : i32 to vector<16xi32>
          %sign3A_427 = arith.cmpi slt, %add3A_417, %sign3A_426 : vector<16xi32>
          %sign3A_428 = arith.extui %sign3A_427 : vector<16xi1> to vector<16xi32>
          %sign3A_429 = arith.subi %sign3A_424, %sign3A_428 : vector<16xi32>
          %sign3A_430 = arith.constant 0 : i32
          %sign3A_431 = arith.cmpi sgt, %jit3A_418, %sign3A_430 : i32
          %sign3A_432 = arith.extui %sign3A_431 : i1 to i32
          %sign3A_433 = arith.constant 0 : i32
          %sign3A_434 = arith.cmpi slt, %jit3A_418, %sign3A_433 : i32
          %sign3A_435 = arith.extui %sign3A_434 : i1 to i32
          %sign3A_436 = arith.subi %sign3A_432, %sign3A_435 : i32
          %ne3A_437 = vector.broadcast %sign3A_436 : i32 to vector<16xi32>
          %ne3A_438 = arith.cmpi ne, %sign3A_429, %ne3A_437 : vector<16xi32>
          %rem3A_439 = vector.broadcast %jit3A_418 : i32 to vector<16xi32>
          %rem3A_440 = arith.remsi %add3A_417, %rem3A_439 : vector<16xi32>
          %ne3A_441 = arith.constant 0 : i32
          %ne3A_442 = vector.broadcast %ne3A_441 : i32 to vector<16xi32>
          %ne3A_443 = arith.cmpi ne, %rem3A_440, %ne3A_442 : vector<16xi32>
          %and3A_444 = arith.andi %ne3A_438, %ne3A_443 : vector<16xi1>
          %sub3A_445 = arith.constant 1 : i32
          %sub3A_446 = vector.broadcast %sub3A_445 : i32 to vector<16xi32>
          %sub3A_447 = arith.subi %div3A_420, %sub3A_446 : vector<16xi32>
          %select_n3A_448 = arith.select %and3A_444, %sub3A_447, %div3A_420 : vector<16xi1>, vector<16xi32>
          %gather3A_449 = tpu.vector_load_idx %arg6[%select_n3A_448] : memref<528xi32, #tpu.memory_space<vmem>>[vector<16xi32>], vector<16xi32>,
          %le3A_450 = arith.cmpi sle, %gather3A_449, %add3A_220 : vector<16xi32>
          %add3A_451 = arith.constant 1 : i32
          %add3A_452 = vector.broadcast %add3A_451 : i32 to vector<16xi32>
          %add3A_453 = arith.addi %select_n3A_448, %add3A_452 : vector<16xi32>
          %select_n3A_454 = arith.select %le3A_450, %add3A_453, %select_n3A_415 : vector<16xi1>, vector<16xi32>
          %select_n3A_455 = arith.select %le3A_450, %select_n3A_416, %select_n3A_448 : vector<16xi1>, vector<16xi32>
          %add3A_456 = arith.addi %select_n3A_454, %select_n3A_455 : vector<16xi32>
          %jit3A_457 = arith.constant 2 : i32
          %div3A_458 = vector.broadcast %jit3A_457 : i32 to vector<16xi32>
          %div3A_459 = arith.divsi %add3A_456, %div3A_458 : vector<16xi32>
          %sign3A_460 = arith.constant 0 : i32
          %sign3A_461 = vector.broadcast %sign3A_460 : i32 to vector<16xi32>
          %sign3A_462 = arith.cmpi sgt, %add3A_456, %sign3A_461 : vector<16xi32>
          %sign3A_463 = arith.extui %sign3A_462 : vector<16xi1> to vector<16xi32>
          %sign3A_464 = arith.constant 0 : i32
          %sign3A_465 = vector.broadcast %sign3A_464 : i32 to vector<16xi32>
          %sign3A_466 = arith.cmpi slt, %add3A_456, %sign3A_465 : vector<16xi32>
          %sign3A_467 = arith.extui %sign3A_466 : vector<16xi1> to vector<16xi32>
          %sign3A_468 = arith.subi %sign3A_463, %sign3A_467 : vector<16xi32>
          %sign3A_469 = arith.constant 0 : i32
          %sign3A_470 = arith.cmpi sgt, %jit3A_457, %sign3A_469 : i32
          %sign3A_471 = arith.extui %sign3A_470 : i1 to i32
          %sign3A_472 = arith.constant 0 : i32
          %sign3A_473 = arith.cmpi slt, %jit3A_457, %sign3A_472 : i32
          %sign3A_474 = arith.extui %sign3A_473 : i1 to i32
          %sign3A_475 = arith.subi %sign3A_471, %sign3A_474 : i32
          %ne3A_476 = vector.broadcast %sign3A_475 : i32 to vector<16xi32>
          %ne3A_477 = arith.cmpi ne, %sign3A_468, %ne3A_476 : vector<16xi32>
          %rem3A_478 = vector.broadcast %jit3A_457 : i32 to vector<16xi32>
          %rem3A_479 = arith.remsi %add3A_456, %rem3A_478 : vector<16xi32>
          %ne3A_480 = arith.constant 0 : i32
          %ne3A_481 = vector.broadcast %ne3A_480 : i32 to vector<16xi32>
          %ne3A_482 = arith.cmpi ne, %rem3A_479, %ne3A_481 : vector<16xi32>
          %and3A_483 = arith.andi %ne3A_477, %ne3A_482 : vector<16xi1>
          %sub3A_484 = arith.constant 1 : i32
          %sub3A_485 = vector.broadcast %sub3A_484 : i32 to vector<16xi32>
          %sub3A_486 = arith.subi %div3A_459, %sub3A_485 : vector<16xi32>
          %select_n3A_487 = arith.select %and3A_483, %sub3A_486, %div3A_459 : vector<16xi1>, vector<16xi32>
          %gather3A_488 = tpu.vector_load_idx %arg6[%select_n3A_487] : memref<528xi32, #tpu.memory_space<vmem>>[vector<16xi32>], vector<16xi32>,
          %le3A_489 = arith.cmpi sle, %gather3A_488, %add3A_220 : vector<16xi32>
          %add3A_490 = arith.constant 1 : i32
          %add3A_491 = vector.broadcast %add3A_490 : i32 to vector<16xi32>
          %add3A_492 = arith.addi %select_n3A_487, %add3A_491 : vector<16xi32>
          %select_n3A_493 = arith.select %le3A_489, %add3A_492, %select_n3A_454 : vector<16xi1>, vector<16xi32>
          %select_n3A_494 = arith.select %le3A_489, %select_n3A_455, %select_n3A_487 : vector<16xi1>, vector<16xi32>
          %add3A_495 = arith.addi %select_n3A_493, %select_n3A_494 : vector<16xi32>
          %jit3A_496 = arith.constant 2 : i32
          %div3A_497 = vector.broadcast %jit3A_496 : i32 to vector<16xi32>
          %div3A_498 = arith.divsi %add3A_495, %div3A_497 : vector<16xi32>
          %sign3A_499 = arith.constant 0 : i32
          %sign3A_500 = vector.broadcast %sign3A_499 : i32 to vector<16xi32>
          %sign3A_501 = arith.cmpi sgt, %add3A_495, %sign3A_500 : vector<16xi32>
          %sign3A_502 = arith.extui %sign3A_501 : vector<16xi1> to vector<16xi32>
          %sign3A_503 = arith.constant 0 : i32
          %sign3A_504 = vector.broadcast %sign3A_503 : i32 to vector<16xi32>
          %sign3A_505 = arith.cmpi slt, %add3A_495, %sign3A_504 : vector<16xi32>
          %sign3A_506 = arith.extui %sign3A_505 : vector<16xi1> to vector<16xi32>
          %sign3A_507 = arith.subi %sign3A_502, %sign3A_506 : vector<16xi32>
          %sign3A_508 = arith.constant 0 : i32
          %sign3A_509 = arith.cmpi sgt, %jit3A_496, %sign3A_508 : i32
          %sign3A_510 = arith.extui %sign3A_509 : i1 to i32
          %sign3A_511 = arith.constant 0 : i32
          %sign3A_512 = arith.cmpi slt, %jit3A_496, %sign3A_511 : i32
          %sign3A_513 = arith.extui %sign3A_512 : i1 to i32
          %sign3A_514 = arith.subi %sign3A_510, %sign3A_513 : i32
          %ne3A_515 = vector.broadcast %sign3A_514 : i32 to vector<16xi32>
          %ne3A_516 = arith.cmpi ne, %sign3A_507, %ne3A_515 : vector<16xi32>
          %rem3A_517 = vector.broadcast %jit3A_496 : i32 to vector<16xi32>
          %rem3A_518 = arith.remsi %add3A_495, %rem3A_517 : vector<16xi32>
          %ne3A_519 = arith.constant 0 : i32
          %ne3A_520 = vector.broadcast %ne3A_519 : i32 to vector<16xi32>
          %ne3A_521 = arith.cmpi ne, %rem3A_518, %ne3A_520 : vector<16xi32>
          %and3A_522 = arith.andi %ne3A_516, %ne3A_521 : vector<16xi1>
          %sub3A_523 = arith.constant 1 : i32
          %sub3A_524 = vector.broadcast %sub3A_523 : i32 to vector<16xi32>
          %sub3A_525 = arith.subi %div3A_498, %sub3A_524 : vector<16xi32>
          %select_n3A_526 = arith.select %and3A_522, %sub3A_525, %div3A_498 : vector<16xi1>, vector<16xi32>
          %gather3A_527 = tpu.vector_load_idx %arg6[%select_n3A_526] : memref<528xi32, #tpu.memory_space<vmem>>[vector<16xi32>], vector<16xi32>,
          %le3A_528 = arith.cmpi sle, %gather3A_527, %add3A_220 : vector<16xi32>
          %add3A_529 = arith.constant 1 : i32
          %add3A_530 = vector.broadcast %add3A_529 : i32 to vector<16xi32>
          %add3A_531 = arith.addi %select_n3A_526, %add3A_530 : vector<16xi32>
          %select_n3A_532 = arith.select %le3A_528, %add3A_531, %select_n3A_493 : vector<16xi1>, vector<16xi32>
          %select_n3A_533 = arith.select %le3A_528, %select_n3A_494, %select_n3A_526 : vector<16xi1>, vector<16xi32>
          %add3A_534 = arith.addi %select_n3A_532, %select_n3A_533 : vector<16xi32>
          %jit3A_535 = arith.constant 2 : i32
          %div3A_536 = vector.broadcast %jit3A_535 : i32 to vector<16xi32>
          %div3A_537 = arith.divsi %add3A_534, %div3A_536 : vector<16xi32>
          %sign3A_538 = arith.constant 0 : i32
          %sign3A_539 = vector.broadcast %sign3A_538 : i32 to vector<16xi32>
          %sign3A_540 = arith.cmpi sgt, %add3A_534, %sign3A_539 : vector<16xi32>
          %sign3A_541 = arith.extui %sign3A_540 : vector<16xi1> to vector<16xi32>
          %sign3A_542 = arith.constant 0 : i32
          %sign3A_543 = vector.broadcast %sign3A_542 : i32 to vector<16xi32>
          %sign3A_544 = arith.cmpi slt, %add3A_534, %sign3A_543 : vector<16xi32>
          %sign3A_545 = arith.extui %sign3A_544 : vector<16xi1> to vector<16xi32>
          %sign3A_546 = arith.subi %sign3A_541, %sign3A_545 : vector<16xi32>
          %sign3A_547 = arith.constant 0 : i32
          %sign3A_548 = arith.cmpi sgt, %jit3A_535, %sign3A_547 : i32
          %sign3A_549 = arith.extui %sign3A_548 : i1 to i32
          %sign3A_550 = arith.constant 0 : i32
          %sign3A_551 = arith.cmpi slt, %jit3A_535, %sign3A_550 : i32
          %sign3A_552 = arith.extui %sign3A_551 : i1 to i32
          %sign3A_553 = arith.subi %sign3A_549, %sign3A_552 : i32
          %ne3A_554 = vector.broadcast %sign3A_553 : i32 to vector<16xi32>
          %ne3A_555 = arith.cmpi ne, %sign3A_546, %ne3A_554 : vector<16xi32>
          %rem3A_556 = vector.broadcast %jit3A_535 : i32 to vector<16xi32>
          %rem3A_557 = arith.remsi %add3A_534, %rem3A_556 : vector<16xi32>
          %ne3A_558 = arith.constant 0 : i32
          %ne3A_559 = vector.broadcast %ne3A_558 : i32 to vector<16xi32>
          %ne3A_560 = arith.cmpi ne, %rem3A_557, %ne3A_559 : vector<16xi32>
          %and3A_561 = arith.andi %ne3A_555, %ne3A_560 : vector<16xi1>
          %sub3A_562 = arith.constant 1 : i32
          %sub3A_563 = vector.broadcast %sub3A_562 : i32 to vector<16xi32>
          %sub3A_564 = arith.subi %div3A_537, %sub3A_563 : vector<16xi32>
          %select_n3A_565 = arith.select %and3A_561, %sub3A_564, %div3A_537 : vector<16xi1>, vector<16xi32>
          %gather3A_566 = tpu.vector_load_idx %arg6[%select_n3A_565] : memref<528xi32, #tpu.memory_space<vmem>>[vector<16xi32>], vector<16xi32>,
          %le3A_567 = arith.cmpi sle, %gather3A_566, %add3A_220 : vector<16xi32>
          %add3A_568 = arith.constant 1 : i32
          %add3A_569 = vector.broadcast %add3A_568 : i32 to vector<16xi32>
          %add3A_570 = arith.addi %select_n3A_565, %add3A_569 : vector<16xi32>
          %select_n3A_571 = arith.select %le3A_567, %add3A_570, %select_n3A_532 : vector<16xi1>, vector<16xi32>
          %select_n3A_572 = arith.select %le3A_567, %select_n3A_533, %select_n3A_565 : vector<16xi1>, vector<16xi32>
          %add3A_573 = arith.addi %select_n3A_571, %select_n3A_572 : vector<16xi32>
          %jit3A_574 = arith.constant 2 : i32
          %div3A_575 = vector.broadcast %jit3A_574 : i32 to vector<16xi32>
          %div3A_576 = arith.divsi %add3A_573, %div3A_575 : vector<16xi32>
          %sign3A_577 = arith.constant 0 : i32
          %sign3A_578 = vector.broadcast %sign3A_577 : i32 to vector<16xi32>
          %sign3A_579 = arith.cmpi sgt, %add3A_573, %sign3A_578 : vector<16xi32>
          %sign3A_580 = arith.extui %sign3A_579 : vector<16xi1> to vector<16xi32>
          %sign3A_581 = arith.constant 0 : i32
          %sign3A_582 = vector.broadcast %sign3A_581 : i32 to vector<16xi32>
          %sign3A_583 = arith.cmpi slt, %add3A_573, %sign3A_582 : vector<16xi32>
          %sign3A_584 = arith.extui %sign3A_583 : vector<16xi1> to vector<16xi32>
          %sign3A_585 = arith.subi %sign3A_580, %sign3A_584 : vector<16xi32>
          %sign3A_586 = arith.constant 0 : i32
          %sign3A_587 = arith.cmpi sgt, %jit3A_574, %sign3A_586 : i32
          %sign3A_588 = arith.extui %sign3A_587 : i1 to i32
          %sign3A_589 = arith.constant 0 : i32
          %sign3A_590 = arith.cmpi slt, %jit3A_574, %sign3A_589 : i32
          %sign3A_591 = arith.extui %sign3A_590 : i1 to i32
          %sign3A_592 = arith.subi %sign3A_588, %sign3A_591 : i32
          %ne3A_593 = vector.broadcast %sign3A_592 : i32 to vector<16xi32>
          %ne3A_594 = arith.cmpi ne, %sign3A_585, %ne3A_593 : vector<16xi32>
          %rem3A_595 = vector.broadcast %jit3A_574 : i32 to vector<16xi32>
          %rem3A_596 = arith.remsi %add3A_573, %rem3A_595 : vector<16xi32>
          %ne3A_597 = arith.constant 0 : i32
          %ne3A_598 = vector.broadcast %ne3A_597 : i32 to vector<16xi32>
          %ne3A_599 = arith.cmpi ne, %rem3A_596, %ne3A_598 : vector<16xi32>
          %and3A_600 = arith.andi %ne3A_594, %ne3A_599 : vector<16xi1>
          %sub3A_601 = arith.constant 1 : i32
          %sub3A_602 = vector.broadcast %sub3A_601 : i32 to vector<16xi32>
          %sub3A_603 = arith.subi %div3A_576, %sub3A_602 : vector<16xi32>
          %select_n3A_604 = arith.select %and3A_600, %sub3A_603, %div3A_576 : vector<16xi1>, vector<16xi32>
          %gather3A_605 = tpu.vector_load_idx %arg6[%select_n3A_604] : memref<528xi32, #tpu.memory_space<vmem>>[vector<16xi32>], vector<16xi32>,
          %le3A_606 = arith.cmpi sle, %gather3A_605, %add3A_220 : vector<16xi32>
          %add3A_607 = arith.constant 1 : i32
          %add3A_608 = vector.broadcast %add3A_607 : i32 to vector<16xi32>
          %add3A_609 = arith.addi %select_n3A_604, %add3A_608 : vector<16xi32>
          %select_n3A_610 = arith.select %le3A_606, %add3A_609, %select_n3A_571 : vector<16xi1>, vector<16xi32>
          %select_n3A_611 = arith.select %le3A_606, %select_n3A_572, %select_n3A_604 : vector<16xi1>, vector<16xi32>
          %eq3A = arith.constant 0 : i32
          %eq3A_612 = vector.broadcast %eq3A : i32 to vector<16xi32>
          %eq3A_613 = arith.cmpi eq, %select_n3A_610, %eq3A_612 : vector<16xi32>
          %sub3A_614 = arith.constant 1 : i32
          %sub3A_615 = vector.broadcast %sub3A_614 : i32 to vector<16xi32>
          %sub3A_616 = arith.subi %select_n3A_610, %sub3A_615 : vector<16xi32>
          %jit3A_617 = arith.constant 512 : i32
          %broadcast_in_dim3A_618 = vector.broadcast %jit3A_617 : i32 to vector<16xi32>
          %select_n3A_619 = arith.select %eq3A_613, %broadcast_in_dim3A_618, %sub3A_616 : vector<16xi1>, vector<16xi32>
          %add3A_620 = vector.broadcast %mul3A_4 : i32 to vector<16xi32>
          %add3A_621 = arith.addi %add3A_620, %select_n3A_619 : vector<16xi32>
          %mul3A_622 = arith.constant 16 : i32
          %mul3A_623 = arith.muli %scan3A_215, %mul3A_622 : i32
          %swap3A = arith.constant 1 : i32
          %swap3A_624 = arith.index_cast %swap3A : i32 to index
          %swap3A_625 = arith.index_cast %mul3A_623 : i32 to index
          %swap3A_626 = tpu.vector_load %arg8[%swap3A_624, %swap3A_625] {strides = array<i32>} : memref<2x128xi32, #tpu.memory_space<vmem>>, vector<16xi32>,
          tpu.vector_store %arg8[%swap3A_624, %swap3A_625], %add3A_621 {strides = array<i32>} : memref<2x128xi32, #tpu.memory_space<vmem>>, vector<16xi32>,
        }
        %scan3A_214 = arith.constant 8 : i32
      } else {
      }
    }
    %scan3A_113 = arith.constant 0 : i32
    %scan3A_114 = arith.constant 0 : i32
    %scan3A_115 = arith.constant 32 : i32
    %scan3A_116 = arith.addi %scan3A_114, %scan3A_115 : i32
    %scan3A_117 = arith.constant 1 : i32
    scf.for %scan3A_167 = %scan3A_114 to %scan3A_116 step %scan3A_117  : i32 {
      %mul3A_168 = arith.constant 16 : i32
      %mul3A_169 = arith.muli %scan3A_167, %mul3A_168 : i32
      %get3A_170 = arith.index_cast %mul3A_169 : i32 to index
      %get3A_171 = tpu.vector_load %arg6[%get3A_170] {strides = array<i32>} : memref<528xi32, #tpu.memory_space<vmem>>, vector<16xi32>,
      %mul3A_172 = arith.constant 16 : i32
      %mul3A_173 = arith.muli %scan3A_167, %mul3A_172 : i32
      %add3A_174 = arith.constant 1 : i32
      %add3A_175 = arith.addi %mul3A_173, %add3A_174 : i32
      %get3A_176 = arith.index_cast %add3A_175 : i32 to index
      %get3A_177 = tpu.vector_load %arg6[%get3A_176] {strides = array<i32>} : memref<528xi32, #tpu.memory_space<vmem>>, vector<16xi32>,
      %sub3A_178 = arith.subi %get3A_177, %get3A_171 : vector<16xi32>
      %convert_element_type3A_179 = arith.sitofp %sub3A_178 : vector<16xi32> to vector<16xf32>
      %max3A = arith.constant 1.000000e+00 : f32
      %max3A_180 = vector.broadcast %max3A : f32 to vector<16xf32>
      %max3A_181 = arith.maximumf %convert_element_type3A_179, %max3A_180 : vector<16xf32>
      %div3A_182 = arith.constant 1.000000e+00 : f32
      %div3A_183 = vector.broadcast %div3A_182 : f32 to vector<16xf32>
      %div3A_184 = arith.divf %div3A_183, %max3A_181 : vector<16xf32>
      %mul3A_185 = arith.constant 16 : i32
      %mul3A_186 = arith.muli %scan3A_167, %mul3A_185 : i32
      %swap3A = arith.index_cast %mul3A_186 : i32 to index
      %swap3A_187 = tpu.vector_load %arg10[%swap3A] {strides = array<i32>} : memref<512xf32, #tpu.memory_space<vmem>>, vector<16xf32>,
      tpu.vector_store %arg10[%swap3A], %div3A_184 {strides = array<i32>} : memref<512xf32, #tpu.memory_space<vmem>>, vector<16xf32>,
    }
    %scan3A_118 = arith.constant 32 : i32
    %add3A_119 = arith.constant 0 : i32
    %add3A_120 = arith.addi %mul3A_4, %add3A_119 : i32
    %run_scoped3A_121 = arith.constant 0 : i32
    "tpu.region"() ({
      %run_scoped3A_167 = tpu.sem_alloc : memref<!tpu.dma_semaphore, #tpu.memory_space<semaphore_mem>>
      %dma_start3A = arith.constant 0 : i32
      %dma_start3A_168 = arith.constant 0 : i32
      %dma_start3A_169 = tpu.memref_slice %arg9[%run_scoped3A_121, %dma_start3A, %dma_start3A_168] : memref<2x128x128xf32, #tpu.memory_space<vmem>> -> memref<1x128x128xf32, #tpu.memory_space<vmem>>
      %dma_start3A_170 = tpu.memref_squeeze %dma_start3A_169 : memref<1x128x128xf32, #tpu.memory_space<vmem>> -> memref<128x128xf32, #tpu.memory_space<vmem>>
      %dma_start3A_171 = arith.constant 0 : i32
      %dma_start3A_172 = tpu.memref_slice %arg11[%add3A_120, %dma_start3A_171] : memref<8320x128xf32, #tpu.memory_space<vmem_shared>> -> memref<128x128xf32, #tpu.memory_space<vmem_shared>>
      %dma_start3A_173 = arith.constant 0 : i32
      %dma_start3A_174 = arith.constant 0 : i32
      %dma_start3A_175 = tpu.memref_slice %arg9[%run_scoped3A_121, %dma_start3A_173, %dma_start3A_174] : memref<2x128x128xf32, #tpu.memory_space<vmem>> -> memref<1x128x128xf32, #tpu.memory_space<vmem>>
      %dma_start3A_176 = tpu.memref_squeeze %dma_start3A_175 : memref<1x128x128xf32, #tpu.memory_space<vmem>> -> memref<128x128xf32, #tpu.memory_space<vmem>>
      %dma_start3A_177 = arith.constant 0 : i32
      %dma_start3A_178 = tpu.memref_slice %arg11[%add3A_120, %dma_start3A_177] : memref<8320x128xf32, #tpu.memory_space<vmem_shared>> -> memref<128x128xf32, #tpu.memory_space<vmem_shared>>
      tpu.enqueue_dma source(%dma_start3A_178 : memref<128x128xf32, #tpu.memory_space<vmem_shared>>) target(%dma_start3A_176 : memref<128x128xf32, #tpu.memory_space<vmem>>) target_semaphore(%run_scoped3A_167 : memref<!tpu.dma_semaphore, #tpu.memory_space<semaphore_mem>>)
      %dma_wait3A = arith.constant 0 : i32
      %dma_wait3A_179 = arith.constant 0 : i32
      %dma_wait3A_180 = tpu.memref_slice %arg9[%run_scoped3A_121, %dma_wait3A, %dma_wait3A_179] : memref<2x128x128xf32, #tpu.memory_space<vmem>> -> memref<1x128x128xf32, #tpu.memory_space<vmem>>
      %dma_wait3A_181 = tpu.memref_squeeze %dma_wait3A_180 : memref<1x128x128xf32, #tpu.memory_space<vmem>> -> memref<128x128xf32, #tpu.memory_space<vmem>>
      %dma_wait3A_182 = arith.constant 0 : i32
      %dma_wait3A_183 = tpu.memref_slice %arg11[%add3A_120, %dma_wait3A_182] : memref<8320x128xf32, #tpu.memory_space<vmem_shared>> -> memref<128x128xf32, #tpu.memory_space<vmem_shared>>
      %dma_wait3A_184 = arith.constant 0 : i32
      %dma_wait3A_185 = arith.constant 0 : i32
      %dma_wait3A_186 = tpu.memref_slice %arg9[%run_scoped3A_121, %dma_wait3A_184, %dma_wait3A_185] : memref<2x128x128xf32, #tpu.memory_space<vmem>> -> memref<1x128x128xf32, #tpu.memory_space<vmem>>
      %dma_wait3A_187 = tpu.memref_squeeze %dma_wait3A_186 : memref<1x128x128xf32, #tpu.memory_space<vmem>> -> memref<128x128xf32, #tpu.memory_space<vmem>>
      %dma_wait3A_188 = arith.constant 0 : i32
      %dma_wait3A_189 = tpu.memref_slice %arg11[%add3A_120, %dma_wait3A_188] : memref<8320x128xf32, #tpu.memory_space<vmem_shared>> -> memref<128x128xf32, #tpu.memory_space<vmem_shared>>
      tpu.wait_dma2 semaphore(%run_scoped3A_167 : memref<!tpu.dma_semaphore, #tpu.memory_space<semaphore_mem>>) src(%dma_wait3A_189 : memref<128x128xf32, #tpu.memory_space<vmem_shared>>) dst(%dma_wait3A_187 : memref<128x128xf32, #tpu.memory_space<vmem>>)
      tpu.yield
    }) : () -> ()
    %scan3A_122 = arith.constant 0 : i32
    %scan3A_123 = arith.constant 0 : i32
    %scan3A_124 = arith.constant 128 : i32
    %scan3A_125 = arith.addi %scan3A_123, %scan3A_124 : i32
    %scan3A_126 = arith.constant 1 : i32
    scf.for %scan3A_167 = %scan3A_123 to %scan3A_125 step %scan3A_126  : i32 {
      %broadcast_in_dim3A = arith.constant 0 : i32
      %broadcast_in_dim3A_168 = vector.broadcast %broadcast_in_dim3A : i32 to vector<16xi32>
      %add3A_169 = arith.constant 0 : i32
      %add3A_170 = arith.addi %scan3A_167, %add3A_169 : i32
      %add3A_171 = vector.broadcast %add3A_170 : i32 to vector<16xi32>
      %add3A_172 = arith.addi %broadcast_in_dim3A_168, %add3A_171 : vector<16xi32>
      %gather3A = tpu.vector_load_idx %arg10[%add3A_172] : memref<512xf32, #tpu.memory_space<vmem>>[vector<16xi32>], vector<16xf32>,
      %get3A_173 = arith.constant 0 : i32
      %get3A_174 = arith.index_cast %get3A_173 : i32 to index
      %get3A_175 = arith.index_cast %scan3A_167 : i32 to index
      %get3A_176 = arith.constant 0 : index
      %get3A_177 = tpu.vector_load %arg9[%get3A_174, %get3A_175, %get3A_176] {strides = array<i32>} : memref<2x128x128xf32, #tpu.memory_space<vmem>>, vector<16xf32>,
      %mul3A_178 = arith.mulf %get3A_177, %gather3A : vector<16xf32>
      %swap3A = arith.constant 0 : i32
      %swap3A_179 = arith.index_cast %swap3A : i32 to index
      %swap3A_180 = arith.index_cast %scan3A_167 : i32 to index
      %swap3A_181 = arith.constant 0 : index
      %swap3A_182 = tpu.vector_load %arg9[%swap3A_179, %swap3A_180, %swap3A_181] {strides = array<i32>} : memref<2x128x128xf32, #tpu.memory_space<vmem>>, vector<16xf32>,
      tpu.vector_store %arg9[%swap3A_179, %swap3A_180, %swap3A_181], %mul3A_178 {strides = array<i32>} : memref<2x128x128xf32, #tpu.memory_space<vmem>>, vector<16xf32>,
      %get3A_183 = arith.constant 0 : i32
      %get3A_184 = arith.index_cast %get3A_183 : i32 to index
      %get3A_185 = arith.index_cast %scan3A_167 : i32 to index
      %get3A_186 = arith.constant 16 : index
      %get3A_187 = tpu.vector_load %arg9[%get3A_184, %get3A_185, %get3A_186] {strides = array<i32>} : memref<2x128x128xf32, #tpu.memory_space<vmem>>, vector<16xf32>,
      %mul3A_188 = arith.mulf %get3A_187, %gather3A : vector<16xf32>
      %swap3A_189 = arith.constant 0 : i32
      %swap3A_190 = arith.index_cast %swap3A_189 : i32 to index
      %swap3A_191 = arith.index_cast %scan3A_167 : i32 to index
      %swap3A_192 = arith.constant 16 : index
      %swap3A_193 = tpu.vector_load %arg9[%swap3A_190, %swap3A_191, %swap3A_192] {strides = array<i32>} : memref<2x128x128xf32, #tpu.memory_space<vmem>>, vector<16xf32>,
      tpu.vector_store %arg9[%swap3A_190, %swap3A_191, %swap3A_192], %mul3A_188 {strides = array<i32>} : memref<2x128x128xf32, #tpu.memory_space<vmem>>, vector<16xf32>,
      %get3A_194 = arith.constant 0 : i32
      %get3A_195 = arith.index_cast %get3A_194 : i32 to index
      %get3A_196 = arith.index_cast %scan3A_167 : i32 to index
      %get3A_197 = arith.constant 32 : index
      %get3A_198 = tpu.vector_load %arg9[%get3A_195, %get3A_196, %get3A_197] {strides = array<i32>} : memref<2x128x128xf32, #tpu.memory_space<vmem>>, vector<16xf32>,
      %mul3A_199 = arith.mulf %get3A_198, %gather3A : vector<16xf32>
      %swap3A_200 = arith.constant 0 : i32
      %swap3A_201 = arith.index_cast %swap3A_200 : i32 to index
      %swap3A_202 = arith.index_cast %scan3A_167 : i32 to index
      %swap3A_203 = arith.constant 32 : index
      %swap3A_204 = tpu.vector_load %arg9[%swap3A_201, %swap3A_202, %swap3A_203] {strides = array<i32>} : memref<2x128x128xf32, #tpu.memory_space<vmem>>, vector<16xf32>,
      tpu.vector_store %arg9[%swap3A_201, %swap3A_202, %swap3A_203], %mul3A_199 {strides = array<i32>} : memref<2x128x128xf32, #tpu.memory_space<vmem>>, vector<16xf32>,
      %get3A_205 = arith.constant 0 : i32
      %get3A_206 = arith.index_cast %get3A_205 : i32 to index
      %get3A_207 = arith.index_cast %scan3A_167 : i32 to index
      %get3A_208 = arith.constant 48 : index
      %get3A_209 = tpu.vector_load %arg9[%get3A_206, %get3A_207, %get3A_208] {strides = array<i32>} : memref<2x128x128xf32, #tpu.memory_space<vmem>>, vector<16xf32>,
      %mul3A_210 = arith.mulf %get3A_209, %gather3A : vector<16xf32>
      %swap3A_211 = arith.constant 0 : i32
      %swap3A_212 = arith.index_cast %swap3A_211 : i32 to index
      %swap3A_213 = arith.index_cast %scan3A_167 : i32 to index
      %swap3A_214 = arith.constant 48 : index
      %swap3A_215 = tpu.vector_load %arg9[%swap3A_212, %swap3A_213, %swap3A_214] {strides = array<i32>} : memref<2x128x128xf32, #tpu.memory_space<vmem>>, vector<16xf32>,
      tpu.vector_store %arg9[%swap3A_212, %swap3A_213, %swap3A_214], %mul3A_210 {strides = array<i32>} : memref<2x128x128xf32, #tpu.memory_space<vmem>>, vector<16xf32>,
      %get3A_216 = arith.constant 0 : i32
      %get3A_217 = arith.index_cast %get3A_216 : i32 to index
      %get3A_218 = arith.index_cast %scan3A_167 : i32 to index
      %get3A_219 = arith.constant 64 : index
      %get3A_220 = tpu.vector_load %arg9[%get3A_217, %get3A_218, %get3A_219] {strides = array<i32>} : memref<2x128x128xf32, #tpu.memory_space<vmem>>, vector<16xf32>,
      %mul3A_221 = arith.mulf %get3A_220, %gather3A : vector<16xf32>
      %swap3A_222 = arith.constant 0 : i32
      %swap3A_223 = arith.index_cast %swap3A_222 : i32 to index
      %swap3A_224 = arith.index_cast %scan3A_167 : i32 to index
      %swap3A_225 = arith.constant 64 : index
      %swap3A_226 = tpu.vector_load %arg9[%swap3A_223, %swap3A_224, %swap3A_225] {strides = array<i32>} : memref<2x128x128xf32, #tpu.memory_space<vmem>>, vector<16xf32>,
      tpu.vector_store %arg9[%swap3A_223, %swap3A_224, %swap3A_225], %mul3A_221 {strides = array<i32>} : memref<2x128x128xf32, #tpu.memory_space<vmem>>, vector<16xf32>,
      %get3A_227 = arith.constant 0 : i32
      %get3A_228 = arith.index_cast %get3A_227 : i32 to index
      %get3A_229 = arith.index_cast %scan3A_167 : i32 to index
      %get3A_230 = arith.constant 80 : index
      %get3A_231 = tpu.vector_load %arg9[%get3A_228, %get3A_229, %get3A_230] {strides = array<i32>} : memref<2x128x128xf32, #tpu.memory_space<vmem>>, vector<16xf32>,
      %mul3A_232 = arith.mulf %get3A_231, %gather3A : vector<16xf32>
      %swap3A_233 = arith.constant 0 : i32
      %swap3A_234 = arith.index_cast %swap3A_233 : i32 to index
      %swap3A_235 = arith.index_cast %scan3A_167 : i32 to index
      %swap3A_236 = arith.constant 80 : index
      %swap3A_237 = tpu.vector_load %arg9[%swap3A_234, %swap3A_235, %swap3A_236] {strides = array<i32>} : memref<2x128x128xf32, #tpu.memory_space<vmem>>, vector<16xf32>,
      tpu.vector_store %arg9[%swap3A_234, %swap3A_235, %swap3A_236], %mul3A_232 {strides = array<i32>} : memref<2x128x128xf32, #tpu.memory_space<vmem>>, vector<16xf32>,
      %get3A_238 = arith.constant 0 : i32
      %get3A_239 = arith.index_cast %get3A_238 : i32 to index
      %get3A_240 = arith.index_cast %scan3A_167 : i32 to index
      %get3A_241 = arith.constant 96 : index
      %get3A_242 = tpu.vector_load %arg9[%get3A_239, %get3A_240, %get3A_241] {strides = array<i32>} : memref<2x128x128xf32, #tpu.memory_space<vmem>>, vector<16xf32>,
      %mul3A_243 = arith.mulf %get3A_242, %gather3A : vector<16xf32>
      %swap3A_244 = arith.constant 0 : i32
      %swap3A_245 = arith.index_cast %swap3A_244 : i32 to index
      %swap3A_246 = arith.index_cast %scan3A_167 : i32 to index
      %swap3A_247 = arith.constant 96 : index
      %swap3A_248 = tpu.vector_load %arg9[%swap3A_245, %swap3A_246, %swap3A_247] {strides = array<i32>} : memref<2x128x128xf32, #tpu.memory_space<vmem>>, vector<16xf32>,
      tpu.vector_store %arg9[%swap3A_245, %swap3A_246, %swap3A_247], %mul3A_243 {strides = array<i32>} : memref<2x128x128xf32, #tpu.memory_space<vmem>>, vector<16xf32>,
      %get3A_249 = arith.constant 0 : i32
      %get3A_250 = arith.index_cast %get3A_249 : i32 to index
      %get3A_251 = arith.index_cast %scan3A_167 : i32 to index
      %get3A_252 = arith.constant 112 : index
      %get3A_253 = tpu.vector_load %arg9[%get3A_250, %get3A_251, %get3A_252] {strides = array<i32>} : memref<2x128x128xf32, #tpu.memory_space<vmem>>, vector<16xf32>,
      %mul3A_254 = arith.mulf %get3A_253, %gather3A : vector<16xf32>
      %swap3A_255 = arith.constant 0 : i32
      %swap3A_256 = arith.index_cast %swap3A_255 : i32 to index
      %swap3A_257 = arith.index_cast %scan3A_167 : i32 to index
      %swap3A_258 = arith.constant 112 : index
      %swap3A_259 = tpu.vector_load %arg9[%swap3A_256, %swap3A_257, %swap3A_258] {strides = array<i32>} : memref<2x128x128xf32, #tpu.memory_space<vmem>>, vector<16xf32>,
      tpu.vector_store %arg9[%swap3A_256, %swap3A_257, %swap3A_258], %mul3A_254 {strides = array<i32>} : memref<2x128x128xf32, #tpu.memory_space<vmem>>, vector<16xf32>,
    }
    %scan3A_127 = arith.constant 128 : i32
    %add3A_128 = arith.constant 0 : i32
    %add3A_129 = arith.addi %mul3A_2, %add3A_128 : i32
    %run_scoped3A_130 = arith.constant 0 : i32
    "tpu.region"() ({
      %run_scoped3A_167 = tpu.sem_alloc : memref<!tpu.dma_semaphore, #tpu.memory_space<semaphore_mem>>
      %dma_start3A = arith.constant 0 : i32
      %dma_start3A_168 = arith.constant 0 : i32
      %dma_start3A_169 = tpu.memref_slice %arg9[%run_scoped3A_130, %dma_start3A, %dma_start3A_168] : memref<2x128x128xf32, #tpu.memory_space<vmem>> -> memref<1x128x128xf32, #tpu.memory_space<vmem>>
      %dma_start3A_170 = tpu.memref_squeeze %dma_start3A_169 : memref<1x128x128xf32, #tpu.memory_space<vmem>> -> memref<128x128xf32, #tpu.memory_space<vmem>>
      %dma_start3A_171 = arith.constant 0 : i32
      %dma_start3A_172 = tpu.memref_slice %arg5[%add3A_129, %dma_start3A_171] : memref<16384x128xf32, #tpu.memory_space<hbm>> -> memref<128x128xf32, #tpu.memory_space<hbm>>
      %dma_start3A_173 = arith.constant 0 : i32
      %dma_start3A_174 = tpu.memref_slice %arg5[%add3A_129, %dma_start3A_173] : memref<16384x128xf32, #tpu.memory_space<hbm>> -> memref<128x128xf32, #tpu.memory_space<hbm>>
      %dma_start3A_175 = arith.constant 0 : i32
      %dma_start3A_176 = arith.constant 0 : i32
      %dma_start3A_177 = tpu.memref_slice %arg9[%run_scoped3A_130, %dma_start3A_175, %dma_start3A_176] : memref<2x128x128xf32, #tpu.memory_space<vmem>> -> memref<1x128x128xf32, #tpu.memory_space<vmem>>
      %dma_start3A_178 = tpu.memref_squeeze %dma_start3A_177 : memref<1x128x128xf32, #tpu.memory_space<vmem>> -> memref<128x128xf32, #tpu.memory_space<vmem>>
      tpu.enqueue_dma source(%dma_start3A_178 : memref<128x128xf32, #tpu.memory_space<vmem>>) target(%dma_start3A_174 : memref<128x128xf32, #tpu.memory_space<hbm>>) target_semaphore(%run_scoped3A_167 : memref<!tpu.dma_semaphore, #tpu.memory_space<semaphore_mem>>)
      %dma_wait3A = arith.constant 0 : i32
      %dma_wait3A_179 = arith.constant 0 : i32
      %dma_wait3A_180 = tpu.memref_slice %arg9[%run_scoped3A_130, %dma_wait3A, %dma_wait3A_179] : memref<2x128x128xf32, #tpu.memory_space<vmem>> -> memref<1x128x128xf32, #tpu.memory_space<vmem>>
      %dma_wait3A_181 = tpu.memref_squeeze %dma_wait3A_180 : memref<1x128x128xf32, #tpu.memory_space<vmem>> -> memref<128x128xf32, #tpu.memory_space<vmem>>
      %dma_wait3A_182 = arith.constant 0 : i32
      %dma_wait3A_183 = tpu.memref_slice %arg5[%add3A_129, %dma_wait3A_182] : memref<16384x128xf32, #tpu.memory_space<hbm>> -> memref<128x128xf32, #tpu.memory_space<hbm>>
      %dma_wait3A_184 = arith.constant 0 : i32
      %dma_wait3A_185 = tpu.memref_slice %arg5[%add3A_129, %dma_wait3A_184] : memref<16384x128xf32, #tpu.memory_space<hbm>> -> memref<128x128xf32, #tpu.memory_space<hbm>>
      %dma_wait3A_186 = arith.constant 0 : i32
      %dma_wait3A_187 = arith.constant 0 : i32
      %dma_wait3A_188 = tpu.memref_slice %arg9[%run_scoped3A_130, %dma_wait3A_186, %dma_wait3A_187] : memref<2x128x128xf32, #tpu.memory_space<vmem>> -> memref<1x128x128xf32, #tpu.memory_space<vmem>>
      %dma_wait3A_189 = tpu.memref_squeeze %dma_wait3A_188 : memref<1x128x128xf32, #tpu.memory_space<vmem>> -> memref<128x128xf32, #tpu.memory_space<vmem>>
      tpu.wait_dma2 semaphore(%run_scoped3A_167 : memref<!tpu.dma_semaphore, #tpu.memory_space<semaphore_mem>>) src(%dma_wait3A_189 : memref<128x128xf32, #tpu.memory_space<vmem>>) dst(%dma_wait3A_185 : memref<128x128xf32, #tpu.memory_space<hbm>>)
      tpu.yield
    }) : () -> ()
    %add3A_131 = arith.constant 128 : i32
    %add3A_132 = arith.addi %mul3A_4, %add3A_131 : i32
    %run_scoped3A_133 = arith.constant 0 : i32
    "tpu.region"() ({
      %run_scoped3A_167 = tpu.sem_alloc : memref<!tpu.dma_semaphore, #tpu.memory_space<semaphore_mem>>
      %dma_start3A = arith.constant 0 : i32
      %dma_start3A_168 = arith.constant 0 : i32
      %dma_start3A_169 = tpu.memref_slice %arg9[%run_scoped3A_133, %dma_start3A, %dma_start3A_168] : memref<2x128x128xf32, #tpu.memory_space<vmem>> -> memref<1x128x128xf32, #tpu.memory_space<vmem>>
      %dma_start3A_170 = tpu.memref_squeeze %dma_start3A_169 : memref<1x128x128xf32, #tpu.memory_space<vmem>> -> memref<128x128xf32, #tpu.memory_space<vmem>>
      %dma_start3A_171 = arith.constant 0 : i32
      %dma_start3A_172 = tpu.memref_slice %arg11[%add3A_132, %dma_start3A_171] : memref<8320x128xf32, #tpu.memory_space<vmem_shared>> -> memref<128x128xf32, #tpu.memory_space<vmem_shared>>
      %dma_start3A_173 = arith.constant 0 : i32
      %dma_start3A_174 = arith.constant 0 : i32
      %dma_start3A_175 = tpu.memref_slice %arg9[%run_scoped3A_133, %dma_start3A_173, %dma_start3A_174] : memref<2x128x128xf32, #tpu.memory_space<vmem>> -> memref<1x128x128xf32, #tpu.memory_space<vmem>>
      %dma_start3A_176 = tpu.memref_squeeze %dma_start3A_175 : memref<1x128x128xf32, #tpu.memory_space<vmem>> -> memref<128x128xf32, #tpu.memory_space<vmem>>
      %dma_start3A_177 = arith.constant 0 : i32
      %dma_start3A_178 = tpu.memref_slice %arg11[%add3A_132, %dma_start3A_177] : memref<8320x128xf32, #tpu.memory_space<vmem_shared>> -> memref<128x128xf32, #tpu.memory_space<vmem_shared>>
      tpu.enqueue_dma source(%dma_start3A_178 : memref<128x128xf32, #tpu.memory_space<vmem_shared>>) target(%dma_start3A_176 : memref<128x128xf32, #tpu.memory_space<vmem>>) target_semaphore(%run_scoped3A_167 : memref<!tpu.dma_semaphore, #tpu.memory_space<semaphore_mem>>)
      %dma_wait3A = arith.constant 0 : i32
      %dma_wait3A_179 = arith.constant 0 : i32
      %dma_wait3A_180 = tpu.memref_slice %arg9[%run_scoped3A_133, %dma_wait3A, %dma_wait3A_179] : memref<2x128x128xf32, #tpu.memory_space<vmem>> -> memref<1x128x128xf32, #tpu.memory_space<vmem>>
      %dma_wait3A_181 = tpu.memref_squeeze %dma_wait3A_180 : memref<1x128x128xf32, #tpu.memory_space<vmem>> -> memref<128x128xf32, #tpu.memory_space<vmem>>
      %dma_wait3A_182 = arith.constant 0 : i32
      %dma_wait3A_183 = tpu.memref_slice %arg11[%add3A_132, %dma_wait3A_182] : memref<8320x128xf32, #tpu.memory_space<vmem_shared>> -> memref<128x128xf32, #tpu.memory_space<vmem_shared>>
      %dma_wait3A_184 = arith.constant 0 : i32
      %dma_wait3A_185 = arith.constant 0 : i32
      %dma_wait3A_186 = tpu.memref_slice %arg9[%run_scoped3A_133, %dma_wait3A_184, %dma_wait3A_185] : memref<2x128x128xf32, #tpu.memory_space<vmem>> -> memref<1x128x128xf32, #tpu.memory_space<vmem>>
      %dma_wait3A_187 = tpu.memref_squeeze %dma_wait3A_186 : memref<1x128x128xf32, #tpu.memory_space<vmem>> -> memref<128x128xf32, #tpu.memory_space<vmem>>
      %dma_wait3A_188 = arith.constant 0 : i32
      %dma_wait3A_189 = tpu.memref_slice %arg11[%add3A_132, %dma_wait3A_188] : memref<8320x128xf32, #tpu.memory_space<vmem_shared>> -> memref<128x128xf32, #tpu.memory_space<vmem_shared>>
      tpu.wait_dma2 semaphore(%run_scoped3A_167 : memref<!tpu.dma_semaphore, #tpu.memory_space<semaphore_mem>>) src(%dma_wait3A_189 : memref<128x128xf32, #tpu.memory_space<vmem_shared>>) dst(%dma_wait3A_187 : memref<128x128xf32, #tpu.memory_space<vmem>>)
      tpu.yield
    }) : () -> ()
    %scan3A_134 = arith.constant 0 : i32
    %scan3A_135 = arith.constant 0 : i32
    %scan3A_136 = arith.constant 128 : i32
    %scan3A_137 = arith.addi %scan3A_135, %scan3A_136 : i32
    %scan3A_138 = arith.constant 1 : i32
    scf.for %scan3A_167 = %scan3A_135 to %scan3A_137 step %scan3A_138  : i32 {
      %broadcast_in_dim3A = arith.constant 0 : i32
      %broadcast_in_dim3A_168 = vector.broadcast %broadcast_in_dim3A : i32 to vector<16xi32>
      %add3A_169 = arith.constant 128 : i32
      %add3A_170 = arith.addi %scan3A_167, %add3A_169 : i32
      %add3A_171 = vector.broadcast %add3A_170 : i32 to vector<16xi32>
      %add3A_172 = arith.addi %broadcast_in_dim3A_168, %add3A_171 : vector<16xi32>
      %gather3A = tpu.vector_load_idx %arg10[%add3A_172] : memref<512xf32, #tpu.memory_space<vmem>>[vector<16xi32>], vector<16xf32>,
      %get3A_173 = arith.constant 0 : i32
      %get3A_174 = arith.index_cast %get3A_173 : i32 to index
      %get3A_175 = arith.index_cast %scan3A_167 : i32 to index
      %get3A_176 = arith.constant 0 : index
      %get3A_177 = tpu.vector_load %arg9[%get3A_174, %get3A_175, %get3A_176] {strides = array<i32>} : memref<2x128x128xf32, #tpu.memory_space<vmem>>, vector<16xf32>,
      %mul3A_178 = arith.mulf %get3A_177, %gather3A : vector<16xf32>
      %swap3A = arith.constant 0 : i32
      %swap3A_179 = arith.index_cast %swap3A : i32 to index
      %swap3A_180 = arith.index_cast %scan3A_167 : i32 to index
      %swap3A_181 = arith.constant 0 : index
      %swap3A_182 = tpu.vector_load %arg9[%swap3A_179, %swap3A_180, %swap3A_181] {strides = array<i32>} : memref<2x128x128xf32, #tpu.memory_space<vmem>>, vector<16xf32>,
      tpu.vector_store %arg9[%swap3A_179, %swap3A_180, %swap3A_181], %mul3A_178 {strides = array<i32>} : memref<2x128x128xf32, #tpu.memory_space<vmem>>, vector<16xf32>,
      %get3A_183 = arith.constant 0 : i32
      %get3A_184 = arith.index_cast %get3A_183 : i32 to index
      %get3A_185 = arith.index_cast %scan3A_167 : i32 to index
      %get3A_186 = arith.constant 16 : index
      %get3A_187 = tpu.vector_load %arg9[%get3A_184, %get3A_185, %get3A_186] {strides = array<i32>} : memref<2x128x128xf32, #tpu.memory_space<vmem>>, vector<16xf32>,
      %mul3A_188 = arith.mulf %get3A_187, %gather3A : vector<16xf32>
      %swap3A_189 = arith.constant 0 : i32
      %swap3A_190 = arith.index_cast %swap3A_189 : i32 to index
      %swap3A_191 = arith.index_cast %scan3A_167 : i32 to index
      %swap3A_192 = arith.constant 16 : index
      %swap3A_193 = tpu.vector_load %arg9[%swap3A_190, %swap3A_191, %swap3A_192] {strides = array<i32>} : memref<2x128x128xf32, #tpu.memory_space<vmem>>, vector<16xf32>,
      tpu.vector_store %arg9[%swap3A_190, %swap3A_191, %swap3A_192], %mul3A_188 {strides = array<i32>} : memref<2x128x128xf32, #tpu.memory_space<vmem>>, vector<16xf32>,
      %get3A_194 = arith.constant 0 : i32
      %get3A_195 = arith.index_cast %get3A_194 : i32 to index
      %get3A_196 = arith.index_cast %scan3A_167 : i32 to index
      %get3A_197 = arith.constant 32 : index
      %get3A_198 = tpu.vector_load %arg9[%get3A_195, %get3A_196, %get3A_197] {strides = array<i32>} : memref<2x128x128xf32, #tpu.memory_space<vmem>>, vector<16xf32>,
      %mul3A_199 = arith.mulf %get3A_198, %gather3A : vector<16xf32>
      %swap3A_200 = arith.constant 0 : i32
      %swap3A_201 = arith.index_cast %swap3A_200 : i32 to index
      %swap3A_202 = arith.index_cast %scan3A_167 : i32 to index
      %swap3A_203 = arith.constant 32 : index
      %swap3A_204 = tpu.vector_load %arg9[%swap3A_201, %swap3A_202, %swap3A_203] {strides = array<i32>} : memref<2x128x128xf32, #tpu.memory_space<vmem>>, vector<16xf32>,
      tpu.vector_store %arg9[%swap3A_201, %swap3A_202, %swap3A_203], %mul3A_199 {strides = array<i32>} : memref<2x128x128xf32, #tpu.memory_space<vmem>>, vector<16xf32>,
      %get3A_205 = arith.constant 0 : i32
      %get3A_206 = arith.index_cast %get3A_205 : i32 to index
      %get3A_207 = arith.index_cast %scan3A_167 : i32 to index
      %get3A_208 = arith.constant 48 : index
      %get3A_209 = tpu.vector_load %arg9[%get3A_206, %get3A_207, %get3A_208] {strides = array<i32>} : memref<2x128x128xf32, #tpu.memory_space<vmem>>, vector<16xf32>,
      %mul3A_210 = arith.mulf %get3A_209, %gather3A : vector<16xf32>
      %swap3A_211 = arith.constant 0 : i32
      %swap3A_212 = arith.index_cast %swap3A_211 : i32 to index
      %swap3A_213 = arith.index_cast %scan3A_167 : i32 to index
      %swap3A_214 = arith.constant 48 : index
      %swap3A_215 = tpu.vector_load %arg9[%swap3A_212, %swap3A_213, %swap3A_214] {strides = array<i32>} : memref<2x128x128xf32, #tpu.memory_space<vmem>>, vector<16xf32>,
      tpu.vector_store %arg9[%swap3A_212, %swap3A_213, %swap3A_214], %mul3A_210 {strides = array<i32>} : memref<2x128x128xf32, #tpu.memory_space<vmem>>, vector<16xf32>,
      %get3A_216 = arith.constant 0 : i32
      %get3A_217 = arith.index_cast %get3A_216 : i32 to index
      %get3A_218 = arith.index_cast %scan3A_167 : i32 to index
      %get3A_219 = arith.constant 64 : index
      %get3A_220 = tpu.vector_load %arg9[%get3A_217, %get3A_218, %get3A_219] {strides = array<i32>} : memref<2x128x128xf32, #tpu.memory_space<vmem>>, vector<16xf32>,
      %mul3A_221 = arith.mulf %get3A_220, %gather3A : vector<16xf32>
      %swap3A_222 = arith.constant 0 : i32
      %swap3A_223 = arith.index_cast %swap3A_222 : i32 to index
      %swap3A_224 = arith.index_cast %scan3A_167 : i32 to index
      %swap3A_225 = arith.constant 64 : index
      %swap3A_226 = tpu.vector_load %arg9[%swap3A_223, %swap3A_224, %swap3A_225] {strides = array<i32>} : memref<2x128x128xf32, #tpu.memory_space<vmem>>, vector<16xf32>,
      tpu.vector_store %arg9[%swap3A_223, %swap3A_224, %swap3A_225], %mul3A_221 {strides = array<i32>} : memref<2x128x128xf32, #tpu.memory_space<vmem>>, vector<16xf32>,
      %get3A_227 = arith.constant 0 : i32
      %get3A_228 = arith.index_cast %get3A_227 : i32 to index
      %get3A_229 = arith.index_cast %scan3A_167 : i32 to index
      %get3A_230 = arith.constant 80 : index
      %get3A_231 = tpu.vector_load %arg9[%get3A_228, %get3A_229, %get3A_230] {strides = array<i32>} : memref<2x128x128xf32, #tpu.memory_space<vmem>>, vector<16xf32>,
      %mul3A_232 = arith.mulf %get3A_231, %gather3A : vector<16xf32>
      %swap3A_233 = arith.constant 0 : i32
      %swap3A_234 = arith.index_cast %swap3A_233 : i32 to index
      %swap3A_235 = arith.index_cast %scan3A_167 : i32 to index
      %swap3A_236 = arith.constant 80 : index
      %swap3A_237 = tpu.vector_load %arg9[%swap3A_234, %swap3A_235, %swap3A_236] {strides = array<i32>} : memref<2x128x128xf32, #tpu.memory_space<vmem>>, vector<16xf32>,
      tpu.vector_store %arg9[%swap3A_234, %swap3A_235, %swap3A_236], %mul3A_232 {strides = array<i32>} : memref<2x128x128xf32, #tpu.memory_space<vmem>>, vector<16xf32>,
      %get3A_238 = arith.constant 0 : i32
      %get3A_239 = arith.index_cast %get3A_238 : i32 to index
      %get3A_240 = arith.index_cast %scan3A_167 : i32 to index
      %get3A_241 = arith.constant 96 : index
      %get3A_242 = tpu.vector_load %arg9[%get3A_239, %get3A_240, %get3A_241] {strides = array<i32>} : memref<2x128x128xf32, #tpu.memory_space<vmem>>, vector<16xf32>,
      %mul3A_243 = arith.mulf %get3A_242, %gather3A : vector<16xf32>
      %swap3A_244 = arith.constant 0 : i32
      %swap3A_245 = arith.index_cast %swap3A_244 : i32 to index
      %swap3A_246 = arith.index_cast %scan3A_167 : i32 to index
      %swap3A_247 = arith.constant 96 : index
      %swap3A_248 = tpu.vector_load %arg9[%swap3A_245, %swap3A_246, %swap3A_247] {strides = array<i32>} : memref<2x128x128xf32, #tpu.memory_space<vmem>>, vector<16xf32>,
      tpu.vector_store %arg9[%swap3A_245, %swap3A_246, %swap3A_247], %mul3A_243 {strides = array<i32>} : memref<2x128x128xf32, #tpu.memory_space<vmem>>, vector<16xf32>,
      %get3A_249 = arith.constant 0 : i32
      %get3A_250 = arith.index_cast %get3A_249 : i32 to index
      %get3A_251 = arith.index_cast %scan3A_167 : i32 to index
      %get3A_252 = arith.constant 112 : index
      %get3A_253 = tpu.vector_load %arg9[%get3A_250, %get3A_251, %get3A_252] {strides = array<i32>} : memref<2x128x128xf32, #tpu.memory_space<vmem>>, vector<16xf32>,
      %mul3A_254 = arith.mulf %get3A_253, %gather3A : vector<16xf32>
      %swap3A_255 = arith.constant 0 : i32
      %swap3A_256 = arith.index_cast %swap3A_255 : i32 to index
      %swap3A_257 = arith.index_cast %scan3A_167 : i32 to index
      %swap3A_258 = arith.constant 112 : index
      %swap3A_259 = tpu.vector_load %arg9[%swap3A_256, %swap3A_257, %swap3A_258] {strides = array<i32>} : memref<2x128x128xf32, #tpu.memory_space<vmem>>, vector<16xf32>,
      tpu.vector_store %arg9[%swap3A_256, %swap3A_257, %swap3A_258], %mul3A_254 {strides = array<i32>} : memref<2x128x128xf32, #tpu.memory_space<vmem>>, vector<16xf32>,
    }
    %scan3A_139 = arith.constant 128 : i32
    %add3A_140 = arith.constant 128 : i32
    %add3A_141 = arith.addi %mul3A_2, %add3A_140 : i32
    %run_scoped3A_142 = arith.constant 0 : i32
    "tpu.region"() ({
      %run_scoped3A_167 = tpu.sem_alloc : memref<!tpu.dma_semaphore, #tpu.memory_space<semaphore_mem>>
      %dma_start3A = arith.constant 0 : i32
      %dma_start3A_168 = arith.constant 0 : i32
      %dma_start3A_169 = tpu.memref_slice %arg9[%run_scoped3A_142, %dma_start3A, %dma_start3A_168] : memref<2x128x128xf32, #tpu.memory_space<vmem>> -> memref<1x128x128xf32, #tpu.memory_space<vmem>>
      %dma_start3A_170 = tpu.memref_squeeze %dma_start3A_169 : memref<1x128x128xf32, #tpu.memory_space<vmem>> -> memref<128x128xf32, #tpu.memory_space<vmem>>
      %dma_start3A_171 = arith.constant 0 : i32
      %dma_start3A_172 = tpu.memref_slice %arg5[%add3A_141, %dma_start3A_171] : memref<16384x128xf32, #tpu.memory_space<hbm>> -> memref<128x128xf32, #tpu.memory_space<hbm>>
      %dma_start3A_173 = arith.constant 0 : i32
      %dma_start3A_174 = tpu.memref_slice %arg5[%add3A_141, %dma_start3A_173] : memref<16384x128xf32, #tpu.memory_space<hbm>> -> memref<128x128xf32, #tpu.memory_space<hbm>>
      %dma_start3A_175 = arith.constant 0 : i32
      %dma_start3A_176 = arith.constant 0 : i32
      %dma_start3A_177 = tpu.memref_slice %arg9[%run_scoped3A_142, %dma_start3A_175, %dma_start3A_176] : memref<2x128x128xf32, #tpu.memory_space<vmem>> -> memref<1x128x128xf32, #tpu.memory_space<vmem>>
      %dma_start3A_178 = tpu.memref_squeeze %dma_start3A_177 : memref<1x128x128xf32, #tpu.memory_space<vmem>> -> memref<128x128xf32, #tpu.memory_space<vmem>>
      tpu.enqueue_dma source(%dma_start3A_178 : memref<128x128xf32, #tpu.memory_space<vmem>>) target(%dma_start3A_174 : memref<128x128xf32, #tpu.memory_space<hbm>>) target_semaphore(%run_scoped3A_167 : memref<!tpu.dma_semaphore, #tpu.memory_space<semaphore_mem>>)
      %dma_wait3A = arith.constant 0 : i32
      %dma_wait3A_179 = arith.constant 0 : i32
      %dma_wait3A_180 = tpu.memref_slice %arg9[%run_scoped3A_142, %dma_wait3A, %dma_wait3A_179] : memref<2x128x128xf32, #tpu.memory_space<vmem>> -> memref<1x128x128xf32, #tpu.memory_space<vmem>>
      %dma_wait3A_181 = tpu.memref_squeeze %dma_wait3A_180 : memref<1x128x128xf32, #tpu.memory_space<vmem>> -> memref<128x128xf32, #tpu.memory_space<vmem>>
      %dma_wait3A_182 = arith.constant 0 : i32
      %dma_wait3A_183 = tpu.memref_slice %arg5[%add3A_141, %dma_wait3A_182] : memref<16384x128xf32, #tpu.memory_space<hbm>> -> memref<128x128xf32, #tpu.memory_space<hbm>>
      %dma_wait3A_184 = arith.constant 0 : i32
      %dma_wait3A_185 = tpu.memref_slice %arg5[%add3A_141, %dma_wait3A_184] : memref<16384x128xf32, #tpu.memory_space<hbm>> -> memref<128x128xf32, #tpu.memory_space<hbm>>
      %dma_wait3A_186 = arith.constant 0 : i32
      %dma_wait3A_187 = arith.constant 0 : i32
      %dma_wait3A_188 = tpu.memref_slice %arg9[%run_scoped3A_142, %dma_wait3A_186, %dma_wait3A_187] : memref<2x128x128xf32, #tpu.memory_space<vmem>> -> memref<1x128x128xf32, #tpu.memory_space<vmem>>
      %dma_wait3A_189 = tpu.memref_squeeze %dma_wait3A_188 : memref<1x128x128xf32, #tpu.memory_space<vmem>> -> memref<128x128xf32, #tpu.memory_space<vmem>>
      tpu.wait_dma2 semaphore(%run_scoped3A_167 : memref<!tpu.dma_semaphore, #tpu.memory_space<semaphore_mem>>) src(%dma_wait3A_189 : memref<128x128xf32, #tpu.memory_space<vmem>>) dst(%dma_wait3A_185 : memref<128x128xf32, #tpu.memory_space<hbm>>)
      tpu.yield
    }) : () -> ()
    %add3A_143 = arith.constant 256 : i32
    %add3A_144 = arith.addi %mul3A_4, %add3A_143 : i32
    %run_scoped3A_145 = arith.constant 0 : i32
    "tpu.region"() ({
      %run_scoped3A_167 = tpu.sem_alloc : memref<!tpu.dma_semaphore, #tpu.memory_space<semaphore_mem>>
      %dma_start3A = arith.constant 0 : i32
      %dma_start3A_168 = arith.constant 0 : i32
      %dma_start3A_169 = tpu.memref_slice %arg9[%run_scoped3A_145, %dma_start3A, %dma_start3A_168] : memref<2x128x128xf32, #tpu.memory_space<vmem>> -> memref<1x128x128xf32, #tpu.memory_space<vmem>>
      %dma_start3A_170 = tpu.memref_squeeze %dma_start3A_169 : memref<1x128x128xf32, #tpu.memory_space<vmem>> -> memref<128x128xf32, #tpu.memory_space<vmem>>
      %dma_start3A_171 = arith.constant 0 : i32
      %dma_start3A_172 = tpu.memref_slice %arg11[%add3A_144, %dma_start3A_171] : memref<8320x128xf32, #tpu.memory_space<vmem_shared>> -> memref<128x128xf32, #tpu.memory_space<vmem_shared>>
      %dma_start3A_173 = arith.constant 0 : i32
      %dma_start3A_174 = arith.constant 0 : i32
      %dma_start3A_175 = tpu.memref_slice %arg9[%run_scoped3A_145, %dma_start3A_173, %dma_start3A_174] : memref<2x128x128xf32, #tpu.memory_space<vmem>> -> memref<1x128x128xf32, #tpu.memory_space<vmem>>
      %dma_start3A_176 = tpu.memref_squeeze %dma_start3A_175 : memref<1x128x128xf32, #tpu.memory_space<vmem>> -> memref<128x128xf32, #tpu.memory_space<vmem>>
      %dma_start3A_177 = arith.constant 0 : i32
      %dma_start3A_178 = tpu.memref_slice %arg11[%add3A_144, %dma_start3A_177] : memref<8320x128xf32, #tpu.memory_space<vmem_shared>> -> memref<128x128xf32, #tpu.memory_space<vmem_shared>>
      tpu.enqueue_dma source(%dma_start3A_178 : memref<128x128xf32, #tpu.memory_space<vmem_shared>>) target(%dma_start3A_176 : memref<128x128xf32, #tpu.memory_space<vmem>>) target_semaphore(%run_scoped3A_167 : memref<!tpu.dma_semaphore, #tpu.memory_space<semaphore_mem>>)
      %dma_wait3A = arith.constant 0 : i32
      %dma_wait3A_179 = arith.constant 0 : i32
      %dma_wait3A_180 = tpu.memref_slice %arg9[%run_scoped3A_145, %dma_wait3A, %dma_wait3A_179] : memref<2x128x128xf32, #tpu.memory_space<vmem>> -> memref<1x128x128xf32, #tpu.memory_space<vmem>>
      %dma_wait3A_181 = tpu.memref_squeeze %dma_wait3A_180 : memref<1x128x128xf32, #tpu.memory_space<vmem>> -> memref<128x128xf32, #tpu.memory_space<vmem>>
      %dma_wait3A_182 = arith.constant 0 : i32
      %dma_wait3A_183 = tpu.memref_slice %arg11[%add3A_144, %dma_wait3A_182] : memref<8320x128xf32, #tpu.memory_space<vmem_shared>> -> memref<128x128xf32, #tpu.memory_space<vmem_shared>>
      %dma_wait3A_184 = arith.constant 0 : i32
      %dma_wait3A_185 = arith.constant 0 : i32
      %dma_wait3A_186 = tpu.memref_slice %arg9[%run_scoped3A_145, %dma_wait3A_184, %dma_wait3A_185] : memref<2x128x128xf32, #tpu.memory_space<vmem>> -> memref<1x128x128xf32, #tpu.memory_space<vmem>>
      %dma_wait3A_187 = tpu.memref_squeeze %dma_wait3A_186 : memref<1x128x128xf32, #tpu.memory_space<vmem>> -> memref<128x128xf32, #tpu.memory_space<vmem>>
      %dma_wait3A_188 = arith.constant 0 : i32
      %dma_wait3A_189 = tpu.memref_slice %arg11[%add3A_144, %dma_wait3A_188] : memref<8320x128xf32, #tpu.memory_space<vmem_shared>> -> memref<128x128xf32, #tpu.memory_space<vmem_shared>>
      tpu.wait_dma2 semaphore(%run_scoped3A_167 : memref<!tpu.dma_semaphore, #tpu.memory_space<semaphore_mem>>) src(%dma_wait3A_189 : memref<128x128xf32, #tpu.memory_space<vmem_shared>>) dst(%dma_wait3A_187 : memref<128x128xf32, #tpu.memory_space<vmem>>)
      tpu.yield
    }) : () -> ()
    %scan3A_146 = arith.constant 0 : i32
    %scan3A_147 = arith.constant 0 : i32
    %scan3A_148 = arith.constant 128 : i32
    %scan3A_149 = arith.addi %scan3A_147, %scan3A_148 : i32
    %scan3A_150 = arith.constant 1 : i32
    scf.for %scan3A_167 = %scan3A_147 to %scan3A_149 step %scan3A_150  : i32 {
      %broadcast_in_dim3A = arith.constant 0 : i32
      %broadcast_in_dim3A_168 = vector.broadcast %broadcast_in_dim3A : i32 to vector<16xi32>
      %add3A_169 = arith.constant 256 : i32
      %add3A_170 = arith.addi %scan3A_167, %add3A_169 : i32
      %add3A_171 = vector.broadcast %add3A_170 : i32 to vector<16xi32>
      %add3A_172 = arith.addi %broadcast_in_dim3A_168, %add3A_171 : vector<16xi32>
      %gather3A = tpu.vector_load_idx %arg10[%add3A_172] : memref<512xf32, #tpu.memory_space<vmem>>[vector<16xi32>], vector<16xf32>,
      %get3A_173 = arith.constant 0 : i32
      %get3A_174 = arith.index_cast %get3A_173 : i32 to index
      %get3A_175 = arith.index_cast %scan3A_167 : i32 to index
      %get3A_176 = arith.constant 0 : index
      %get3A_177 = tpu.vector_load %arg9[%get3A_174, %get3A_175, %get3A_176] {strides = array<i32>} : memref<2x128x128xf32, #tpu.memory_space<vmem>>, vector<16xf32>,
      %mul3A_178 = arith.mulf %get3A_177, %gather3A : vector<16xf32>
      %swap3A = arith.constant 0 : i32
      %swap3A_179 = arith.index_cast %swap3A : i32 to index
      %swap3A_180 = arith.index_cast %scan3A_167 : i32 to index
      %swap3A_181 = arith.constant 0 : index
      %swap3A_182 = tpu.vector_load %arg9[%swap3A_179, %swap3A_180, %swap3A_181] {strides = array<i32>} : memref<2x128x128xf32, #tpu.memory_space<vmem>>, vector<16xf32>,
      tpu.vector_store %arg9[%swap3A_179, %swap3A_180, %swap3A_181], %mul3A_178 {strides = array<i32>} : memref<2x128x128xf32, #tpu.memory_space<vmem>>, vector<16xf32>,
      %get3A_183 = arith.constant 0 : i32
      %get3A_184 = arith.index_cast %get3A_183 : i32 to index
      %get3A_185 = arith.index_cast %scan3A_167 : i32 to index
      %get3A_186 = arith.constant 16 : index
      %get3A_187 = tpu.vector_load %arg9[%get3A_184, %get3A_185, %get3A_186] {strides = array<i32>} : memref<2x128x128xf32, #tpu.memory_space<vmem>>, vector<16xf32>,
      %mul3A_188 = arith.mulf %get3A_187, %gather3A : vector<16xf32>
      %swap3A_189 = arith.constant 0 : i32
      %swap3A_190 = arith.index_cast %swap3A_189 : i32 to index
      %swap3A_191 = arith.index_cast %scan3A_167 : i32 to index
      %swap3A_192 = arith.constant 16 : index
      %swap3A_193 = tpu.vector_load %arg9[%swap3A_190, %swap3A_191, %swap3A_192] {strides = array<i32>} : memref<2x128x128xf32, #tpu.memory_space<vmem>>, vector<16xf32>,
      tpu.vector_store %arg9[%swap3A_190, %swap3A_191, %swap3A_192], %mul3A_188 {strides = array<i32>} : memref<2x128x128xf32, #tpu.memory_space<vmem>>, vector<16xf32>,
      %get3A_194 = arith.constant 0 : i32
      %get3A_195 = arith.index_cast %get3A_194 : i32 to index
      %get3A_196 = arith.index_cast %scan3A_167 : i32 to index
      %get3A_197 = arith.constant 32 : index
      %get3A_198 = tpu.vector_load %arg9[%get3A_195, %get3A_196, %get3A_197] {strides = array<i32>} : memref<2x128x128xf32, #tpu.memory_space<vmem>>, vector<16xf32>,
      %mul3A_199 = arith.mulf %get3A_198, %gather3A : vector<16xf32>
      %swap3A_200 = arith.constant 0 : i32
      %swap3A_201 = arith.index_cast %swap3A_200 : i32 to index
      %swap3A_202 = arith.index_cast %scan3A_167 : i32 to index
      %swap3A_203 = arith.constant 32 : index
      %swap3A_204 = tpu.vector_load %arg9[%swap3A_201, %swap3A_202, %swap3A_203] {strides = array<i32>} : memref<2x128x128xf32, #tpu.memory_space<vmem>>, vector<16xf32>,
      tpu.vector_store %arg9[%swap3A_201, %swap3A_202, %swap3A_203], %mul3A_199 {strides = array<i32>} : memref<2x128x128xf32, #tpu.memory_space<vmem>>, vector<16xf32>,
      %get3A_205 = arith.constant 0 : i32
      %get3A_206 = arith.index_cast %get3A_205 : i32 to index
      %get3A_207 = arith.index_cast %scan3A_167 : i32 to index
      %get3A_208 = arith.constant 48 : index
      %get3A_209 = tpu.vector_load %arg9[%get3A_206, %get3A_207, %get3A_208] {strides = array<i32>} : memref<2x128x128xf32, #tpu.memory_space<vmem>>, vector<16xf32>,
      %mul3A_210 = arith.mulf %get3A_209, %gather3A : vector<16xf32>
      %swap3A_211 = arith.constant 0 : i32
      %swap3A_212 = arith.index_cast %swap3A_211 : i32 to index
      %swap3A_213 = arith.index_cast %scan3A_167 : i32 to index
      %swap3A_214 = arith.constant 48 : index
      %swap3A_215 = tpu.vector_load %arg9[%swap3A_212, %swap3A_213, %swap3A_214] {strides = array<i32>} : memref<2x128x128xf32, #tpu.memory_space<vmem>>, vector<16xf32>,
      tpu.vector_store %arg9[%swap3A_212, %swap3A_213, %swap3A_214], %mul3A_210 {strides = array<i32>} : memref<2x128x128xf32, #tpu.memory_space<vmem>>, vector<16xf32>,
      %get3A_216 = arith.constant 0 : i32
      %get3A_217 = arith.index_cast %get3A_216 : i32 to index
      %get3A_218 = arith.index_cast %scan3A_167 : i32 to index
      %get3A_219 = arith.constant 64 : index
      %get3A_220 = tpu.vector_load %arg9[%get3A_217, %get3A_218, %get3A_219] {strides = array<i32>} : memref<2x128x128xf32, #tpu.memory_space<vmem>>, vector<16xf32>,
      %mul3A_221 = arith.mulf %get3A_220, %gather3A : vector<16xf32>
      %swap3A_222 = arith.constant 0 : i32
      %swap3A_223 = arith.index_cast %swap3A_222 : i32 to index
      %swap3A_224 = arith.index_cast %scan3A_167 : i32 to index
      %swap3A_225 = arith.constant 64 : index
      %swap3A_226 = tpu.vector_load %arg9[%swap3A_223, %swap3A_224, %swap3A_225] {strides = array<i32>} : memref<2x128x128xf32, #tpu.memory_space<vmem>>, vector<16xf32>,
      tpu.vector_store %arg9[%swap3A_223, %swap3A_224, %swap3A_225], %mul3A_221 {strides = array<i32>} : memref<2x128x128xf32, #tpu.memory_space<vmem>>, vector<16xf32>,
      %get3A_227 = arith.constant 0 : i32
      %get3A_228 = arith.index_cast %get3A_227 : i32 to index
      %get3A_229 = arith.index_cast %scan3A_167 : i32 to index
      %get3A_230 = arith.constant 80 : index
      %get3A_231 = tpu.vector_load %arg9[%get3A_228, %get3A_229, %get3A_230] {strides = array<i32>} : memref<2x128x128xf32, #tpu.memory_space<vmem>>, vector<16xf32>,
      %mul3A_232 = arith.mulf %get3A_231, %gather3A : vector<16xf32>
      %swap3A_233 = arith.constant 0 : i32
      %swap3A_234 = arith.index_cast %swap3A_233 : i32 to index
      %swap3A_235 = arith.index_cast %scan3A_167 : i32 to index
      %swap3A_236 = arith.constant 80 : index
      %swap3A_237 = tpu.vector_load %arg9[%swap3A_234, %swap3A_235, %swap3A_236] {strides = array<i32>} : memref<2x128x128xf32, #tpu.memory_space<vmem>>, vector<16xf32>,
      tpu.vector_store %arg9[%swap3A_234, %swap3A_235, %swap3A_236], %mul3A_232 {strides = array<i32>} : memref<2x128x128xf32, #tpu.memory_space<vmem>>, vector<16xf32>,
      %get3A_238 = arith.constant 0 : i32
      %get3A_239 = arith.index_cast %get3A_238 : i32 to index
      %get3A_240 = arith.index_cast %scan3A_167 : i32 to index
      %get3A_241 = arith.constant 96 : index
      %get3A_242 = tpu.vector_load %arg9[%get3A_239, %get3A_240, %get3A_241] {strides = array<i32>} : memref<2x128x128xf32, #tpu.memory_space<vmem>>, vector<16xf32>,
      %mul3A_243 = arith.mulf %get3A_242, %gather3A : vector<16xf32>
      %swap3A_244 = arith.constant 0 : i32
      %swap3A_245 = arith.index_cast %swap3A_244 : i32 to index
      %swap3A_246 = arith.index_cast %scan3A_167 : i32 to index
      %swap3A_247 = arith.constant 96 : index
      %swap3A_248 = tpu.vector_load %arg9[%swap3A_245, %swap3A_246, %swap3A_247] {strides = array<i32>} : memref<2x128x128xf32, #tpu.memory_space<vmem>>, vector<16xf32>,
      tpu.vector_store %arg9[%swap3A_245, %swap3A_246, %swap3A_247], %mul3A_243 {strides = array<i32>} : memref<2x128x128xf32, #tpu.memory_space<vmem>>, vector<16xf32>,
      %get3A_249 = arith.constant 0 : i32
      %get3A_250 = arith.index_cast %get3A_249 : i32 to index
      %get3A_251 = arith.index_cast %scan3A_167 : i32 to index
      %get3A_252 = arith.constant 112 : index
      %get3A_253 = tpu.vector_load %arg9[%get3A_250, %get3A_251, %get3A_252] {strides = array<i32>} : memref<2x128x128xf32, #tpu.memory_space<vmem>>, vector<16xf32>,
      %mul3A_254 = arith.mulf %get3A_253, %gather3A : vector<16xf32>
      %swap3A_255 = arith.constant 0 : i32
      %swap3A_256 = arith.index_cast %swap3A_255 : i32 to index
      %swap3A_257 = arith.index_cast %scan3A_167 : i32 to index
      %swap3A_258 = arith.constant 112 : index
      %swap3A_259 = tpu.vector_load %arg9[%swap3A_256, %swap3A_257, %swap3A_258] {strides = array<i32>} : memref<2x128x128xf32, #tpu.memory_space<vmem>>, vector<16xf32>,
      tpu.vector_store %arg9[%swap3A_256, %swap3A_257, %swap3A_258], %mul3A_254 {strides = array<i32>} : memref<2x128x128xf32, #tpu.memory_space<vmem>>, vector<16xf32>,
    }
    %scan3A_151 = arith.constant 128 : i32
    %add3A_152 = arith.constant 256 : i32
    %add3A_153 = arith.addi %mul3A_2, %add3A_152 : i32
    %run_scoped3A_154 = arith.constant 0 : i32
    "tpu.region"() ({
      %run_scoped3A_167 = tpu.sem_alloc : memref<!tpu.dma_semaphore, #tpu.memory_space<semaphore_mem>>
      %dma_start3A = arith.constant 0 : i32
      %dma_start3A_168 = arith.constant 0 : i32
      %dma_start3A_169 = tpu.memref_slice %arg9[%run_scoped3A_154, %dma_start3A, %dma_start3A_168] : memref<2x128x128xf32, #tpu.memory_space<vmem>> -> memref<1x128x128xf32, #tpu.memory_space<vmem>>
      %dma_start3A_170 = tpu.memref_squeeze %dma_start3A_169 : memref<1x128x128xf32, #tpu.memory_space<vmem>> -> memref<128x128xf32, #tpu.memory_space<vmem>>
      %dma_start3A_171 = arith.constant 0 : i32
      %dma_start3A_172 = tpu.memref_slice %arg5[%add3A_153, %dma_start3A_171] : memref<16384x128xf32, #tpu.memory_space<hbm>> -> memref<128x128xf32, #tpu.memory_space<hbm>>
      %dma_start3A_173 = arith.constant 0 : i32
      %dma_start3A_174 = tpu.memref_slice %arg5[%add3A_153, %dma_start3A_173] : memref<16384x128xf32, #tpu.memory_space<hbm>> -> memref<128x128xf32, #tpu.memory_space<hbm>>
      %dma_start3A_175 = arith.constant 0 : i32
      %dma_start3A_176 = arith.constant 0 : i32
      %dma_start3A_177 = tpu.memref_slice %arg9[%run_scoped3A_154, %dma_start3A_175, %dma_start3A_176] : memref<2x128x128xf32, #tpu.memory_space<vmem>> -> memref<1x128x128xf32, #tpu.memory_space<vmem>>
      %dma_start3A_178 = tpu.memref_squeeze %dma_start3A_177 : memref<1x128x128xf32, #tpu.memory_space<vmem>> -> memref<128x128xf32, #tpu.memory_space<vmem>>
      tpu.enqueue_dma source(%dma_start3A_178 : memref<128x128xf32, #tpu.memory_space<vmem>>) target(%dma_start3A_174 : memref<128x128xf32, #tpu.memory_space<hbm>>) target_semaphore(%run_scoped3A_167 : memref<!tpu.dma_semaphore, #tpu.memory_space<semaphore_mem>>)
      %dma_wait3A = arith.constant 0 : i32
      %dma_wait3A_179 = arith.constant 0 : i32
      %dma_wait3A_180 = tpu.memref_slice %arg9[%run_scoped3A_154, %dma_wait3A, %dma_wait3A_179] : memref<2x128x128xf32, #tpu.memory_space<vmem>> -> memref<1x128x128xf32, #tpu.memory_space<vmem>>
      %dma_wait3A_181 = tpu.memref_squeeze %dma_wait3A_180 : memref<1x128x128xf32, #tpu.memory_space<vmem>> -> memref<128x128xf32, #tpu.memory_space<vmem>>
      %dma_wait3A_182 = arith.constant 0 : i32
      %dma_wait3A_183 = tpu.memref_slice %arg5[%add3A_153, %dma_wait3A_182] : memref<16384x128xf32, #tpu.memory_space<hbm>> -> memref<128x128xf32, #tpu.memory_space<hbm>>
      %dma_wait3A_184 = arith.constant 0 : i32
      %dma_wait3A_185 = tpu.memref_slice %arg5[%add3A_153, %dma_wait3A_184] : memref<16384x128xf32, #tpu.memory_space<hbm>> -> memref<128x128xf32, #tpu.memory_space<hbm>>
      %dma_wait3A_186 = arith.constant 0 : i32
      %dma_wait3A_187 = arith.constant 0 : i32
      %dma_wait3A_188 = tpu.memref_slice %arg9[%run_scoped3A_154, %dma_wait3A_186, %dma_wait3A_187] : memref<2x128x128xf32, #tpu.memory_space<vmem>> -> memref<1x128x128xf32, #tpu.memory_space<vmem>>
      %dma_wait3A_189 = tpu.memref_squeeze %dma_wait3A_188 : memref<1x128x128xf32, #tpu.memory_space<vmem>> -> memref<128x128xf32, #tpu.memory_space<vmem>>
      tpu.wait_dma2 semaphore(%run_scoped3A_167 : memref<!tpu.dma_semaphore, #tpu.memory_space<semaphore_mem>>) src(%dma_wait3A_189 : memref<128x128xf32, #tpu.memory_space<vmem>>) dst(%dma_wait3A_185 : memref<128x128xf32, #tpu.memory_space<hbm>>)
      tpu.yield
    }) : () -> ()
    %add3A_155 = arith.constant 384 : i32
    %add3A_156 = arith.addi %mul3A_4, %add3A_155 : i32
    %run_scoped3A_157 = arith.constant 0 : i32
    "tpu.region"() ({
      %run_scoped3A_167 = tpu.sem_alloc : memref<!tpu.dma_semaphore, #tpu.memory_space<semaphore_mem>>
      %dma_start3A = arith.constant 0 : i32
      %dma_start3A_168 = arith.constant 0 : i32
      %dma_start3A_169 = tpu.memref_slice %arg9[%run_scoped3A_157, %dma_start3A, %dma_start3A_168] : memref<2x128x128xf32, #tpu.memory_space<vmem>> -> memref<1x128x128xf32, #tpu.memory_space<vmem>>
      %dma_start3A_170 = tpu.memref_squeeze %dma_start3A_169 : memref<1x128x128xf32, #tpu.memory_space<vmem>> -> memref<128x128xf32, #tpu.memory_space<vmem>>
      %dma_start3A_171 = arith.constant 0 : i32
      %dma_start3A_172 = tpu.memref_slice %arg11[%add3A_156, %dma_start3A_171] : memref<8320x128xf32, #tpu.memory_space<vmem_shared>> -> memref<128x128xf32, #tpu.memory_space<vmem_shared>>
      %dma_start3A_173 = arith.constant 0 : i32
      %dma_start3A_174 = arith.constant 0 : i32
      %dma_start3A_175 = tpu.memref_slice %arg9[%run_scoped3A_157, %dma_start3A_173, %dma_start3A_174] : memref<2x128x128xf32, #tpu.memory_space<vmem>> -> memref<1x128x128xf32, #tpu.memory_space<vmem>>
      %dma_start3A_176 = tpu.memref_squeeze %dma_start3A_175 : memref<1x128x128xf32, #tpu.memory_space<vmem>> -> memref<128x128xf32, #tpu.memory_space<vmem>>
      %dma_start3A_177 = arith.constant 0 : i32
      %dma_start3A_178 = tpu.memref_slice %arg11[%add3A_156, %dma_start3A_177] : memref<8320x128xf32, #tpu.memory_space<vmem_shared>> -> memref<128x128xf32, #tpu.memory_space<vmem_shared>>
      tpu.enqueue_dma source(%dma_start3A_178 : memref<128x128xf32, #tpu.memory_space<vmem_shared>>) target(%dma_start3A_176 : memref<128x128xf32, #tpu.memory_space<vmem>>) target_semaphore(%run_scoped3A_167 : memref<!tpu.dma_semaphore, #tpu.memory_space<semaphore_mem>>)
      %dma_wait3A = arith.constant 0 : i32
      %dma_wait3A_179 = arith.constant 0 : i32
      %dma_wait3A_180 = tpu.memref_slice %arg9[%run_scoped3A_157, %dma_wait3A, %dma_wait3A_179] : memref<2x128x128xf32, #tpu.memory_space<vmem>> -> memref<1x128x128xf32, #tpu.memory_space<vmem>>
      %dma_wait3A_181 = tpu.memref_squeeze %dma_wait3A_180 : memref<1x128x128xf32, #tpu.memory_space<vmem>> -> memref<128x128xf32, #tpu.memory_space<vmem>>
      %dma_wait3A_182 = arith.constant 0 : i32
      %dma_wait3A_183 = tpu.memref_slice %arg11[%add3A_156, %dma_wait3A_182] : memref<8320x128xf32, #tpu.memory_space<vmem_shared>> -> memref<128x128xf32, #tpu.memory_space<vmem_shared>>
      %dma_wait3A_184 = arith.constant 0 : i32
      %dma_wait3A_185 = arith.constant 0 : i32
      %dma_wait3A_186 = tpu.memref_slice %arg9[%run_scoped3A_157, %dma_wait3A_184, %dma_wait3A_185] : memref<2x128x128xf32, #tpu.memory_space<vmem>> -> memref<1x128x128xf32, #tpu.memory_space<vmem>>
      %dma_wait3A_187 = tpu.memref_squeeze %dma_wait3A_186 : memref<1x128x128xf32, #tpu.memory_space<vmem>> -> memref<128x128xf32, #tpu.memory_space<vmem>>
      %dma_wait3A_188 = arith.constant 0 : i32
      %dma_wait3A_189 = tpu.memref_slice %arg11[%add3A_156, %dma_wait3A_188] : memref<8320x128xf32, #tpu.memory_space<vmem_shared>> -> memref<128x128xf32, #tpu.memory_space<vmem_shared>>
      tpu.wait_dma2 semaphore(%run_scoped3A_167 : memref<!tpu.dma_semaphore, #tpu.memory_space<semaphore_mem>>) src(%dma_wait3A_189 : memref<128x128xf32, #tpu.memory_space<vmem_shared>>) dst(%dma_wait3A_187 : memref<128x128xf32, #tpu.memory_space<vmem>>)
      tpu.yield
    }) : () -> ()
    %scan3A_158 = arith.constant 0 : i32
    %scan3A_159 = arith.constant 0 : i32
    %scan3A_160 = arith.constant 128 : i32
    %scan3A_161 = arith.addi %scan3A_159, %scan3A_160 : i32
    %scan3A_162 = arith.constant 1 : i32
    scf.for %scan3A_167 = %scan3A_159 to %scan3A_161 step %scan3A_162  : i32 {
      %broadcast_in_dim3A = arith.constant 0 : i32
      %broadcast_in_dim3A_168 = vector.broadcast %broadcast_in_dim3A : i32 to vector<16xi32>
      %add3A_169 = arith.constant 384 : i32
      %add3A_170 = arith.addi %scan3A_167, %add3A_169 : i32
      %add3A_171 = vector.broadcast %add3A_170 : i32 to vector<16xi32>
      %add3A_172 = arith.addi %broadcast_in_dim3A_168, %add3A_171 : vector<16xi32>
      %gather3A = tpu.vector_load_idx %arg10[%add3A_172] : memref<512xf32, #tpu.memory_space<vmem>>[vector<16xi32>], vector<16xf32>,
      %get3A_173 = arith.constant 0 : i32
      %get3A_174 = arith.index_cast %get3A_173 : i32 to index
      %get3A_175 = arith.index_cast %scan3A_167 : i32 to index
      %get3A_176 = arith.constant 0 : index
      %get3A_177 = tpu.vector_load %arg9[%get3A_174, %get3A_175, %get3A_176] {strides = array<i32>} : memref<2x128x128xf32, #tpu.memory_space<vmem>>, vector<16xf32>,
      %mul3A_178 = arith.mulf %get3A_177, %gather3A : vector<16xf32>
      %swap3A = arith.constant 0 : i32
      %swap3A_179 = arith.index_cast %swap3A : i32 to index
      %swap3A_180 = arith.index_cast %scan3A_167 : i32 to index
      %swap3A_181 = arith.constant 0 : index
      %swap3A_182 = tpu.vector_load %arg9[%swap3A_179, %swap3A_180, %swap3A_181] {strides = array<i32>} : memref<2x128x128xf32, #tpu.memory_space<vmem>>, vector<16xf32>,
      tpu.vector_store %arg9[%swap3A_179, %swap3A_180, %swap3A_181], %mul3A_178 {strides = array<i32>} : memref<2x128x128xf32, #tpu.memory_space<vmem>>, vector<16xf32>,
      %get3A_183 = arith.constant 0 : i32
      %get3A_184 = arith.index_cast %get3A_183 : i32 to index
      %get3A_185 = arith.index_cast %scan3A_167 : i32 to index
      %get3A_186 = arith.constant 16 : index
      %get3A_187 = tpu.vector_load %arg9[%get3A_184, %get3A_185, %get3A_186] {strides = array<i32>} : memref<2x128x128xf32, #tpu.memory_space<vmem>>, vector<16xf32>,
      %mul3A_188 = arith.mulf %get3A_187, %gather3A : vector<16xf32>
      %swap3A_189 = arith.constant 0 : i32
      %swap3A_190 = arith.index_cast %swap3A_189 : i32 to index
      %swap3A_191 = arith.index_cast %scan3A_167 : i32 to index
      %swap3A_192 = arith.constant 16 : index
      %swap3A_193 = tpu.vector_load %arg9[%swap3A_190, %swap3A_191, %swap3A_192] {strides = array<i32>} : memref<2x128x128xf32, #tpu.memory_space<vmem>>, vector<16xf32>,
      tpu.vector_store %arg9[%swap3A_190, %swap3A_191, %swap3A_192], %mul3A_188 {strides = array<i32>} : memref<2x128x128xf32, #tpu.memory_space<vmem>>, vector<16xf32>,
      %get3A_194 = arith.constant 0 : i32
      %get3A_195 = arith.index_cast %get3A_194 : i32 to index
      %get3A_196 = arith.index_cast %scan3A_167 : i32 to index
      %get3A_197 = arith.constant 32 : index
      %get3A_198 = tpu.vector_load %arg9[%get3A_195, %get3A_196, %get3A_197] {strides = array<i32>} : memref<2x128x128xf32, #tpu.memory_space<vmem>>, vector<16xf32>,
      %mul3A_199 = arith.mulf %get3A_198, %gather3A : vector<16xf32>
      %swap3A_200 = arith.constant 0 : i32
      %swap3A_201 = arith.index_cast %swap3A_200 : i32 to index
      %swap3A_202 = arith.index_cast %scan3A_167 : i32 to index
      %swap3A_203 = arith.constant 32 : index
      %swap3A_204 = tpu.vector_load %arg9[%swap3A_201, %swap3A_202, %swap3A_203] {strides = array<i32>} : memref<2x128x128xf32, #tpu.memory_space<vmem>>, vector<16xf32>,
      tpu.vector_store %arg9[%swap3A_201, %swap3A_202, %swap3A_203], %mul3A_199 {strides = array<i32>} : memref<2x128x128xf32, #tpu.memory_space<vmem>>, vector<16xf32>,
      %get3A_205 = arith.constant 0 : i32
      %get3A_206 = arith.index_cast %get3A_205 : i32 to index
      %get3A_207 = arith.index_cast %scan3A_167 : i32 to index
      %get3A_208 = arith.constant 48 : index
      %get3A_209 = tpu.vector_load %arg9[%get3A_206, %get3A_207, %get3A_208] {strides = array<i32>} : memref<2x128x128xf32, #tpu.memory_space<vmem>>, vector<16xf32>,
      %mul3A_210 = arith.mulf %get3A_209, %gather3A : vector<16xf32>
      %swap3A_211 = arith.constant 0 : i32
      %swap3A_212 = arith.index_cast %swap3A_211 : i32 to index
      %swap3A_213 = arith.index_cast %scan3A_167 : i32 to index
      %swap3A_214 = arith.constant 48 : index
      %swap3A_215 = tpu.vector_load %arg9[%swap3A_212, %swap3A_213, %swap3A_214] {strides = array<i32>} : memref<2x128x128xf32, #tpu.memory_space<vmem>>, vector<16xf32>,
      tpu.vector_store %arg9[%swap3A_212, %swap3A_213, %swap3A_214], %mul3A_210 {strides = array<i32>} : memref<2x128x128xf32, #tpu.memory_space<vmem>>, vector<16xf32>,
      %get3A_216 = arith.constant 0 : i32
      %get3A_217 = arith.index_cast %get3A_216 : i32 to index
      %get3A_218 = arith.index_cast %scan3A_167 : i32 to index
      %get3A_219 = arith.constant 64 : index
      %get3A_220 = tpu.vector_load %arg9[%get3A_217, %get3A_218, %get3A_219] {strides = array<i32>} : memref<2x128x128xf32, #tpu.memory_space<vmem>>, vector<16xf32>,
      %mul3A_221 = arith.mulf %get3A_220, %gather3A : vector<16xf32>
      %swap3A_222 = arith.constant 0 : i32
      %swap3A_223 = arith.index_cast %swap3A_222 : i32 to index
      %swap3A_224 = arith.index_cast %scan3A_167 : i32 to index
      %swap3A_225 = arith.constant 64 : index
      %swap3A_226 = tpu.vector_load %arg9[%swap3A_223, %swap3A_224, %swap3A_225] {strides = array<i32>} : memref<2x128x128xf32, #tpu.memory_space<vmem>>, vector<16xf32>,
      tpu.vector_store %arg9[%swap3A_223, %swap3A_224, %swap3A_225], %mul3A_221 {strides = array<i32>} : memref<2x128x128xf32, #tpu.memory_space<vmem>>, vector<16xf32>,
      %get3A_227 = arith.constant 0 : i32
      %get3A_228 = arith.index_cast %get3A_227 : i32 to index
      %get3A_229 = arith.index_cast %scan3A_167 : i32 to index
      %get3A_230 = arith.constant 80 : index
      %get3A_231 = tpu.vector_load %arg9[%get3A_228, %get3A_229, %get3A_230] {strides = array<i32>} : memref<2x128x128xf32, #tpu.memory_space<vmem>>, vector<16xf32>,
      %mul3A_232 = arith.mulf %get3A_231, %gather3A : vector<16xf32>
      %swap3A_233 = arith.constant 0 : i32
      %swap3A_234 = arith.index_cast %swap3A_233 : i32 to index
      %swap3A_235 = arith.index_cast %scan3A_167 : i32 to index
      %swap3A_236 = arith.constant 80 : index
      %swap3A_237 = tpu.vector_load %arg9[%swap3A_234, %swap3A_235, %swap3A_236] {strides = array<i32>} : memref<2x128x128xf32, #tpu.memory_space<vmem>>, vector<16xf32>,
      tpu.vector_store %arg9[%swap3A_234, %swap3A_235, %swap3A_236], %mul3A_232 {strides = array<i32>} : memref<2x128x128xf32, #tpu.memory_space<vmem>>, vector<16xf32>,
      %get3A_238 = arith.constant 0 : i32
      %get3A_239 = arith.index_cast %get3A_238 : i32 to index
      %get3A_240 = arith.index_cast %scan3A_167 : i32 to index
      %get3A_241 = arith.constant 96 : index
      %get3A_242 = tpu.vector_load %arg9[%get3A_239, %get3A_240, %get3A_241] {strides = array<i32>} : memref<2x128x128xf32, #tpu.memory_space<vmem>>, vector<16xf32>,
      %mul3A_243 = arith.mulf %get3A_242, %gather3A : vector<16xf32>
      %swap3A_244 = arith.constant 0 : i32
      %swap3A_245 = arith.index_cast %swap3A_244 : i32 to index
      %swap3A_246 = arith.index_cast %scan3A_167 : i32 to index
      %swap3A_247 = arith.constant 96 : index
      %swap3A_248 = tpu.vector_load %arg9[%swap3A_245, %swap3A_246, %swap3A_247] {strides = array<i32>} : memref<2x128x128xf32, #tpu.memory_space<vmem>>, vector<16xf32>,
      tpu.vector_store %arg9[%swap3A_245, %swap3A_246, %swap3A_247], %mul3A_243 {strides = array<i32>} : memref<2x128x128xf32, #tpu.memory_space<vmem>>, vector<16xf32>,
      %get3A_249 = arith.constant 0 : i32
      %get3A_250 = arith.index_cast %get3A_249 : i32 to index
      %get3A_251 = arith.index_cast %scan3A_167 : i32 to index
      %get3A_252 = arith.constant 112 : index
      %get3A_253 = tpu.vector_load %arg9[%get3A_250, %get3A_251, %get3A_252] {strides = array<i32>} : memref<2x128x128xf32, #tpu.memory_space<vmem>>, vector<16xf32>,
      %mul3A_254 = arith.mulf %get3A_253, %gather3A : vector<16xf32>
      %swap3A_255 = arith.constant 0 : i32
      %swap3A_256 = arith.index_cast %swap3A_255 : i32 to index
      %swap3A_257 = arith.index_cast %scan3A_167 : i32 to index
      %swap3A_258 = arith.constant 112 : index
      %swap3A_259 = tpu.vector_load %arg9[%swap3A_256, %swap3A_257, %swap3A_258] {strides = array<i32>} : memref<2x128x128xf32, #tpu.memory_space<vmem>>, vector<16xf32>,
      tpu.vector_store %arg9[%swap3A_256, %swap3A_257, %swap3A_258], %mul3A_254 {strides = array<i32>} : memref<2x128x128xf32, #tpu.memory_space<vmem>>, vector<16xf32>,
    }
    %scan3A_163 = arith.constant 128 : i32
    %add3A_164 = arith.constant 384 : i32
    %add3A_165 = arith.addi %mul3A_2, %add3A_164 : i32
    %run_scoped3A_166 = arith.constant 0 : i32
    "tpu.region"() ({
      %run_scoped3A_167 = tpu.sem_alloc : memref<!tpu.dma_semaphore, #tpu.memory_space<semaphore_mem>>
      %dma_start3A = arith.constant 0 : i32
      %dma_start3A_168 = arith.constant 0 : i32
      %dma_start3A_169 = tpu.memref_slice %arg9[%run_scoped3A_166, %dma_start3A, %dma_start3A_168] : memref<2x128x128xf32, #tpu.memory_space<vmem>> -> memref<1x128x128xf32, #tpu.memory_space<vmem>>
      %dma_start3A_170 = tpu.memref_squeeze %dma_start3A_169 : memref<1x128x128xf32, #tpu.memory_space<vmem>> -> memref<128x128xf32, #tpu.memory_space<vmem>>
      %dma_start3A_171 = arith.constant 0 : i32
      %dma_start3A_172 = tpu.memref_slice %arg5[%add3A_165, %dma_start3A_171] : memref<16384x128xf32, #tpu.memory_space<hbm>> -> memref<128x128xf32, #tpu.memory_space<hbm>>
      %dma_start3A_173 = arith.constant 0 : i32
      %dma_start3A_174 = tpu.memref_slice %arg5[%add3A_165, %dma_start3A_173] : memref<16384x128xf32, #tpu.memory_space<hbm>> -> memref<128x128xf32, #tpu.memory_space<hbm>>
      %dma_start3A_175 = arith.constant 0 : i32
      %dma_start3A_176 = arith.constant 0 : i32
      %dma_start3A_177 = tpu.memref_slice %arg9[%run_scoped3A_166, %dma_start3A_175, %dma_start3A_176] : memref<2x128x128xf32, #tpu.memory_space<vmem>> -> memref<1x128x128xf32, #tpu.memory_space<vmem>>
      %dma_start3A_178 = tpu.memref_squeeze %dma_start3A_177 : memref<1x128x128xf32, #tpu.memory_space<vmem>> -> memref<128x128xf32, #tpu.memory_space<vmem>>
      tpu.enqueue_dma source(%dma_start3A_178 : memref<128x128xf32, #tpu.memory_space<vmem>>) target(%dma_start3A_174 : memref<128x128xf32, #tpu.memory_space<hbm>>) target_semaphore(%run_scoped3A_167 : memref<!tpu.dma_semaphore, #tpu.memory_space<semaphore_mem>>)
      %dma_wait3A = arith.constant 0 : i32
      %dma_wait3A_179 = arith.constant 0 : i32
      %dma_wait3A_180 = tpu.memref_slice %arg9[%run_scoped3A_166, %dma_wait3A, %dma_wait3A_179] : memref<2x128x128xf32, #tpu.memory_space<vmem>> -> memref<1x128x128xf32, #tpu.memory_space<vmem>>
      %dma_wait3A_181 = tpu.memref_squeeze %dma_wait3A_180 : memref<1x128x128xf32, #tpu.memory_space<vmem>> -> memref<128x128xf32, #tpu.memory_space<vmem>>
      %dma_wait3A_182 = arith.constant 0 : i32
      %dma_wait3A_183 = tpu.memref_slice %arg5[%add3A_165, %dma_wait3A_182] : memref<16384x128xf32, #tpu.memory_space<hbm>> -> memref<128x128xf32, #tpu.memory_space<hbm>>
      %dma_wait3A_184 = arith.constant 0 : i32
      %dma_wait3A_185 = tpu.memref_slice %arg5[%add3A_165, %dma_wait3A_184] : memref<16384x128xf32, #tpu.memory_space<hbm>> -> memref<128x128xf32, #tpu.memory_space<hbm>>
      %dma_wait3A_186 = arith.constant 0 : i32
      %dma_wait3A_187 = arith.constant 0 : i32
      %dma_wait3A_188 = tpu.memref_slice %arg9[%run_scoped3A_166, %dma_wait3A_186, %dma_wait3A_187] : memref<2x128x128xf32, #tpu.memory_space<vmem>> -> memref<1x128x128xf32, #tpu.memory_space<vmem>>
      %dma_wait3A_189 = tpu.memref_squeeze %dma_wait3A_188 : memref<1x128x128xf32, #tpu.memory_space<vmem>> -> memref<128x128xf32, #tpu.memory_space<vmem>>
      tpu.wait_dma2 semaphore(%run_scoped3A_167 : memref<!tpu.dma_semaphore, #tpu.memory_space<semaphore_mem>>) src(%dma_wait3A_189 : memref<128x128xf32, #tpu.memory_space<vmem>>) dst(%dma_wait3A_185 : memref<128x128xf32, #tpu.memory_space<hbm>>)
      tpu.yield
    }) : () -> ()
    return
  }
}

</mosaic_0001>

<sc_bundles>
// kernel: kernel.3.cloned.1.call-start
scs
__scs_entry_jumppad:
0x0: {  	(pc) =	sbr.rel $0x88, $3  }
0x1: {  	(tag) =	ssettag $0x0;
	lr =	simm.s32 $0x1  }
0x2: {  	[smem:$0x3F9E] =	sst lr;
	_ =	strace $0xD0000000  }
0x3: {  	_ = 	snop  }
0x4: {  	_ = 	snop  }
0x5: {  	_ = 	snop  }
0x6: {  	_ = 	snop  }
0x7: {  	_ = 	snop  }
__scs_overlays_trampoline_lowered:
0x8: {  	[smem:$0x3FAD] =	sst s0  }
0x9: {  	[smem:$0x3FAE] =	sst s1  }
0xa: {  	[smem:$0x3FAF] =	sst s2  }
0xb: {  	[smem:$0x3FB0] =	sst s3  }
0xc: {  	[smem:$0x3FB1] =	sst s4  }
0xd: {  	[smem:$0x3FB2] =	sst s5  }
0xe: {  	[smem:$0x3FB3] =	sst s6  }
0xf: {  	[smem:$0x3FB4] =	sst s7  }
0x10: {  	[smem:$0x3FB5] =	sst s8  }
0x11: {  	[smem:$0x3FB6] =	sst s9;
	s0 =	simm.s32 @!p0 $0x0  }
0x12: {  	s1 =	sld [smem:$0x3F9C];
	s0 =	simm.s32 @p0 $0x1  }
0x13: {  	[smem:$0x3FB7] =	sst s0;
	s0 =	simm.s32 @!p1 $0x0  }
0x14: {  	s2 =	sld [smem:$0x3F9B];
	s0 =	simm.s32 @p1 $0x1  }
0x15: {  	[smem:$0x3FB8] =	sst s0;
	s0 =	simm.s32 @!p2 $0x0  }
0x16: {  	s3 =	sld [smem:$0x3FDB];
	s0 =	simm.s32 @p2 $0x1  }
0x17: {  	s4 =	simm.s32 $0x1BF5;
	[smem:$0x3FBA] =	sst s0  }
0x18: {  	s0 =	sld [smem:$0x3F9D];
	_ =	swait.ge [sflag:s4], $0x0  }
0x19: {  	s7 =	sld [smem:$0x3F9E]  }
0x1a: {  	s8 =	sadd.s32 $0xFFFFE003, lr  }
0x1b: {  	s9 =	sadd.s32 $0xFFFFFEF7, lr;
	s5 =	simm.s32 $0xFFFFFFFF;
	p2 =	slt.u32 s8, $0xFFFFF086  }
0x1c: {  	p1 =	slt.u32 s9, $0xF7A;
	s5 =	simm.s32 @!p2 $0x0  }
0x1d: {  	s5 =	simm.s32 @p1 $0x1;
	p0 =	seq.s32 s7, s2  }
0x1e: {  	s7 =	smul.u32 @!p0 $0xF7A, s2;
	p2 =	seq.s32 @!p0 s5, $0x0  }
0x1f: {  	s9 =	smul.u32 $0xF7A, s1;
	s8 =	simm.s32 @!p0 $0x1BF5;
	p2 =	por !p2, p0  }
0x20: {  	[sflag:s8] =	ssyncset.s32 @!p0 $0xFFFFF086;
	s6 =	sadd.s32 @!p0 s3, s7;
	s7 =	simm.s32 @!p0 $0x108  }
0x21: {  	s3 =	sadd.s32 s3, s9;
	s6 =	sadd.s32 @!p0 $0x88, s6;
	s7 =	simm.s32 @p2 $0x1082  }
0x22: {  	[simem:s7], [sflag:s8] =	dma.local @!p0 [hbm:s6], $0xF7A  }
0x23: {  	s9 =	sor.u32 $0xD0000000, s2;
	s6 =	simm.s32 $0x108;
	_ =	swait.ge @!p0 [sflag:s8], $0x0  }
0x24: {  	s3 =	sadd.s32 $0x88, s3;
	s6 =	simm.s32 @!p1 $0x1082;
	[sflag:s4] =	ssyncset.s32 $0xFFFFF086  }
0x25: {  	[simem:s6], [sflag:s4] =	dma.local [hbm:s3], $0xF7A  }
0x26: {  	[smem:$0x3F9E] =	sst s1;
	(tag) =	ssettag s2;
	_ =	strace s9  }
0x27: {  	s1 =	sld [smem:$0x3FAE]  }
0x28: {  	s2 =	sld [smem:$0x3FAF]  }
0x29: {  	s4 =	sld [smem:$0x3FB1]  }
0x2a: {  	p0 =	seq.s32 s5, $0x0;
	s5 =	sld [smem:$0x3FB2]  }
0x2b: {  	s6 =	sld [smem:$0x3FB3]  }
0x2c: {  	s7 =	sld [smem:$0x3FB4]  }
0x2d: {  	s3 =	simm.s32 $0x108;
	s8 =	sld [smem:$0x3FB5]  }
0x2e: {  	s3 =	simm.s32 @!p0 $0x1082;
	s9 =	sld [smem:$0x3FB6]  }
0x2f: {  	lr =	sadd.s32 s0, s3;
	s0 =	sld [smem:$0x3FAD]  }
0x30: {  	s3 =	sld [smem:$0x3FB0]  }
0x31: {  	[smem:$0x3FB9] =	sst s10  }
0x32: {  	s10 =	sld [smem:$0x3FB7];
	_ =	sdelay $0x3  }
0x33: {  	p0 =	seq.s32 s10, $0x1;
	s10 =	sld [smem:$0x3FB9];
	_ =	sdelay $0x3  }
0x34: {  	[smem:$0x3FB9] =	sst s10  }
0x35: {  	s10 =	sld [smem:$0x3FB8];
	_ =	sdelay $0x3  }
0x36: {  	p1 =	seq.s32 s10, $0x1;
	s10 =	sld [smem:$0x3FB9];
	_ =	sdelay $0x3  }
0x37: {  	[smem:$0x3FB9] =	sst s10  }
0x38: {  	s10 =	sld [smem:$0x3FBA]  }
0x39: {  	_ = 	snop;
	(pc) =	sbr.ind lr, $3  }
0x3a: {  	_ = 	snop  }
0x3b: {  	_ = 	snop  }
0x3c: {  	p2 =	seq.s32 s10, $0x1;
	s10 =	sld [smem:$0x3FB9]  }
0x3d: {  	_ =	shalt  }
0x3e: {  	_ =	shalt  }
0x3f: {  	_ =	shalt  }
0x40: {  	_ =	shalt  }
0x41: {  	_ =	shalt  }
0x42: {  	_ =	shalt  }
0x43: {  	_ =	shalt  }
0x44: {  	_ =	shalt  }
0x45: {  	_ =	shalt  }
0x46: {  	_ =	shalt  }
0x47: {  	_ =	shalt  }
0x48: {  	_ =	shalt  }
0x49: {  	_ =	shalt  }
0x4a: {  	_ =	shalt  }
0x4b: {  	_ =	shalt  }
0x4c: {  	_ =	shalt  }
0x4d: {  	_ =	shalt  }
0x4e: {  	_ =	shalt  }
0x4f: {  	_ =	shalt  }
0x50: {  	_ =	shalt  }
0x51: {  	_ =	shalt  }
0x52: {  	_ =	shalt  }
0x53: {  	_ =	shalt  }
0x54: {  	_ =	shalt  }
0x55: {  	_ =	shalt  }
0x56: {  	_ =	shalt  }
0x57: {  	_ =	shalt  }
0x58: {  	_ =	shalt  }
0x59: {  	_ =	shalt  }
0x5a: {  	_ =	shalt  }
0x5b: {  	_ =	shalt  }
0x5c: {  	_ =	shalt  }
0x5d: {  	_ =	shalt  }
0x5e: {  	_ =	shalt  }
0x5f: {  	_ =	shalt  }
0x60: {  	_ =	shalt  }
0x61: {  	_ =	shalt  }
0x62: {  	_ =	shalt  }
0x63: {  	_ =	shalt  }
0x64: {  	_ =	shalt  }
0x65: {  	_ =	shalt  }
0x66: {  	_ =	shalt  }
0x67: {  	_ =	shalt  }
0x68: {  	_ =	shalt  }
0x69: {  	_ =	shalt  }
0x6a: {  	_ =	shalt  }
0x6b: {  	_ =	shalt  }
0x6c: {  	_ =	shalt  }
0x6d: {  	_ =	shalt  }
0x6e: {  	_ =	shalt  }
0x6f: {  	_ =	shalt  }
0x70: {  	_ =	shalt  }
0x71: {  	_ =	shalt  }
0x72: {  	_ =	shalt  }
0x73: {  	_ =	shalt  }
0x74: {  	_ =	shalt  }
0x75: {  	_ =	shalt  }
0x76: {  	_ =	shalt  }
0x77: {  	_ =	shalt  }
0x78: {  	_ =	shalt  }
0x79: {  	_ =	shalt  }
0x7a: {  	_ =	shalt  }
0x7b: {  	_ =	shalt  }
0x7c: {  	_ =	shalt  }
0x7d: {  	_ =	shalt  }
0x7e: {  	_ =	shalt  }
0x7f: {  	_ =	shalt  }
0x80: {  	_ =	shalt  }
0x81: {  	_ =	shalt  }
0x82: {  	_ =	shalt  }
0x83: {  	_ =	shalt  }
0x84: {  	_ =	shalt  }
0x85: {  	_ =	shalt  }
0x86: {  	_ =	shalt  }
0x87: {  	_ =	shalt  }
.Lfunc_end0:
.L_simem_size_0:
called_computation_lowered:
.L_overlay_start_0:
0x88: {  	s2 =	sld [smem:$0x3FD9]  }
0x89: {  	s3 =	sld [smem:$0x3FFE];
	_ =	sdelay $0x1  }
0x8a: {  	s1 =	srdreg.scid  }
0x8b: {  	s0 =	sand.u32 $0x1, s1  }
0x8c: {  	s17 =	sshll.u32 s0, $0xA;
	s2 =	sadd.s32 s3, s2  }
0x8d: {  	s2 =	sadd.s32 s2, s17  }
0x8e: {  	[smem:$0x3FC5] =	sst s2  }
0x8f: {  	_ = 	snop  }
0x90: {  	s2 =	sld [smem:$0x3FC7]  }
0x91: {  	s18 =	sld [smem:$0x3FD0];
	(tm) =	ssettm $0x1  }
0x92: {  	s4 =	sld [smem:$0x3FFB];
	_ =	sdelay $0x3  }
0x93: {  	_ =	strace s4  }
0x94: {  	s4 =	sld [smem:$0x3FFC];
	_ =	sdelay $0x3  }
0x95: {  	_ =	strace s4  }
0x96: {  	s4 =	sld [smem:$0x3FFD];
	_ =	sdelay $0x3  }
0x97: {  	_ =	strace s4  }
0x98: {  	_ =	strace $0x8FFFFFFF  }
0x99: {  	s19 =	sld [smem:$0x3FDB];
	_ =	sdelay $0x1  }
0x9a: {  	s5 =	simm.s32 $_scs_section_size  }
0x9b: {  	s6 =	simm.s32 $_size__tile_overlayer_lowered;
	s7 =	simm.s32 $_tile_overlayer_lowered  }
0x9c: {  	s22 =	simm.s32 $0x1BFF;
	s21 =	sshll.u32 s7, $0x1;
	s4 =	sadd.s32 s5, s19  }
0x9d: {  	s8 =	simm.s32 $0x0;
	s20 =	sshll.u32 s6, $0x1;
	s6 =	sadd.s32 s21, s4  }
0x9e: {  	[timem:s8], [sflag:s22] =	dma.local [hbm:s6], s20  }
0x9f: {  	_ =	swait.ge [sflag:s22], s20  }
0xa0: {  	s5 =	ssub.s32 $0x0, s20;
	[sflag:s22] =	ssyncset.done $0x0  }
0xa1: {  	[sflag:s22] =	ssyncadd.s32 s5;
	_ =	sdelay $0x1  }
0xa2: {  	s23 =	simm.s32 $0x1B8B  }
0xa3: {  	_ =	swait.ge [sflag:s23], $0x1  }
0xa4: {  	[sflag:s23] =	ssyncset.done $0x0  }
0xa5: {  	s25 =	simm.s32 $0x1B8E;
	s24 =	sld [smem:$0x3FFE];
	[sflag:s23] =	ssyncadd.s32 $0xFFFFFFFF  }
0xa6: {  	s26 =	simm.s32 $execute0_lowered;
	[smem:$0x3FD2] =	sst s25  }
0xa7: {  	s6 =	sshll.u32 s26, $0x1;
	_ =	strace $0x80000046;
	[dreg:$0x1] =	wrdreg $0xFFFFFFFF  }
0xa8: {  	s28 =	simm.s32 $_size_execute0_lowered;
	s4 =	sadd.s32 s4, s6;
	[dreg:$0x0] =	wrdreg $0x0  }
0xa9: {  	s6 =	sshll.u32 s28, $0x1;
	[dreg:$0x2] =	wrdreg s4  }
0xaa: {  	[dreg:$0x3] =	wrdreg s6  }
0xab: {  	[dreg:$0x4] =	wrdreg $0xC0  }
0xac: {  	_ =	task [dreg:s8], $0x5FFFF  }
0xad: {  	[dreg:$0x1] =	wrdreg $0xFFFFFFFF  }
0xae: {  	[dreg:$0x0] =	wrdreg $0x60  }
0xaf: {  	[dreg:$0x2] =	wrdreg s24  }
0xb0: {  	[dreg:$0x3] =	wrdreg s2  }
0xb1: {  	[dreg:$0x4] =	wrdreg s18  }
0xb2: {  	[dreg:$0x5] =	wrdreg $0x86800  }
0xb3: {  	[dreg:$0x6] =	wrdreg $0x9  }
0xb4: {  	_ =	task.clear_ibuf [dreg:s8], $0x7FFFF;
	_ =	strace $0x90000046  }
0xb5: {  	s29 =	simm.s32 $0x9;
	_ =	strace $0x80000048  }
0xb6: {  	_ =	swait.ge [sflag:s29], $0x1  }
0xb7: {  	[sflag:s29] =	ssyncadd.s32 $0xFFFFFFFF  }
0xb8: {  	_ =	strace $0x90000048  }
0xb9: {  	_ =	sfence  }
0xba: {  	s30 =	sld [smem:$0x0];
	_ =	sdelay $0x2  }
0xbb: {  	s31 =	sshll.u32 s1, $0xD;
	s1 =	sshrl.u32 s1, $0x2  }
0xbc: {  	s3 =	sand.u32 $0x4000, s31;
	s1 =	sadd.s32 s1, s30  }
0xbd: {  	s0 =	sor.u32 s3, s0;
	s1 =	sshll.u32 s1, $0x11  }
0xbe: {  	s0 =	sor.u32 s1, s0  }
0xbf: {  	s0 =	sadd.s32 $0x8F2B, s0  }
0xc0: {  	[sflag:s0] =	ssyncadd.remote.s32 $0x1  }
0xc1: {  	_ =	sfence.sel $0xFFFF  }
0xc2: {  	[dreg:$0x0] =	wrdreg $0xFFFFFFFF;
	(pc) =	sbr.abs _section_cstart, $3  }
0xc3: {  	[dreg:$0x1] =	wrdreg $0xFFFFFFFF  }
0xc4: {  	_ =	task.clear_ibuf [dreg:s8], $0x2FFFF;
	_ =	strace $0x9FFFFFFF  }
0xc5: {  	(tm) =	ssettm $0x7FFFFFFF  }
tec
execute0_lowered:
.L_overlay_start_1:
0x0: {  	(tag) =	ssettag $0x1  }
0x1: {  	s5 =	rddreg [dreg:$0x0]  }
0x2: {  	s1 =	rddreg [dreg:$0x1]  }
0x3: {  	s10 =	rddreg [dreg:$0x2]  }
0x4: {  	s6 =	rddreg [dreg:$0x3]  }
0x5: {  	s0 =	rddreg [dreg:$0x4];
	s4 =	srdreg.scid  }
0x6: {  	s3 =	simm.s32 $0x0;
	s2 =	stileid.u32;
	s16 =	simm.s32 $0x3  }
0x7: {  	s17 =	simm.s32 $0x480;
	s18 =	simm.s32 $0x8480;
	s19 =	simm.s32 $0x0  }
0x8: {  	s7 =	sand.u32 $0x1, s4;
	[smem:$0x7FF] =	sst s3;
	s9 =	smul.u32 $0x41000, s2  }
0x9: {  	s8 =	sshll.u32 s2, $0x9;
	s12 =	smul.u32 $0x208, s2;
	s4 =	sshll.u32 s7, $0xD  }
0xa: {  	_ =	strace $0x80000047;
	s7 =	ssub.s32 $0x2, s7;
	s8 =	sor.u32 s8, s4  }
0xb: {  	s4 =	sadd.s32 $0xE00, s5;
	s30 =	sshrl.u32 s7, $0x1;
	s9 =	sshrl.u32 s9, $0x2  }
0xc: {  	v3 =	vimm.s32 $0x100;
	s11 =	sshrl.u32 s8, $0x3;
	s15 =	ssub.s32 s7, s30;
	s31 =	sshll.u32 s8, $0x4  }
0xd: {  	s11 =	sadd.s32 s11, s5;
	s5 =	sadd.s32 s9, s6;
	s10 =	sadd.s32 s10, s31  }
0xe: {  	s15 =	smax.u32 s15, $0x1;
	s6 =	sadd.s32 $0x400, s11;
	s7 =	sadd.s32 $0x4000, s5  }
0xf: {  	v1 =	vimm.f32 $0.0e+00;
	v2 =	vlaneseq.u32;
	v4 =	vimm.s32 $0x101;
	s8 =	sadd.s32 $0x8000, s5;
	s9 =	sadd.s32 $0xC000, s5;
	s11 =	sadd.s32 $0x10000, s5  }
0x10: {  	v5 =	vimm.s32 $0x201;
	v6 =	vimm.s32 $0x181;
	v0 =	vmov s12;
	s12 =	sadd.s32 $0x800, s10;
	s13 =	sadd.s32 $0x1000, s10;
	s14 =	sadd.s32 $0x1800, s10  }
.LBB2_1:
0x11: {  	[tilespmem:s3], [sflag:$0x3] =	stream.linear.gather [hbm4b:s6+s3], $0x210, $0x38;
	[tilespmem:$0x18A80] =	vst v63  }
0x12: {  	_ =	swait.ge [sflag:s16], $0x210  }
0x13: {  	[sflag:s16] =	ssyncset.done $0x0  }
0x14: {  	s20 =	simm.s32 $0x0;
	s21 =	simm.s32 $0x200;
	[sflag:s16] =	ssyncadd.s32 $0xFFFFFDF0  }
.LBB2_2:
0x15: {  	p0 =	sne.s32 s21, $0xFE00;
	[tilespmem:s20+$0x4F0] =	vst v1  }
0x16: {  	[tilespmem:s20+$0x480] =	vst v1  }
0x17: {  	[tilespmem:s20+$0x490] =	vst v1  }
.Ltmp0:
0x18: {  	[tilespmem:s20+$0x4A0] =	vst v1;
	(pc) =	sbr.rel @p0 .LBB2_2-.Ltmp0, $4  }
0x19: {  	[tilespmem:s20+$0x4B0] =	vst v1  }
0x1a: {  	[tilespmem:s20+$0x4C0] =	vst v1  }
0x1b: {  	[tilespmem:s20+$0x4D0] =	vst v1  }
0x1c: {  	[tilespmem:s20+$0x4E0] =	vst v1;
	s20 =	sshra.s32 s21, $0x2;
	s21 =	sadd.s32 $0x200, s21  }
0x1d: {  	[tilespmem:s20+$0x4F0] =	vst v1  }
0x1e: {  	[tilespmem:s20+$0x480] =	vst v1  }
0x1f: {  	[tilespmem:s20+$0x490] =	vst v1  }
0x20: {  	[tilespmem:s20+$0x4A0] =	vst v1  }
0x21: {  	[tilespmem:s20+$0x4B0] =	vst v1  }
0x22: {  	[tilespmem:s20+$0x4C0] =	vst v1  }
0x23: {  	[tilespmem:s20+$0x4D0] =	vst v1  }
0x24: {  	[tilespmem:s20+$0x4E0] =	vst v1  }
0x25: {  	[spmem:s5] =	stream.linear.scatter [tilespmem:s17], [sflag:$0x3], $0x4000, $0x38;
	[tilespmem:$0x18A80] =	vst v63  }
0x26: {  	_ =	swait.ge [sflag:s16], $0x4000  }
0x27: {  	[sflag:s16] =	ssyncset.done $0x0  }
0x28: {  	[sflag:s16] =	ssyncadd.s32 $0xFFFFC000  }
0x29: {  	[spmem:s7] =	stream.linear.scatter [tilespmem:s17], [sflag:$0x3], $0x4000, $0x38;
	[tilespmem:$0x18A80] =	vst v63  }
0x2a: {  	_ =	swait.ge [sflag:s16], $0x4000  }
0x2b: {  	[sflag:s16] =	ssyncset.done $0x0  }
0x2c: {  	[sflag:s16] =	ssyncadd.s32 $0xFFFFC000  }
0x2d: {  	[spmem:s8] =	stream.linear.scatter [tilespmem:s17], [sflag:$0x3], $0x4000, $0x38;
	[tilespmem:$0x18A80] =	vst v63  }
0x2e: {  	_ =	swait.ge [sflag:s16], $0x4000  }
0x2f: {  	[sflag:s16] =	ssyncset.done $0x0  }
0x30: {  	[sflag:s16] =	ssyncadd.s32 $0xFFFFC000  }
0x31: {  	[spmem:s9] =	stream.linear.scatter [tilespmem:s17], [sflag:$0x3], $0x4000, $0x38;
	[tilespmem:$0x18A80] =	vst v63  }
0x32: {  	_ =	swait.ge [sflag:s16], $0x4000  }
0x33: {  	[sflag:s16] =	ssyncset.done $0x0  }
0x34: {  	[sflag:s16] =	ssyncadd.s32 $0xFFFFC000  }
0x35: {  	[spmem:s11] =	stream.linear.scatter [tilespmem:s17], [sflag:$0x3], $0x400, $0x38;
	[tilespmem:$0x18A80] =	vst v63  }
0x36: {  	_ =	swait.ge [sflag:s16], $0x400  }
0x37: {  	[sflag:s16] =	ssyncset.done $0x0  }
0x38: {  	[sflag:s16] =	ssyncadd.s32 $0xFFFFFC00  }
0x39: {  	v7 =	vld [tilespmem:$0x0];
	_ =	sdelay $0x4  }
0x3a: {  	(v2sf) =	vpush v7, $0x0;
	_ =	sdelay $0x1  }
0x3b: {  	v7 =	vld [tilespmem:$0x200];
	_ =	sdelay $0x4  }
0x3c: {  	(v2sf) =	vpush v7, $0x0;
	_ =	sdelay $0x7  }
0x3d: {  	s24 =	spop (v2sf)  }
0x3e: {  	s21 =	sand.u32 $0x7, s24  }
0x3f: {  	s22 =	sshra.s32 s24, $0x1F;
	p0 =	slt.s32 s24, $0x1;
	p1 =	sne.s32 s21, $0x0  }
0x40: {  	s25 =	sshrl.u32 s22, $0x1D;
	p0 =	por !p0, !p1  }
0x41: {  	s21 =	simm.s32 $0x1;
	s20 =	sadd.s32 s25, s24;
	p0 =	por !p0, !p0  }
0x42: {  	s20 =	sshra.s32 s20, $0x3;
	s21 =	simm.s32 @!p0 $0x0  }
0x43: {  	s22 =	ssub.s32 s20, s21  }
0x44: {  	s26 =	spop (v2sf);
	s20 =	sshll.u32 s22, $0x3  }
0x45: {  	s21 =	ssub.s32 s26, s20  }
0x46: {  	s21 =	sadd.s32 $0x7F, s21  }
0x47: {  	s23 =	sand.u32 $0x7F, s21  }
0x48: {  	s24 =	sshra.s32 s21, $0x1F;
	p3 =	slt.s32 s21, $0x1;
	p4 =	sne.s32 s23, $0x0  }
0x49: {  	s28 =	sshrl.u32 s24, $0x19;
	p0 =	por !p3, !p4  }
0x4a: {  	s23 =	simm.s32 $0x1;
	s21 =	sadd.s32 s28, s21;
	p0 =	por !p0, !p0  }
0x4b: {  	s21 =	sshra.s32 s21, $0x7;
	s23 =	simm.s32 @!p0 $0x0  }
0x4c: {  	s21 =	ssub.s32 s21, s23  }
0x4d: {  	p0 =	slt.s32 s21, $0x1  }
0x4e: {  	s22 =	sand.u32 @!p0 $0x1FFFFFFF, s22  }
0x4f: {  	s23 =	simm.s32 @!p0 $0x0;
	s24 =	simm.s32 @!p0 $0x280;
	s22 =	sadd.s32 @!p0 s4, s22  }
0x50: {  	[tilespmem:s24], [sflag:$0x3] =	stream.linear.gather @!p0 [hbm4b:s22+s23], $0x80, $0x38;
	[tilespmem:$0x18A80] =	vst v63  }
0x51: {  	s29 =	sadd.s32 $0x1, s21;
	s22 =	simm.s32 @!p0 $0x3  }
0x52: {  	s30 =	sand.u32 $0x1, s29;
	_ =	swait.ge @!p0 [sflag:s22], $0x80  }
0x53: {  	p5 =	slt.s32 s21, $0x0;
	p6 =	seq.s32 s30, $0x1;
	[sflag:s22] =	ssyncset.done @!p0 $0x0  }
0x54: {  	s23 =	simm.s32 @!p0 $0x480;
	[sflag:s22] =	ssyncadd.s32 @!p0 $0xFFFFFF80;
	s22 =	simm.s32 @!p0 $0x80  }
0x55: {  	[tilespmem:s23], [sflag:$0x1] =	stream.indirect.gather @!p0 [hbm4b:s1+s22], $0x80, s24, s22, $0xb8;
	[tilespmem:$0x18A80] =	vst v63  }
0x56: {  	s31 =	sshrl.u32 s29, $0x1F;
	p0 =	por !p5, !p6  }
0x57: {  	s22 =	sadd.s32 s31, s29;
	s23 =	simm.s32 $0x1;
	p0 =	por !p0, !p0  }
0x58: {  	s22 =	sshra.s32 s22, $0x1;
	s23 =	simm.s32 @!p0 $0x0  }
0x59: {  	s22 =	ssub.s32 s22, s23  }
0x5a: {  	p0 =	slt.s32 s22, $0x1  }
.Ltmp1:
0x5b: {  	_ = 	snop;
	(pc) =	sbr.rel @p0 .LBB2_12-.Ltmp1, $1  }
0x5c: {  	_ =	sdelay $0x3  }
.Ltmp2:
0x5d: {  	(pc) =	sbr.rel .LBB2_5-.Ltmp2, $2  }
0x5e: {  	_ =	sdelay $0x2  }
0x5f: {  	s23 =	sadd.s32 $0x80, s20;
	s24 =	simm.s32 $0x0;
	s25 =	smov.u32 s20  }
.LBB2_11:
0x60: {  	s24 =	sadd.s32 $0x1, s24  }
0x61: {  	p0 =	sne.s32 s24, s22  }
.Ltmp3:
0x62: {  	_ = 	snop;
	(pc) =	sbr.rel @!p0 .LBB2_12-.Ltmp3, $2  }
0x63: {  	_ =	sdelay $0x2  }
0x64: {  	s25 =	sadd.s32 $0x100, s25;
	s23 =	sadd.s32 $0x100, s23  }
.LBB2_5:
0x65: {  	s26 =	sshll.u32 s24, $0x1  }
0x66: {  	p1 =	sge.s32 s26, s21  }
.Ltmp4:
0x67: {  	_ = 	snop;
	(pc) =	sbr.rel @p1 .LBB2_8-.Ltmp4, $3  }
0x68: {  	_ =	sdelay $0x1  }
0x69: {  	s28 =	sshllo.u32 s24, $0x1  }
0x6a: {  	p0 =	sge.s32 s28, s21  }
0x6b: {  	s29 =	simm.s32 @p0 $0x1;
	s28 =	sshll.u32 @!p0 s28, $0x7  }
0x6c: {  	_ =	swait.ge @p0 [sflag:s29], $0x4000;
	s28 =	sadd.s32 @!p0 s20, s28  }
0x6d: {  	s30 =	simm.s32 @!p0 $0x300;
	[sflag:s29] =	ssyncset.done @p0 $0x0;
	s28 =	sshrl.u32 @!p0 s28, $0x3  }
0x6e: {  	[sflag:s29] =	ssyncadd.s32 @p0 $0xFFFFC000;
	s28 =	sadd.s32 @!p0 s4, s28;
	s29 =	simm.s32 @!p0 $0x0  }
0x6f: {  	[tilespmem:s30], [sflag:$0x3] =	stream.linear.gather @!p0 [hbm4b:s28+s29], $0x80, $0x38;
	[tilespmem:$0x18A80] =	vst v63  }
0x70: {  	s28 =	simm.s32 @!p0 $0x3  }
0x71: {  	_ =	swait.ge @!p0 [sflag:s28], $0x80  }
0x72: {  	[sflag:s28] =	ssyncset.done @!p0 $0x0  }
0x73: {  	[sflag:s28] =	ssyncadd.s32 @!p0 $0xFFFFFF80;
	s28 =	simm.s32 @!p0 $0x1  }
0x74: {  	_ =	swait.ge @!p0 [sflag:s28], $0x4000  }
0x75: {  	[sflag:s28] =	ssyncset.done @!p0 $0x0  }
0x76: {  	s29 =	simm.s32 @!p0 $0x4480;
	[sflag:s28] =	ssyncadd.s32 @!p0 $0xFFFFC000;
	s28 =	simm.s32 @!p0 $0x80  }
0x77: {  	[tilespmem:s29], [sflag:$0x2] =	stream.indirect.gather @!p0 [hbm4b:s1+s28], $0x80, s30, s28, $0xb8;
	[tilespmem:$0x18A80] =	vst v63  }
0x78: {  	s28 =	simm.s32 $0x0;
	s29 =	smov.u32 s25  }
.LBB2_7:
0x79: {  	v7 =	vld.idx.msk [tilespmem:v3+s3+$0x0], $0xffff;
	_ =	sdelay $0x3  }
0x7a: {  	v8 =	vadd.s32 s29, v2  }
0x7b: {  	vm0 =	vgt.s32 v7, v8  }
0x7c: {  	v7 =	vsel vm0, $0x80, v6;
	_ =	sdelay $0x4  }
0x7d: {  	v9 =	vld.idx.msk [tilespmem:v7+s3+$0x0], $0xffff;
	_ =	sdelay $0x4  }
0x7e: {  	v10 =	vsel vm0, $0x100, v5;
	vm1 =	vgt.s32 v9, v8  }
0x7f: {  	v50 =	vsel vm0, $0x0, v4;
	v11 =	vadd.s32 $0x1, v7;
	v7 =	vsel vm1, v7, v10  }
0x80: {  	v9 =	vsel vm1, v50, v11;
	v10 =	vadd.s32 $0xFFFFFFFF, v7  }
0x81: {  	v11 =	vxor.u32 v10, v9  }
0x82: {  	v10 =	vor.u32 v10, v9;
	v11 =	vshrl.u32 v11, $0x1  }
0x83: {  	v10 =	vsub.s32 v10, v11;
	_ =	sdelay $0x4  }
0x84: {  	v11 =	vld.idx.msk [tilespmem:v10+s3+$0x0], $0xffff;
	_ =	sdelay $0x4  }
0x85: {  	v51 =	vadd.s32 $0x1, v10;
	vm8 =	vgt.s32 v11, v8  }
0x86: {  	v9 =	vsel vm8, v9, v51;
	v7 =	vsel vm8, v10, v7  }
0x87: {  	v10 =	vxor.u32 v7, v9  }
0x88: {  	v11 =	vand.u32 v7, v9;
	v10 =	vshrl.u32 v10, $0x1  }
0x89: {  	v10 =	vadd.s32 v10, v11;
	_ =	sdelay $0x4  }
0x8a: {  	v11 =	vld.idx.msk [tilespmem:v10+s3+$0x0], $0xffff;
	_ =	sdelay $0x4  }
0x8b: {  	v52 =	vadd.s32 $0x1, v10;
	vm9 =	vgt.s32 v11, v8  }
0x8c: {  	v9 =	vsel vm9, v9, v52;
	v7 =	vsel vm9, v10, v7  }
0x8d: {  	v10 =	vadd.s32 v7, v9  }
0x8e: {  	v10 =	vshrl.u32 v10, $0x1;
	_ =	sdelay $0x4  }
0x8f: {  	v53 =	vld.idx.msk [tilespmem:v10+s3+$0x0], $0xffff;
	_ =	sdelay $0x4  }
0x90: {  	v54 =	vadd.s32 $0x1, v10;
	vm10 =	vgt.s32 v53, v8  }
0x91: {  	v9 =	vsel vm10, v9, v54;
	v7 =	vsel vm10, v10, v7  }
0x92: {  	v10 =	vadd.s32 v7, v9  }
0x93: {  	v10 =	vshrl.u32 v10, $0x1;
	_ =	sdelay $0x4  }
0x94: {  	v55 =	vld.idx.msk [tilespmem:v10+s3+$0x0], $0xffff;
	_ =	sdelay $0x4  }
0x95: {  	v56 =	vadd.s32 $0x1, v10;
	vm11 =	vgt.s32 v55, v8  }
0x96: {  	v9 =	vsel vm11, v9, v56;
	v7 =	vsel vm11, v10, v7  }
0x97: {  	v10 =	vadd.s32 v7, v9  }
0x98: {  	v10 =	vshrl.u32 v10, $0x1;
	_ =	sdelay $0x4  }
0x99: {  	v57 =	vld.idx.msk [tilespmem:v10+s3+$0x0], $0xffff;
	_ =	sdelay $0x4  }
0x9a: {  	v58 =	vadd.s32 $0x1, v10;
	vm12 =	vgt.s32 v57, v8  }
0x9b: {  	v9 =	vsel vm12, v9, v58;
	v7 =	vsel vm12, v10, v7  }
0x9c: {  	v10 =	vadd.s32 v7, v9  }
0x9d: {  	v10 =	vshrl.u32 v10, $0x1;
	_ =	sdelay $0x4  }
0x9e: {  	v59 =	vld.idx.msk [tilespmem:v10+s3+$0x0], $0xffff;
	_ =	sdelay $0x4  }
0x9f: {  	v60 =	vadd.s32 $0x1, v10;
	vm13 =	vgt.s32 v59, v8  }
0xa0: {  	v9 =	vsel vm13, v9, v60;
	v7 =	vsel vm13, v10, v7  }
0xa1: {  	v10 =	vadd.s32 v7, v9  }
0xa2: {  	v10 =	vshrl.u32 v10, $0x1;
	_ =	sdelay $0x4  }
0xa3: {  	v61 =	vld.idx.msk [tilespmem:v10+s3+$0x0], $0xffff;
	_ =	sdelay $0x4  }
0xa4: {  	v62 =	vadd.s32 $0x1, v10;
	vm14 =	vgt.s32 v61, v8  }
0xa5: {  	v9 =	vsel vm14, v9, v62;
	v7 =	vsel vm14, v10, v7  }
0xa6: {  	v7 =	vadd.s32 v7, v9  }
0xa7: {  	v7 =	vand.u32 $0xFFFF, v7  }
0xa8: {  	v7 =	vshrl.u32 v7, $0x1;
	_ =	sdelay $0x4  }
0xa9: {  	v63 =	vld.idx.msk [tilespmem:v7+s3+$0x0], $0xffff;
	_ =	sdelay $0x4  }
0xaa: {  	p1 =	sne.s32 s28, $0x1C0;
	v7 =	vadd.s32 $0x1, v7;
	vm15 =	vgt.s32 v63, v8  }
.Ltmp5:
0xab: {  	v7 =	vsel vm15, v9, v7;
	(pc) =	sbr.rel @p1 .LBB2_7-.Ltmp5, $4  }
0xac: {  	vm0 =	veq.s32 v7, $0x0;
	v7 =	vadd.s32 $0xFFFFFFFF, v7  }
0xad: {  	v7 =	vsel vm0, $0x200, v7  }
0xae: {  	s30 =	sshra.s32 s28, $0x2;
	v7 =	vadd.s32 v0, v7  }
0xaf: {  	s29 =	sadd.s32 $0x10, s29;
	s28 =	sadd.s32 $0x40, s28;
	[tilespmem:s30+$0x380] =	vst v7  }
.LBB2_8:
.Ltmp6:
0xb0: {  	(pc) =	sbr.rel @p0 .LBB2_11-.Ltmp6, $1  }
0xb1: {  	_ =	sdelay $0x3  }
0xb2: {  	s26 =	sadd.s32 $0x2, s26  }
0xb3: {  	p0 =	sge.s32 s26, s21  }
0xb4: {  	s28 =	simm.s32 @p0 $0x2;
	s26 =	sshll.u32 @!p0 s26, $0x7  }
0xb5: {  	_ =	swait.ge @p0 [sflag:s28], $0x4000;
	s26 =	sadd.s32 @!p0 s20, s26  }
0xb6: {  	s29 =	simm.s32 @!p0 $0x280;
	[sflag:s28] =	ssyncset.done @p0 $0x0;
	s26 =	sshrl.u32 @!p0 s26, $0x3  }
0xb7: {  	[sflag:s28] =	ssyncadd.s32 @p0 $0xFFFFC000;
	s26 =	sadd.s32 @!p0 s4, s26;
	s28 =	simm.s32 @!p0 $0x0  }
0xb8: {  	[tilespmem:s29], [sflag:$0x3] =	stream.linear.gather @!p0 [hbm4b:s26+s28], $0x80, $0x38;
	[tilespmem:$0x18A80] =	vst v63  }
0xb9: {  	s26 =	simm.s32 @!p0 $0x3  }
0xba: {  	_ =	swait.ge @!p0 [sflag:s26], $0x80  }
0xbb: {  	[sflag:s26] =	ssyncset.done @!p0 $0x0  }
0xbc: {  	[sflag:s26] =	ssyncadd.s32 @!p0 $0xFFFFFF80;
	s26 =	simm.s32 @!p0 $0x2  }
0xbd: {  	_ =	swait.ge @!p0 [sflag:s26], $0x4000  }
0xbe: {  	[sflag:s26] =	ssyncset.done @!p0 $0x0  }
0xbf: {  	s28 =	simm.s32 @!p0 $0x480;
	[sflag:s26] =	ssyncadd.s32 @!p0 $0xFFFFC000;
	s26 =	simm.s32 @!p0 $0x80  }
0xc0: {  	[tilespmem:s28], [sflag:$0x1] =	stream.indirect.gather @!p0 [hbm4b:s1+s26], $0x80, s29, s26, $0xb8;
	[tilespmem:$0x18A80] =	vst v63  }
0xc1: {  	s26 =	simm.s32 $0x0;
	s28 =	smov.u32 s23  }
.LBB2_10:
0xc2: {  	v7 =	vld.idx.msk [tilespmem:v3+s3+$0x0], $0xffff;
	_ =	sdelay $0x3  }
0xc3: {  	v8 =	vadd.s32 s28, v2  }
0xc4: {  	vm0 =	vgt.s32 v7, v8  }
0xc5: {  	v7 =	vsel vm0, $0x80, v6;
	_ =	sdelay $0x4  }
0xc6: {  	v9 =	vld.idx.msk [tilespmem:v7+s3+$0x0], $0xffff;
	_ =	sdelay $0x4  }
0xc7: {  	v10 =	vsel vm0, $0x100, v5;
	vm1 =	vgt.s32 v9, v8  }
0xc8: {  	v50 =	vsel vm0, $0x0, v4;
	v11 =	vadd.s32 $0x1, v7;
	v7 =	vsel vm1, v7, v10  }
0xc9: {  	v9 =	vsel vm1, v50, v11;
	v10 =	vadd.s32 $0xFFFFFFFF, v7  }
0xca: {  	v11 =	vxor.u32 v10, v9  }
0xcb: {  	v10 =	vor.u32 v10, v9;
	v11 =	vshrl.u32 v11, $0x1  }
0xcc: {  	v10 =	vsub.s32 v10, v11;
	_ =	sdelay $0x4  }
0xcd: {  	v11 =	vld.idx.msk [tilespmem:v10+s3+$0x0], $0xffff;
	_ =	sdelay $0x4  }
0xce: {  	v51 =	vadd.s32 $0x1, v10;
	vm8 =	vgt.s32 v11, v8  }
0xcf: {  	v9 =	vsel vm8, v9, v51;
	v7 =	vsel vm8, v10, v7  }
0xd0: {  	v10 =	vxor.u32 v7, v9  }
0xd1: {  	v11 =	vand.u32 v7, v9;
	v10 =	vshrl.u32 v10, $0x1  }
0xd2: {  	v10 =	vadd.s32 v10, v11;
	_ =	sdelay $0x4  }
0xd3: {  	v11 =	vld.idx.msk [tilespmem:v10+s3+$0x0], $0xffff;
	_ =	sdelay $0x4  }
0xd4: {  	v52 =	vadd.s32 $0x1, v10;
	vm9 =	vgt.s32 v11, v8  }
0xd5: {  	v9 =	vsel vm9, v9, v52;
	v7 =	vsel vm9, v10, v7  }
0xd6: {  	v10 =	vadd.s32 v7, v9  }
0xd7: {  	v10 =	vshrl.u32 v10, $0x1;
	_ =	sdelay $0x4  }
0xd8: {  	v53 =	vld.idx.msk [tilespmem:v10+s3+$0x0], $0xffff;
	_ =	sdelay $0x4  }
0xd9: {  	v54 =	vadd.s32 $0x1, v10;
	vm10 =	vgt.s32 v53, v8  }
0xda: {  	v9 =	vsel vm10, v9, v54;
	v7 =	vsel vm10, v10, v7  }
0xdb: {  	v10 =	vadd.s32 v7, v9  }
0xdc: {  	v10 =	vshrl.u32 v10, $0x1;
	_ =	sdelay $0x4  }
0xdd: {  	v55 =	vld.idx.msk [tilespmem:v10+s3+$0x0], $0xffff;
	_ =	sdelay $0x4  }
0xde: {  	v56 =	vadd.s32 $0x1, v10;
	vm11 =	vgt.s32 v55, v8  }
0xdf: {  	v9 =	vsel vm11, v9, v56;
	v7 =	vsel vm11, v10, v7  }
0xe0: {  	v10 =	vadd.s32 v7, v9  }
0xe1: {  	v10 =	vshrl.u32 v10, $0x1;
	_ =	sdelay $0x4  }
0xe2: {  	v57 =	vld.idx.msk [tilespmem:v10+s3+$0x0], $0xffff;
	_ =	sdelay $0x4  }
0xe3: {  	v58 =	vadd.s32 $0x1, v10;
	vm12 =	vgt.s32 v57, v8  }
0xe4: {  	v9 =	vsel vm12, v9, v58;
	v7 =	vsel vm12, v10, v7  }
0xe5: {  	v10 =	vadd.s32 v7, v9  }
0xe6: {  	v10 =	vshrl.u32 v10, $0x1;
	_ =	sdelay $0x4  }
0xe7: {  	v59 =	vld.idx.msk [tilespmem:v10+s3+$0x0], $0xffff;
	_ =	sdelay $0x4  }
0xe8: {  	v60 =	vadd.s32 $0x1, v10;
	vm13 =	vgt.s32 v59, v8  }
0xe9: {  	v9 =	vsel vm13, v9, v60;
	v7 =	vsel vm13, v10, v7  }
0xea: {  	v10 =	vadd.s32 v7, v9  }
0xeb: {  	v10 =	vshrl.u32 v10, $0x1;
	_ =	sdelay $0x4  }
0xec: {  	v61 =	vld.idx.msk [tilespmem:v10+s3+$0x0], $0xffff;
	_ =	sdelay $0x4  }
0xed: {  	v62 =	vadd.s32 $0x1, v10;
	vm14 =	vgt.s32 v61, v8  }
0xee: {  	v9 =	vsel vm14, v9, v62;
	v7 =	vsel vm14, v10, v7  }
0xef: {  	v7 =	vadd.s32 v7, v9  }
0xf0: {  	v7 =	vand.u32 $0xFFFF, v7  }
0xf1: {  	v7 =	vshrl.u32 v7, $0x1;
	_ =	sdelay $0x4  }
0xf2: {  	v63 =	vld.idx.msk [tilespmem:v7+s3+$0x0], $0xffff;
	_ =	sdelay $0x4  }
0xf3: {  	p0 =	sne.s32 s26, $0x1C0;
	v7 =	vadd.s32 $0x1, v7;
	vm15 =	vgt.s32 v63, v8  }
.Ltmp7:
0xf4: {  	v7 =	vsel vm15, v9, v7;
	(pc) =	sbr.rel @p0 .LBB2_10-.Ltmp7, $4  }
0xf5: {  	vm0 =	veq.s32 v7, $0x0;
	v7 =	vadd.s32 $0xFFFFFFFF, v7  }
0xf6: {  	v7 =	vsel vm0, $0x200, v7  }
0xf7: {  	s29 =	sshra.s32 s26, $0x2;
	v7 =	vadd.s32 v0, v7  }
0xf8: {  	s28 =	sadd.s32 $0x10, s28;
	s26 =	sadd.s32 $0x40, s26;
	[tilespmem:s29+$0x400] =	vst v7  }
.Ltmp8:
0xf9: {  	_ = 	snop;
	(pc) =	sbr.rel .LBB2_11-.Ltmp8, $1  }
0xfa: {  	_ =	sdelay $0x3  }
.LBB2_12:
0xfb: {  	s20 =	simm.s32 $0x0  }
0xfc: {  	v7 =	vld [tilespmem:s20+$0x0]  }
0xfd: {  	v8 =	vld [tilespmem:s20+$0x1]  }
0xfe: {  	s21 =	simm.s32 $0x10  }
0xff: {  	v9 =	vld [tilespmem:s21+$0x0]  }
0x100: {  	v10 =	vld [tilespmem:s21+$0x1];
	_ =	sdelay $0x1  }
0x101: {  	v7 =	vsub.s32 v8, v7  }
0x102: {  	v7 =	vcvt.s32.f32 v7;
	_ =	sdelay $0x1  }
0x103: {  	v8 =	vsub.s32 v10, v9;
	v7 =	vmax.f32 v7, $1.000000000e+00  }
0x104: {  	v8 =	vcvt.s32.f32 v8;
	(erf) = vrcp.f32 v7  }
0x105: {  	s22 =	simm.s32 $0x20  }
0x106: {  	v9 =	vmax.f32 v8, $1.000000000e+00;
	v8 =	vld [tilespmem:s22+$0x1]  }
0x107: {  	v7 =	vld [tilespmem:s22+$0x0];
	(erf) = vrcp.f32 v9;
	_ =	sdelay $0x2  }
0x108: {  	s23 =	simm.s32 $0xC0  }
.LBB2_13:
0x109: {  	s24 =	sshra.s32 s23, $0x2;
	p0 =	sne.s32 s23, $0x7C0  }
.Ltmp9:
0x10a: {  	s23 =	sadd.s32 $0x40, s23;
	v9 =	vsub.s32 v8, v7;
	v7 =	vld [tilespmem:s24+$0x0];
	(pc) =	sbr.rel @p0 .LBB2_13-.Ltmp9, $4  }
0x10b: {  	v8 =	vld [tilespmem:s24+$0x1];
	v9 =	vcvt.s32.f32 v9;
	v10 =	vpop (erf)  }
0x10c: {  	[tilespmem:s20+$0x8480] =	vst v10;
	s20 =	smov.u32 s21;
	s21 =	smov.u32 s22;
	s22 =	smov.u32 s24  }
0x10d: {  	v9 =	vmax.f32 v9, $1.000000000e+00  }
0x10e: {  	(erf) = vrcp.f32 v9  }
0x10f: {  	_ = 	snop  }
0x110: {  	v7 =	vsub.s32 v8, v7  }
0x111: {  	v7 =	vcvt.s32.f32 v7;
	_ =	sdelay $0x1  }
0x112: {  	v7 =	vmax.f32 v7, $1.000000000e+00  }
0x113: {  	(erf) = vrcp.f32 v7;
	_ =	sdelay $0x6  }
0x114: {  	v7 =	vpop (erf)  }
0x115: {  	[tilespmem:s20+$0x8480] =	vst v7;
	v7 =	vpop (erf)  }
0x116: {  	[tilespmem:s21+$0x8480] =	vst v7;
	v7 =	vpop (erf)  }
0x117: {  	[tilespmem:s22+$0x8480] =	vst v7  }
0x118: {  	[tilespmem:s17], [sflag:$0x3] =	stream.linear.gather [spmem:s5], $0x4000, $0x38;
	[tilespmem:$0x18A80] =	vst v63  }
0x119: {  	s31 =	simm.s32 $0x0;
	_ =	swait.ge [sflag:s16], $0x4000  }
0x11a: {  	v7 =	vmov s31;
	[sflag:s16] =	ssyncset.done $0x0  }
0x11b: {  	s20 =	simm.s32 $0x4C0;
	[sflag:s16] =	ssyncadd.s32 $0xFFFFC000  }
0x11c: {  	v11 =	vld [tilespmem:s20+$0x30]  }
0x11d: {  	v14 =	vld [tilespmem:s20+$0x10]  }
0x11e: {  	v12 =	vld [tilespmem:s20+$0xFFFFFFC0]  }
0x11f: {  	v8 =	vld.idx.msk [tilespmem:v7+s18+$0x0], $0xffff  }
0x120: {  	v16 =	vld [tilespmem:s20+$0xFFFFFFE0]  }
0x121: {  	v7 =	vld [tilespmem:s20+$0xFFFFFFF0]  }
0x122: {  	v9 =	vld [tilespmem:s20+$0x20]  }
0x123: {  	v10 =	vld [tilespmem:s20+$0xFFFFFFD0]  }
0x124: {  	v15 =	vmul.f32 v11, v8;
	v11 =	vld [tilespmem:s20+$0x0]  }
0x125: {  	v13 =	vmul.f32 v12, v8  }
0x126: {  	s21 =	simm.s32 $0x1;
	s22 =	simm.s32 $0x4C0;
	v12 =	vmul.f32 v16, v8;
	v14 =	vmul.f32 v14, v8  }
.LBB2_15:
0x127: {  	p0 =	sne.s32 s21, $0x7F  }
0x128: {  	v10 =	vmul.f32 v10, v8;
	v9 =	vmul.f32 v9, v8;
	[tilespmem:s20+$0x30] =	vst v15;
	s22 =	sadd.s32 $0x80, s22;
	s23 =	smov.u32 s21;
	s21 =	sadd.s32 $0x1, s21  }
0x129: {  	[tilespmem:s20+$0xFFFFFFC0] =	vst v13;
	v13 =	vmul.f32 v7, v8;
	v8 =	vmul.f32 v11, v8  }
0x12a: {  	[tilespmem:s20+$0x10] =	vst v14  }
0x12b: {  	v11 =	vmov s23;
	[tilespmem:s20+$0xFFFFFFE0] =	vst v12  }
0x12c: {  	v7 =	vld [tilespmem:s22+$0xFFFFFFF0];
	[tilespmem:s20+$0xFFFFFFF0] =	vst v13  }
0x12d: {  	v12 =	vld [tilespmem:s22+$0x30];
	[tilespmem:s20+$0x0] =	vst v8  }
0x12e: {  	v14 =	vld [tilespmem:s22+$0x10];
	[tilespmem:s20+$0x20] =	vst v9  }
0x12f: {  	v13 =	vld [tilespmem:s22+$0xFFFFFFC0];
	[tilespmem:s20+$0xFFFFFFD0] =	vst v10;
	s20 =	smov.u32 s22  }
0x130: {  	v8 =	vld.idx.msk [tilespmem:v11+s18+$0x0], $0xffff  }
0x131: {  	v16 =	vld [tilespmem:s22+$0xFFFFFFE0]  }
0x132: {  	v9 =	vld [tilespmem:s22+$0x20]  }
.Ltmp10:
0x133: {  	v10 =	vld [tilespmem:s22+$0xFFFFFFD0];
	(pc) =	sbr.rel @p0 .LBB2_15-.Ltmp10, $3  }
0x134: {  	v11 =	vld [tilespmem:s22+$0x0];
	_ =	sdelay $0x1  }
0x135: {  	v13 =	vmul.f32 v13, v8;
	v15 =	vmul.f32 v12, v8  }
0x136: {  	v14 =	vmul.f32 v14, v8;
	v12 =	vmul.f32 v16, v8  }
0x137: {  	[tilespmem:s20+$0x30] =	vst v15  }
0x138: {  	[tilespmem:s20+$0xFFFFFFC0] =	vst v13  }
0x139: {  	v7 =	vmul.f32 v7, v8;
	[tilespmem:s20+$0x10] =	vst v14  }
0x13a: {  	v9 =	vmul.f32 v9, v8;
	[tilespmem:s20+$0xFFFFFFE0] =	vst v12  }
0x13b: {  	v11 =	vmul.f32 v11, v8;
	[tilespmem:s20+$0xFFFFFFF0] =	vst v7  }
0x13c: {  	v7 =	vmul.f32 v10, v8;
	[tilespmem:s20+$0x20] =	vst v9  }
0x13d: {  	[tilespmem:s20+$0x0] =	vst v11  }
0x13e: {  	[tilespmem:s20+$0xFFFFFFD0] =	vst v7  }
0x13f: {  	[hbm4b:s10+s3] =	stream.linear.scatter [tilespmem:s17], [sflag:$0x3], $0x4000, $0x38;
	[tilespmem:$0x18A80] =	vst v63  }
0x140: {  	_ =	swait.ge [sflag:s16], $0x4000  }
0x141: {  	[sflag:s16] =	ssyncset.done $0x0  }
0x142: {  	[sflag:s16] =	ssyncadd.s32 $0xFFFFC000  }
0x143: {  	[tilespmem:s17], [sflag:$0x3] =	stream.linear.gather [spmem:s7], $0x4000, $0x38;
	[tilespmem:$0x18A80] =	vst v63  }
0x144: {  	s31 =	simm.s32 $0x80;
	_ =	swait.ge [sflag:s16], $0x4000  }
0x145: {  	v7 =	vmov s31;
	[sflag:s16] =	ssyncset.done $0x0  }
0x146: {  	s20 =	simm.s32 $0x4C0;
	[sflag:s16] =	ssyncadd.s32 $0xFFFFC000  }
0x147: {  	v11 =	vld [tilespmem:s20+$0x30]  }
0x148: {  	v14 =	vld [tilespmem:s20+$0x10]  }
0x149: {  	v12 =	vld [tilespmem:s20+$0xFFFFFFC0]  }
0x14a: {  	v8 =	vld.idx.msk [tilespmem:v7+s18+$0x0], $0xffff  }
0x14b: {  	v16 =	vld [tilespmem:s20+$0xFFFFFFE0]  }
0x14c: {  	v7 =	vld [tilespmem:s20+$0xFFFFFFF0]  }
0x14d: {  	v9 =	vld [tilespmem:s20+$0x20]  }
0x14e: {  	v10 =	vld [tilespmem:s20+$0xFFFFFFD0]  }
0x14f: {  	v15 =	vmul.f32 v11, v8;
	v11 =	vld [tilespmem:s20+$0x0]  }
0x150: {  	v13 =	vmul.f32 v12, v8  }
0x151: {  	s21 =	simm.s32 $0x81;
	s22 =	simm.s32 $0x4C0;
	v12 =	vmul.f32 v16, v8;
	v14 =	vmul.f32 v14, v8  }
.LBB2_17:
0x152: {  	p0 =	sne.s32 s21, $0xFF  }
0x153: {  	v10 =	vmul.f32 v10, v8;
	v9 =	vmul.f32 v9, v8;
	[tilespmem:s20+$0x30] =	vst v15;
	s22 =	sadd.s32 $0x80, s22;
	s23 =	smov.u32 s21;
	s21 =	sadd.s32 $0x1, s21  }
0x154: {  	[tilespmem:s20+$0xFFFFFFC0] =	vst v13;
	v13 =	vmul.f32 v7, v8;
	v8 =	vmul.f32 v11, v8  }
0x155: {  	[tilespmem:s20+$0x10] =	vst v14  }
0x156: {  	v11 =	vmov s23;
	[tilespmem:s20+$0xFFFFFFE0] =	vst v12  }
0x157: {  	v7 =	vld [tilespmem:s22+$0xFFFFFFF0];
	[tilespmem:s20+$0xFFFFFFF0] =	vst v13  }
0x158: {  	v12 =	vld [tilespmem:s22+$0x30];
	[tilespmem:s20+$0x0] =	vst v8  }
0x159: {  	v14 =	vld [tilespmem:s22+$0x10];
	[tilespmem:s20+$0x20] =	vst v9  }
0x15a: {  	v13 =	vld [tilespmem:s22+$0xFFFFFFC0];
	[tilespmem:s20+$0xFFFFFFD0] =	vst v10;
	s20 =	smov.u32 s22  }
0x15b: {  	v8 =	vld.idx.msk [tilespmem:v11+s18+$0x0], $0xffff  }
0x15c: {  	v16 =	vld [tilespmem:s22+$0xFFFFFFE0]  }
0x15d: {  	v9 =	vld [tilespmem:s22+$0x20]  }
.Ltmp11:
0x15e: {  	v10 =	vld [tilespmem:s22+$0xFFFFFFD0];
	(pc) =	sbr.rel @p0 .LBB2_17-.Ltmp11, $3  }
0x15f: {  	v11 =	vld [tilespmem:s22+$0x0];
	_ =	sdelay $0x1  }
0x160: {  	v13 =	vmul.f32 v13, v8;
	v15 =	vmul.f32 v12, v8  }
0x161: {  	v14 =	vmul.f32 v14, v8;
	v12 =	vmul.f32 v16, v8  }
0x162: {  	[tilespmem:s20+$0x30] =	vst v15  }
0x163: {  	[tilespmem:s20+$0xFFFFFFC0] =	vst v13  }
0x164: {  	v7 =	vmul.f32 v7, v8;
	[tilespmem:s20+$0x10] =	vst v14  }
0x165: {  	v9 =	vmul.f32 v9, v8;
	[tilespmem:s20+$0xFFFFFFE0] =	vst v12  }
0x166: {  	v11 =	vmul.f32 v11, v8;
	[tilespmem:s20+$0xFFFFFFF0] =	vst v7  }
0x167: {  	v7 =	vmul.f32 v10, v8;
	[tilespmem:s20+$0x20] =	vst v9  }
0x168: {  	[tilespmem:s20+$0x0] =	vst v11  }
0x169: {  	[tilespmem:s20+$0xFFFFFFD0] =	vst v7  }
0x16a: {  	[hbm4b:s12+s3] =	stream.linear.scatter [tilespmem:s17], [sflag:$0x3], $0x4000, $0x38;
	[tilespmem:$0x18A80] =	vst v63  }
0x16b: {  	_ =	swait.ge [sflag:s16], $0x4000  }
0x16c: {  	[sflag:s16] =	ssyncset.done $0x0  }
0x16d: {  	[sflag:s16] =	ssyncadd.s32 $0xFFFFC000  }
0x16e: {  	[tilespmem:s17], [sflag:$0x3] =	stream.linear.gather [spmem:s8], $0x4000, $0x38;
	[tilespmem:$0x18A80] =	vst v63  }
0x16f: {  	s31 =	simm.s32 $0x100;
	_ =	swait.ge [sflag:s16], $0x4000  }
0x170: {  	v7 =	vmov s31;
	[sflag:s16] =	ssyncset.done $0x0  }
0x171: {  	s20 =	simm.s32 $0x4C0;
	[sflag:s16] =	ssyncadd.s32 $0xFFFFC000  }
0x172: {  	v11 =	vld [tilespmem:s20+$0x30]  }
0x173: {  	v14 =	vld [tilespmem:s20+$0x10]  }
0x174: {  	v12 =	vld [tilespmem:s20+$0xFFFFFFC0]  }
0x175: {  	v8 =	vld.idx.msk [tilespmem:v7+s18+$0x0], $0xffff  }
0x176: {  	v16 =	vld [tilespmem:s20+$0xFFFFFFE0]  }
0x177: {  	v7 =	vld [tilespmem:s20+$0xFFFFFFF0]  }
0x178: {  	v9 =	vld [tilespmem:s20+$0x20]  }
0x179: {  	v10 =	vld [tilespmem:s20+$0xFFFFFFD0]  }
0x17a: {  	v15 =	vmul.f32 v11, v8;
	v11 =	vld [tilespmem:s20+$0x0]  }
0x17b: {  	v13 =	vmul.f32 v12, v8  }
0x17c: {  	s21 =	simm.s32 $0x101;
	s22 =	simm.s32 $0x4C0;
	v12 =	vmul.f32 v16, v8;
	v14 =	vmul.f32 v14, v8  }
.LBB2_19:
0x17d: {  	p0 =	sne.s32 s21, $0x17F  }
0x17e: {  	v10 =	vmul.f32 v10, v8;
	v9 =	vmul.f32 v9, v8;
	[tilespmem:s20+$0x30] =	vst v15;
	s22 =	sadd.s32 $0x80, s22;
	s23 =	smov.u32 s21;
	s21 =	sadd.s32 $0x1, s21  }
0x17f: {  	[tilespmem:s20+$0xFFFFFFC0] =	vst v13;
	v13 =	vmul.f32 v7, v8;
	v8 =	vmul.f32 v11, v8  }
0x180: {  	[tilespmem:s20+$0x10] =	vst v14  }
0x181: {  	v11 =	vmov s23;
	[tilespmem:s20+$0xFFFFFFE0] =	vst v12  }
0x182: {  	v7 =	vld [tilespmem:s22+$0xFFFFFFF0];
	[tilespmem:s20+$0xFFFFFFF0] =	vst v13  }
0x183: {  	v12 =	vld [tilespmem:s22+$0x30];
	[tilespmem:s20+$0x0] =	vst v8  }
0x184: {  	v14 =	vld [tilespmem:s22+$0x10];
	[tilespmem:s20+$0x20] =	vst v9  }
0x185: {  	v13 =	vld [tilespmem:s22+$0xFFFFFFC0];
	[tilespmem:s20+$0xFFFFFFD0] =	vst v10;
	s20 =	smov.u32 s22  }
0x186: {  	v8 =	vld.idx.msk [tilespmem:v11+s18+$0x0], $0xffff  }
0x187: {  	v16 =	vld [tilespmem:s22+$0xFFFFFFE0]  }
0x188: {  	v9 =	vld [tilespmem:s22+$0x20]  }
.Ltmp12:
0x189: {  	v10 =	vld [tilespmem:s22+$0xFFFFFFD0];
	(pc) =	sbr.rel @p0 .LBB2_19-.Ltmp12, $3  }
0x18a: {  	v11 =	vld [tilespmem:s22+$0x0];
	_ =	sdelay $0x1  }
0x18b: {  	v13 =	vmul.f32 v13, v8;
	v15 =	vmul.f32 v12, v8  }
0x18c: {  	v14 =	vmul.f32 v14, v8;
	v12 =	vmul.f32 v16, v8  }
0x18d: {  	[tilespmem:s20+$0x30] =	vst v15  }
0x18e: {  	[tilespmem:s20+$0xFFFFFFC0] =	vst v13  }
0x18f: {  	v7 =	vmul.f32 v7, v8;
	[tilespmem:s20+$0x10] =	vst v14  }
0x190: {  	v9 =	vmul.f32 v9, v8;
	[tilespmem:s20+$0xFFFFFFE0] =	vst v12  }
0x191: {  	v11 =	vmul.f32 v11, v8;
	[tilespmem:s20+$0xFFFFFFF0] =	vst v7  }
0x192: {  	v7 =	vmul.f32 v10, v8;
	[tilespmem:s20+$0x20] =	vst v9  }
0x193: {  	[tilespmem:s20+$0x0] =	vst v11  }
0x194: {  	[tilespmem:s20+$0xFFFFFFD0] =	vst v7  }
0x195: {  	[hbm4b:s13+s3] =	stream.linear.scatter [tilespmem:s17], [sflag:$0x3], $0x4000, $0x38;
	[tilespmem:$0x18A80] =	vst v63  }
0x196: {  	_ =	swait.ge [sflag:s16], $0x4000  }
0x197: {  	[sflag:s16] =	ssyncset.done $0x0  }
0x198: {  	[sflag:s16] =	ssyncadd.s32 $0xFFFFC000  }
0x199: {  	[tilespmem:s17], [sflag:$0x3] =	stream.linear.gather [spmem:s9], $0x4000, $0x38;
	[tilespmem:$0x18A80] =	vst v63  }
0x19a: {  	s31 =	simm.s32 $0x180;
	_ =	swait.ge [sflag:s16], $0x4000  }
0x19b: {  	v7 =	vmov s31;
	[sflag:s16] =	ssyncset.done $0x0  }
0x19c: {  	s20 =	simm.s32 $0x4C0;
	[sflag:s16] =	ssyncadd.s32 $0xFFFFC000  }
0x19d: {  	v11 =	vld [tilespmem:s20+$0x30]  }
0x19e: {  	v14 =	vld [tilespmem:s20+$0x10]  }
0x19f: {  	v12 =	vld [tilespmem:s20+$0xFFFFFFC0]  }
0x1a0: {  	v8 =	vld.idx.msk [tilespmem:v7+s18+$0x0], $0xffff  }
0x1a1: {  	v16 =	vld [tilespmem:s20+$0xFFFFFFE0]  }
0x1a2: {  	v7 =	vld [tilespmem:s20+$0xFFFFFFF0]  }
0x1a3: {  	v9 =	vld [tilespmem:s20+$0x20]  }
0x1a4: {  	v10 =	vld [tilespmem:s20+$0xFFFFFFD0]  }
0x1a5: {  	v15 =	vmul.f32 v11, v8;
	v11 =	vld [tilespmem:s20+$0x0]  }
0x1a6: {  	v13 =	vmul.f32 v12, v8  }
0x1a7: {  	s21 =	simm.s32 $0x181;
	s22 =	simm.s32 $0x4C0;
	v12 =	vmul.f32 v16, v8;
	v14 =	vmul.f32 v14, v8  }
.LBB2_21:
0x1a8: {  	p0 =	sne.s32 s21, $0x1FF  }
0x1a9: {  	v10 =	vmul.f32 v10, v8;
	v9 =	vmul.f32 v9, v8;
	[tilespmem:s20+$0x30] =	vst v15;
	s22 =	sadd.s32 $0x80, s22;
	s23 =	smov.u32 s21;
	s21 =	sadd.s32 $0x1, s21  }
0x1aa: {  	[tilespmem:s20+$0xFFFFFFC0] =	vst v13;
	v13 =	vmul.f32 v7, v8;
	v8 =	vmul.f32 v11, v8  }
0x1ab: {  	[tilespmem:s20+$0x10] =	vst v14  }
0x1ac: {  	v11 =	vmov s23;
	[tilespmem:s20+$0xFFFFFFE0] =	vst v12  }
0x1ad: {  	v7 =	vld [tilespmem:s22+$0xFFFFFFF0];
	[tilespmem:s20+$0xFFFFFFF0] =	vst v13  }
0x1ae: {  	v12 =	vld [tilespmem:s22+$0x30];
	[tilespmem:s20+$0x0] =	vst v8  }
0x1af: {  	v14 =	vld [tilespmem:s22+$0x10];
	[tilespmem:s20+$0x20] =	vst v9  }
0x1b0: {  	v13 =	vld [tilespmem:s22+$0xFFFFFFC0];
	[tilespmem:s20+$0xFFFFFFD0] =	vst v10;
	s20 =	smov.u32 s22  }
0x1b1: {  	v8 =	vld.idx.msk [tilespmem:v11+s18+$0x0], $0xffff  }
0x1b2: {  	v16 =	vld [tilespmem:s22+$0xFFFFFFE0]  }
0x1b3: {  	v9 =	vld [tilespmem:s22+$0x20]  }
.Ltmp13:
0x1b4: {  	v10 =	vld [tilespmem:s22+$0xFFFFFFD0];
	(pc) =	sbr.rel @p0 .LBB2_21-.Ltmp13, $3  }
0x1b5: {  	v11 =	vld [tilespmem:s22+$0x0];
	_ =	sdelay $0x1  }
0x1b6: {  	v13 =	vmul.f32 v13, v8;
	v15 =	vmul.f32 v12, v8  }
0x1b7: {  	v14 =	vmul.f32 v14, v8;
	v12 =	vmul.f32 v16, v8  }
0x1b8: {  	[tilespmem:s20+$0x30] =	vst v15  }
0x1b9: {  	[tilespmem:s20+$0xFFFFFFC0] =	vst v13  }
0x1ba: {  	v7 =	vmul.f32 v7, v8;
	[tilespmem:s20+$0x10] =	vst v14  }
0x1bb: {  	v9 =	vmul.f32 v9, v8;
	[tilespmem:s20+$0xFFFFFFE0] =	vst v12  }
0x1bc: {  	v11 =	vmul.f32 v11, v8;
	[tilespmem:s20+$0xFFFFFFF0] =	vst v7  }
0x1bd: {  	s19 =	sadd.s32 $0x1, s19;
	v7 =	vmul.f32 v10, v8;
	[tilespmem:s20+$0x20] =	vst v9  }
0x1be: {  	p0 =	sne.s32 s19, s15;
	[tilespmem:s20+$0x0] =	vst v11  }
.Ltmp14:
0x1bf: {  	[tilespmem:s20+$0xFFFFFFD0] =	vst v7;
	(pc) =	sbr.rel @p0 .LBB2_1-.Ltmp14, $4  }
0x1c0: {  	[hbm4b:s14+s3] =	stream.linear.scatter [tilespmem:s17], [sflag:$0x3], $0x4000, $0x38;
	[tilespmem:$0x18A80] =	vst v63  }
0x1c1: {  	_ =	swait.ge [sflag:s16], $0x4000  }
0x1c2: {  	[sflag:s16] =	ssyncset.done $0x0  }
0x1c3: {  	[sflag:s16] =	ssyncadd.s32 $0xFFFFC000  }
0x1c4: {  	_ =	sfence.sel $0x180000  }
0x1c5: {  	[bflag:$0x0] =	sbarrier.arrive $0xFFFF  }
0x1c6: {  	p0 =	sne.s32 s2, $0x0;
	_ =	strace $0x90000047  }
0x1c7: {  	s0 =	sadd.s32 @!p0 $0x100000, s0;
	[bflag:$0x2] =	sbarrier.arrive $0xFFFF  }
0x1c8: {  	[sflag:s0] =	ssyncadd.tile.s32 @!p0 $0x1;
	_ =	shalt  }
.Lfunc_end2:
_tile_overlayer_lowered:
.L_overlay_start_2:
0x1c9: {  	(tag) =	ssettag $0x2  }
0x1ca: {  	s0 =	rddreg [dreg:$0x0];
	s2 =	stileid.u32  }
0x1cb: {  	s1 =	rddreg [dreg:$0x1];
	p0 =	sne.s32 s2, $0x0  }
0x1cc: {  	s3 =	rddreg [dreg:$0x2];
	[bflag:$0x3] =	sbarrier.arrive $0xFFFF;
	s2 =	simm.s32 @!p0 $0x1C03  }
0x1cd: {  	[timem:s3], [sflag:s2] =	dma.local @!p0 [hbm:s0], s1  }
0x1ce: {  	s0 =	simm.s32 @!p0 $0x3  }
0x1cf: {  	_ =	swait.ge @!p0 [sflag:s0], s1  }
0x1d0: {  	s1 =	ssub.s32 @!p0 $0x0, s1;
	[sflag:s0] =	ssyncset.done @!p0 $0x0  }
0x1d1: {  	[sflag:s0] =	ssyncadd.s32 @!p0 s1  }
0x1d2: {  	[bflag:$0x3] =	sbarrier.arrive $0xFFFF  }
0x1d3: {  	_ =	shalt  }

</sc_bundles>
